<compile_context>
chip_gen: v7x
topology: tpu7x:2x2x1
jax: 0.10.2.dev20260603
libtpu: 0.0.44.dev20260713+nightly
codegen_flags: <defaults>
</compile_context>

<pallas_src>
import functools

import jax
import jax.numpy as jnp
from jax import lax
from jax.experimental import pallas as pl
from jax.experimental.pallas import tpu as pltpu
from jax.experimental.pallas import tpu_sc as plsc

_B = 64
_BS = 8
_NC, _NS, _L = 2, 16, 16
_NW = _NC * _NS
_NSLAB = 64 * 4
_SPW = 6
_TC_S0 = (_NW * _SPW) // 4
_TC_SS = (_B - _TC_S0) // 8



def _tc_focal_body(p_ref, g_ref, os_ref, gs_ref, gp_ref, gm_ref,
                   out_ref, acc_ref):
    i = pl.program_id(0)

    @pl.when(i == 0)
    def _init():
        acc_ref[0] = 0.0
        acc_ref[1] = 0.0
        acc_ref[2] = 0.0

    p = jnp.clip(p_ref[0], 1e-4, 1.0 - 1e-4)
    g = g_ref[0]
    log1mp = jnp.log(1.0 - p)
    omg = 1.0 - g
    omg2 = omg * omg
    acc_ref[0] += -jnp.sum(omg2 * omg2 * p * p * log1mp)

    d = os_ref[0] - gs_ref[0]
    ad = jnp.abs(d)
    elt = jnp.where(ad < 1.0, 0.5 * d * d, ad - 0.5)
    acc_ref[1] += jnp.sum(jnp.where(gp_ref[0] > 0.0, elt, 0.0))
    acc_ref[2] += jnp.sum(gm_ref[0])

    @pl.when(i == pl.num_programs(0) - 1)
    def _fin():
        out_ref[0] = acc_ref[0]
        out_ref[1] = acc_ref[1]
        out_ref[2] = acc_ref[2]


def _tc_focal(pred, gt):
    spec = pl.BlockSpec((1, _BS, 4, 96, 96), lambda i: (0, i, 0, 0, 0))

    def sized(a):
        return pl.BlockSpec(
            (1, _TC_SS, 4, 96, 96),
            lambda i, a=a: (a, _TC_S0 // _TC_SS + i, 0, 0, 0),
        )

    return pl.pallas_call(
        _tc_focal_body,
        grid=(_B // _BS,),
        in_specs=[spec, spec, sized(1), sized(1), sized(2), sized(3)],
        out_specs=pl.BlockSpec(memory_space=pltpu.SMEM),
        out_shape=jax.ShapeDtypeStruct((3,), jnp.float32),
        scratch_shapes=[pltpu.SMEM((3,), jnp.float32)],
    )(pred, gt, pred, gt, gt, gt)



def _sc_body(pred_hbm, gt_hbm, out_hbm,
             ob0, sb0, qb0, mb0,
             ob1, sb1, qb1, mb1,
             rb, sem0, sem1):
    wid = lax.axis_index("s") * _NC + lax.axis_index("c")
    bufs = ((ob0, sb0, qb0, mb0), (ob1, sb1, qb1, mb1))
    sems = (sem0, sem1)

    def issue(k):
        slab = wid * _SPW + k
        srcs = (
            pred_hbm.at[_NSLAB + slab],
            gt_hbm.at[_NSLAB + slab],
            gt_hbm.at[2 * _NSLAB + slab],
            gt_hbm.at[3 * _NSLAB + slab],
        )
        return [pltpu.async_copy(s, b, sems[k % 2]) for s, b in zip(srcs, bufs[k % 2])]

    pending = issue(0)
    zero = jnp.zeros((_L,), jnp.float32)
    acc = (zero, zero)
    for k in range(_SPW):
        nxt = issue(k + 1) if k + 1 < _SPW else []
        for cp in pending:
            cp.wait()
        pending = nxt
        ob, sb, qb, mb = bufs[k % 2]

        @plsc.parallel_loop(0, 96, unroll=4, carry=acc)
        def slab_acc(r, a):
            x, on = a
            for j in range(6):
                sl = (r, pl.ds(j * _L, _L))
                d = ob[sl] - sb[sl]
                ad = jnp.abs(d)
                elt = jnp.where(ad < 1.0, 0.5 * d * d, ad - 0.5)
                x = x + jnp.where(qb[sl] > 0.0, elt, 0.0)
                on = on + mb[sl]
            return (x, on)

        acc = slab_acc

    rb[0, :] = acc[0]
    rb[1, :] = acc[1]
    pltpu.sync_copy(rb, out_hbm.at[wid])


def _sc_call(*args):
    return functools.partial(
        pl.kernel,
        out_type=jax.ShapeDtypeStruct((_NW, 2, _L), jnp.float32),
        mesh=plsc.VectorSubcoreMesh(
            core_axis_name="c", subcore_axis_name="s",
            num_cores=_NC, num_subcores=_NS,
        ),
        scratch_types=[pltpu.VMEM((96, 96), jnp.float32)] * 8
        + [pltpu.VMEM((2, _L), jnp.float32),
           pltpu.SemaphoreType.DMA, pltpu.SemaphoreType.DMA],
        compiler_params=pltpu.CompilerParams(use_tc_tiling_on_sc=True),
    )(_sc_body)(*args)



def _combine_body(f_ref, a_ref, o_ref):
    a = a_ref[...]
    x = f_ref[1] + jnp.sum(a[:, 0, :])
    on = f_ref[2] + jnp.sum(a[:, 1, :])
    o_ref[0] = (f_ref[0] + 0.1 * x / (on + 1e-4)) / _B


def kernel(pred, gt):
    pred3 = pred.reshape(2 * _NSLAB, 96, 96)
    gt3 = gt.reshape(4 * _NSLAB, 96, 96)

    size_partials = _sc_call(pred3, gt3)
    focal = _tc_focal(pred, gt)

    return pl.pallas_call(
        _combine_body,
        in_specs=[
            pl.BlockSpec(memory_space=pltpu.SMEM),
            pl.BlockSpec(memory_space=pltpu.VMEM),
        ],
        out_specs=pl.BlockSpec(memory_space=pltpu.SMEM),
        out_shape=jax.ShapeDtypeStruct((1,), jnp.float32),
    )(focal, size_partials)

# --- scband reference (transcript-rebuilt; emitter-appended) ---
"""Pipeline reference for scband-loss-61065845015203 (READ-ONLY COPY).

The authoritative reference and input builder live on the scoring server;
editing this copy changes nothing except your own understanding.
"""

import jax, jax.numpy as jnp
import numpy as np


def setup_inputs(seed: int = 0) -> dict:
    key = jax.random.key(seed)
    k1, k2 = jax.random.split(key)
    pred = jax.random.uniform(k1, (2, 64, 4, 96, 96), dtype=jnp.float32)
    gt = jax.random.uniform(k2, (4, 64, 4, 96, 96), dtype=jnp.float32)
    return {"pred": pred, "gt": gt}


def _smooth_l1_sum_masked(x, y, mask):
    d = x - y
    ad = jnp.abs(d)
    elt = jnp.where(ad < 1.0, 0.5 * d * d, ad - 0.5)
    return jnp.sum(jnp.where(mask, elt, 0.0))


def reference(pred, gt):
    center_weight = 1.0
    size_weight = 0.1
    residual = 1e-4
    alpha, beta = 2, 4

    center_heats = jnp.clip(pred[0], 1e-4, 1.0 - 1e-4)
    obj_size = pred[1]
    gt_center_heats = gt[0]
    gt_obj_size = gt[1]
    gt_pos = gt[2]
    gt_obj_mask = gt[3]

    batch = gt_center_heats.shape[0]

    # refined focal loss (per-sample loop, faithful to torch code)
    focal_loss = jnp.float32(0.0)
    for i in range(batch):
        p = center_heats[i]
        g = gt_center_heats[i]
        pos_mask = g == 1.0
        neg_mask = g < 1.0
        pos_loss = jnp.sum(jnp.where(pos_mask, jnp.power(1.0 - p, alpha) * jnp.log(p), 0.0))
        neg_loss = jnp.sum(jnp.where(neg_mask, jnp.power(1.0 - g, beta) * jnp.power(p, alpha) * jnp.log(1.0 - p), 0.0))
        num_pos = jnp.sum(pos_mask.astype(jnp.float32))
        safe_num_pos = jnp.maximum(num_pos, 1.0)
        focal_loss = focal_loss + jnp.where(
            num_pos == 0.0,
            -neg_loss,
            -(pos_loss + neg_loss) / safe_num_pos,
        )
    focal_loss = center_weight * focal_loss

    # regression loss on object sizes
    pos_inds = gt_pos > 0.0  # already [B,4,96,96], expand is identity
    obj_num = jnp.sum(gt_obj_mask)
    x_loss = _smooth_l1_sum_masked(obj_size, gt_obj_size, pos_inds)
    size_loss = size_weight * (x_loss / (obj_num + residual))

    loss = (focal_loss + size_loss) / batch
    return jnp.reshape(loss, (1,))

if __name__ == "__main__":
    import jax
    _d = setup_inputs()
    print(jax.jit(kernel)(*tuple(_d.values())))

</pallas_src>

<mosaic_0001>
#map = affine_map<(d0, d1) -> (0, 0, 0)>
module attributes {stable_mosaic.version = 14 : i64} {
  func.func @_sc_body(%arg0: i32, %arg1: i32, %arg2: memref<512x96x96xf32, #tpu.memory_space<hbm>>, %arg3: memref<1024x96x96xf32, #tpu.memory_space<hbm>>, %arg4: memref<32x2x16xf32, #tpu.memory_space<hbm>>, %arg5: memref<96x96xf32, #tpu.memory_space<vmem>>, %arg6: memref<96x96xf32, #tpu.memory_space<vmem>>, %arg7: memref<96x96xf32, #tpu.memory_space<vmem>>, %arg8: memref<96x96xf32, #tpu.memory_space<vmem>>, %arg9: memref<96x96xf32, #tpu.memory_space<vmem>>, %arg10: memref<96x96xf32, #tpu.memory_space<vmem>>, %arg11: memref<96x96xf32, #tpu.memory_space<vmem>>, %arg12: memref<96x96xf32, #tpu.memory_space<vmem>>, %arg13: memref<2x16xf32, #tpu.memory_space<vmem>>, %arg14: memref<!tpu.dma_semaphore, #tpu.memory_space<semaphore_mem>>, %arg15: memref<!tpu.dma_semaphore, #tpu.memory_space<semaphore_mem>>) attributes {dimension_semantics = [#tpu.dimension_semantics<core_parallel>, #tpu.dimension_semantics<subcore_parallel>], iteration_bounds = array<i64: 2, 16>, scalar_prefetch = 0 : i64, scratch_operands = 11 : i64, tpu.core_type = #tpu.core_type<sc_vector_subcore>, window_params = [{transform_indices = #map}, {transform_indices = #map}, {transform_indices = #map}]} {
    %mul3A = arith.constant 2 : i32
    %mul3A_0 = arith.muli %arg1, %mul3A : i32
    %add3A = arith.addi %mul3A_0, %arg0 : i32
    %mul3A_1 = arith.constant 6 : i32
    %mul3A_2 = arith.muli %add3A, %mul3A_1 : i32
    %add3A_3 = arith.constant 0 : i32
    %add3A_4 = arith.addi %mul3A_2, %add3A_3 : i32
    %add3A_5 = arith.constant 256 : i32
    %add3A_6 = arith.addi %add3A_5, %add3A_4 : i32
    %add3A_7 = arith.constant 256 : i32
    %add3A_8 = arith.addi %add3A_7, %add3A_4 : i32
    %add3A_9 = arith.constant 512 : i32
    %add3A_10 = arith.addi %add3A_9, %add3A_4 : i32
    %add3A_11 = arith.constant 768 : i32
    %add3A_12 = arith.addi %add3A_11, %add3A_4 : i32
    %dma_start3A = arith.constant 0 : i32
    %dma_start3A_13 = arith.constant 0 : i32
    %dma_start3A_14 = tpu.memref_slice %arg2[%add3A_6, %dma_start3A, %dma_start3A_13] : memref<512x96x96xf32, #tpu.memory_space<hbm>> -> memref<1x96x96xf32, #tpu.memory_space<hbm>>
    %dma_start3A_15 = tpu.memref_squeeze %dma_start3A_14 : memref<1x96x96xf32, #tpu.memory_space<hbm>> -> memref<96x96xf32, #tpu.memory_space<hbm>>
    %dma_start3A_16 = arith.constant 0 : i32
    %dma_start3A_17 = arith.constant 0 : i32
    %dma_start3A_18 = tpu.memref_slice %arg2[%add3A_6, %dma_start3A_16, %dma_start3A_17] : memref<512x96x96xf32, #tpu.memory_space<hbm>> -> memref<1x96x96xf32, #tpu.memory_space<hbm>>
    %dma_start3A_19 = tpu.memref_squeeze %dma_start3A_18 : memref<1x96x96xf32, #tpu.memory_space<hbm>> -> memref<96x96xf32, #tpu.memory_space<hbm>>
    tpu.enqueue_dma source(%dma_start3A_19 : memref<96x96xf32, #tpu.memory_space<hbm>>) target(%arg5 : memref<96x96xf32, #tpu.memory_space<vmem>>) target_semaphore(%arg14 : memref<!tpu.dma_semaphore, #tpu.memory_space<semaphore_mem>>)
    %dma_start3A_20 = arith.constant 0 : i32
    %dma_start3A_21 = arith.constant 0 : i32
    %dma_start3A_22 = tpu.memref_slice %arg3[%add3A_8, %dma_start3A_20, %dma_start3A_21] : memref<1024x96x96xf32, #tpu.memory_space<hbm>> -> memref<1x96x96xf32, #tpu.memory_space<hbm>>
    %dma_start3A_23 = tpu.memref_squeeze %dma_start3A_22 : memref<1x96x96xf32, #tpu.memory_space<hbm>> -> memref<96x96xf32, #tpu.memory_space<hbm>>
    %dma_start3A_24 = arith.constant 0 : i32
    %dma_start3A_25 = arith.constant 0 : i32
    %dma_start3A_26 = tpu.memref_slice %arg3[%add3A_8, %dma_start3A_24, %dma_start3A_25] : memref<1024x96x96xf32, #tpu.memory_space<hbm>> -> memref<1x96x96xf32, #tpu.memory_space<hbm>>
    %dma_start3A_27 = tpu.memref_squeeze %dma_start3A_26 : memref<1x96x96xf32, #tpu.memory_space<hbm>> -> memref<96x96xf32, #tpu.memory_space<hbm>>
    tpu.enqueue_dma source(%dma_start3A_27 : memref<96x96xf32, #tpu.memory_space<hbm>>) target(%arg6 : memref<96x96xf32, #tpu.memory_space<vmem>>) target_semaphore(%arg14 : memref<!tpu.dma_semaphore, #tpu.memory_space<semaphore_mem>>)
    %dma_start3A_28 = arith.constant 0 : i32
    %dma_start3A_29 = arith.constant 0 : i32
    %dma_start3A_30 = tpu.memref_slice %arg3[%add3A_10, %dma_start3A_28, %dma_start3A_29] : memref<1024x96x96xf32, #tpu.memory_space<hbm>> -> memref<1x96x96xf32, #tpu.memory_space<hbm>>
    %dma_start3A_31 = tpu.memref_squeeze %dma_start3A_30 : memref<1x96x96xf32, #tpu.memory_space<hbm>> -> memref<96x96xf32, #tpu.memory_space<hbm>>
    %dma_start3A_32 = arith.constant 0 : i32
    %dma_start3A_33 = arith.constant 0 : i32
    %dma_start3A_34 = tpu.memref_slice %arg3[%add3A_10, %dma_start3A_32, %dma_start3A_33] : memref<1024x96x96xf32, #tpu.memory_space<hbm>> -> memref<1x96x96xf32, #tpu.memory_space<hbm>>
    %dma_start3A_35 = tpu.memref_squeeze %dma_start3A_34 : memref<1x96x96xf32, #tpu.memory_space<hbm>> -> memref<96x96xf32, #tpu.memory_space<hbm>>
    tpu.enqueue_dma source(%dma_start3A_35 : memref<96x96xf32, #tpu.memory_space<hbm>>) target(%arg7 : memref<96x96xf32, #tpu.memory_space<vmem>>) target_semaphore(%arg14 : memref<!tpu.dma_semaphore, #tpu.memory_space<semaphore_mem>>)
    %dma_start3A_36 = arith.constant 0 : i32
    %dma_start3A_37 = arith.constant 0 : i32
    %dma_start3A_38 = tpu.memref_slice %arg3[%add3A_12, %dma_start3A_36, %dma_start3A_37] : memref<1024x96x96xf32, #tpu.memory_space<hbm>> -> memref<1x96x96xf32, #tpu.memory_space<hbm>>
    %dma_start3A_39 = tpu.memref_squeeze %dma_start3A_38 : memref<1x96x96xf32, #tpu.memory_space<hbm>> -> memref<96x96xf32, #tpu.memory_space<hbm>>
    %dma_start3A_40 = arith.constant 0 : i32
    %dma_start3A_41 = arith.constant 0 : i32
    %dma_start3A_42 = tpu.memref_slice %arg3[%add3A_12, %dma_start3A_40, %dma_start3A_41] : memref<1024x96x96xf32, #tpu.memory_space<hbm>> -> memref<1x96x96xf32, #tpu.memory_space<hbm>>
    %dma_start3A_43 = tpu.memref_squeeze %dma_start3A_42 : memref<1x96x96xf32, #tpu.memory_space<hbm>> -> memref<96x96xf32, #tpu.memory_space<hbm>>
    tpu.enqueue_dma source(%dma_start3A_43 : memref<96x96xf32, #tpu.memory_space<hbm>>) target(%arg8 : memref<96x96xf32, #tpu.memory_space<vmem>>) target_semaphore(%arg14 : memref<!tpu.dma_semaphore, #tpu.memory_space<semaphore_mem>>)
    %broadcast_in_dim3A = arith.constant 0.000000e+00 : f32
    %broadcast_in_dim3A_44 = vector.broadcast %broadcast_in_dim3A : f32 to vector<16xf32>
    %mul3A_45 = arith.constant 6 : i32
    %mul3A_46 = arith.muli %add3A, %mul3A_45 : i32
    %add3A_47 = arith.constant 1 : i32
    %add3A_48 = arith.addi %mul3A_46, %add3A_47 : i32
    %add3A_49 = arith.constant 256 : i32
    %add3A_50 = arith.addi %add3A_49, %add3A_48 : i32
    %add3A_51 = arith.constant 256 : i32
    %add3A_52 = arith.addi %add3A_51, %add3A_48 : i32
    %add3A_53 = arith.constant 512 : i32
    %add3A_54 = arith.addi %add3A_53, %add3A_48 : i32
    %add3A_55 = arith.constant 768 : i32
    %add3A_56 = arith.addi %add3A_55, %add3A_48 : i32
    %dma_start3A_57 = arith.constant 0 : i32
    %dma_start3A_58 = arith.constant 0 : i32
    %dma_start3A_59 = tpu.memref_slice %arg2[%add3A_50, %dma_start3A_57, %dma_start3A_58] : memref<512x96x96xf32, #tpu.memory_space<hbm>> -> memref<1x96x96xf32, #tpu.memory_space<hbm>>
    %dma_start3A_60 = tpu.memref_squeeze %dma_start3A_59 : memref<1x96x96xf32, #tpu.memory_space<hbm>> -> memref<96x96xf32, #tpu.memory_space<hbm>>
    %dma_start3A_61 = arith.constant 0 : i32
    %dma_start3A_62 = arith.constant 0 : i32
    %dma_start3A_63 = tpu.memref_slice %arg2[%add3A_50, %dma_start3A_61, %dma_start3A_62] : memref<512x96x96xf32, #tpu.memory_space<hbm>> -> memref<1x96x96xf32, #tpu.memory_space<hbm>>
    %dma_start3A_64 = tpu.memref_squeeze %dma_start3A_63 : memref<1x96x96xf32, #tpu.memory_space<hbm>> -> memref<96x96xf32, #tpu.memory_space<hbm>>
    tpu.enqueue_dma source(%dma_start3A_64 : memref<96x96xf32, #tpu.memory_space<hbm>>) target(%arg9 : memref<96x96xf32, #tpu.memory_space<vmem>>) target_semaphore(%arg15 : memref<!tpu.dma_semaphore, #tpu.memory_space<semaphore_mem>>)
    %dma_start3A_65 = arith.constant 0 : i32
    %dma_start3A_66 = arith.constant 0 : i32
    %dma_start3A_67 = tpu.memref_slice %arg3[%add3A_52, %dma_start3A_65, %dma_start3A_66] : memref<1024x96x96xf32, #tpu.memory_space<hbm>> -> memref<1x96x96xf32, #tpu.memory_space<hbm>>
    %dma_start3A_68 = tpu.memref_squeeze %dma_start3A_67 : memref<1x96x96xf32, #tpu.memory_space<hbm>> -> memref<96x96xf32, #tpu.memory_space<hbm>>
    %dma_start3A_69 = arith.constant 0 : i32
    %dma_start3A_70 = arith.constant 0 : i32
    %dma_start3A_71 = tpu.memref_slice %arg3[%add3A_52, %dma_start3A_69, %dma_start3A_70] : memref<1024x96x96xf32, #tpu.memory_space<hbm>> -> memref<1x96x96xf32, #tpu.memory_space<hbm>>
    %dma_start3A_72 = tpu.memref_squeeze %dma_start3A_71 : memref<1x96x96xf32, #tpu.memory_space<hbm>> -> memref<96x96xf32, #tpu.memory_space<hbm>>
    tpu.enqueue_dma source(%dma_start3A_72 : memref<96x96xf32, #tpu.memory_space<hbm>>) target(%arg10 : memref<96x96xf32, #tpu.memory_space<vmem>>) target_semaphore(%arg15 : memref<!tpu.dma_semaphore, #tpu.memory_space<semaphore_mem>>)
    %dma_start3A_73 = arith.constant 0 : i32
    %dma_start3A_74 = arith.constant 0 : i32
    %dma_start3A_75 = tpu.memref_slice %arg3[%add3A_54, %dma_start3A_73, %dma_start3A_74] : memref<1024x96x96xf32, #tpu.memory_space<hbm>> -> memref<1x96x96xf32, #tpu.memory_space<hbm>>
    %dma_start3A_76 = tpu.memref_squeeze %dma_start3A_75 : memref<1x96x96xf32, #tpu.memory_space<hbm>> -> memref<96x96xf32, #tpu.memory_space<hbm>>
    %dma_start3A_77 = arith.constant 0 : i32
    %dma_start3A_78 = arith.constant 0 : i32
    %dma_start3A_79 = tpu.memref_slice %arg3[%add3A_54, %dma_start3A_77, %dma_start3A_78] : memref<1024x96x96xf32, #tpu.memory_space<hbm>> -> memref<1x96x96xf32, #tpu.memory_space<hbm>>
    %dma_start3A_80 = tpu.memref_squeeze %dma_start3A_79 : memref<1x96x96xf32, #tpu.memory_space<hbm>> -> memref<96x96xf32, #tpu.memory_space<hbm>>
    tpu.enqueue_dma source(%dma_start3A_80 : memref<96x96xf32, #tpu.memory_space<hbm>>) target(%arg11 : memref<96x96xf32, #tpu.memory_space<vmem>>) target_semaphore(%arg15 : memref<!tpu.dma_semaphore, #tpu.memory_space<semaphore_mem>>)
    %dma_start3A_81 = arith.constant 0 : i32
    %dma_start3A_82 = arith.constant 0 : i32
    %dma_start3A_83 = tpu.memref_slice %arg3[%add3A_56, %dma_start3A_81, %dma_start3A_82] : memref<1024x96x96xf32, #tpu.memory_space<hbm>> -> memref<1x96x96xf32, #tpu.memory_space<hbm>>
    %dma_start3A_84 = tpu.memref_squeeze %dma_start3A_83 : memref<1x96x96xf32, #tpu.memory_space<hbm>> -> memref<96x96xf32, #tpu.memory_space<hbm>>
    %dma_start3A_85 = arith.constant 0 : i32
    %dma_start3A_86 = arith.constant 0 : i32
    %dma_start3A_87 = tpu.memref_slice %arg3[%add3A_56, %dma_start3A_85, %dma_start3A_86] : memref<1024x96x96xf32, #tpu.memory_space<hbm>> -> memref<1x96x96xf32, #tpu.memory_space<hbm>>
    %dma_start3A_88 = tpu.memref_squeeze %dma_start3A_87 : memref<1x96x96xf32, #tpu.memory_space<hbm>> -> memref<96x96xf32, #tpu.memory_space<hbm>>
    tpu.enqueue_dma source(%dma_start3A_88 : memref<96x96xf32, #tpu.memory_space<hbm>>) target(%arg12 : memref<96x96xf32, #tpu.memory_space<vmem>>) target_semaphore(%arg15 : memref<!tpu.dma_semaphore, #tpu.memory_space<semaphore_mem>>)
    %dma_wait3A = arith.constant 0 : i32
    %dma_wait3A_89 = arith.constant 0 : i32
    %dma_wait3A_90 = tpu.memref_slice %arg2[%add3A_6, %dma_wait3A, %dma_wait3A_89] : memref<512x96x96xf32, #tpu.memory_space<hbm>> -> memref<1x96x96xf32, #tpu.memory_space<hbm>>
    %dma_wait3A_91 = tpu.memref_squeeze %dma_wait3A_90 : memref<1x96x96xf32, #tpu.memory_space<hbm>> -> memref<96x96xf32, #tpu.memory_space<hbm>>
    %dma_wait3A_92 = arith.constant 0 : i32
    %dma_wait3A_93 = arith.constant 0 : i32
    %dma_wait3A_94 = tpu.memref_slice %arg2[%add3A_6, %dma_wait3A_92, %dma_wait3A_93] : memref<512x96x96xf32, #tpu.memory_space<hbm>> -> memref<1x96x96xf32, #tpu.memory_space<hbm>>
    %dma_wait3A_95 = tpu.memref_squeeze %dma_wait3A_94 : memref<1x96x96xf32, #tpu.memory_space<hbm>> -> memref<96x96xf32, #tpu.memory_space<hbm>>
    tpu.wait_dma2 semaphore(%arg14 : memref<!tpu.dma_semaphore, #tpu.memory_space<semaphore_mem>>) src(%dma_wait3A_95 : memref<96x96xf32, #tpu.memory_space<hbm>>) dst(%arg5 : memref<96x96xf32, #tpu.memory_space<vmem>>)
    %dma_wait3A_96 = arith.constant 0 : i32
    %dma_wait3A_97 = arith.constant 0 : i32
    %dma_wait3A_98 = tpu.memref_slice %arg3[%add3A_8, %dma_wait3A_96, %dma_wait3A_97] : memref<1024x96x96xf32, #tpu.memory_space<hbm>> -> memref<1x96x96xf32, #tpu.memory_space<hbm>>
    %dma_wait3A_99 = tpu.memref_squeeze %dma_wait3A_98 : memref<1x96x96xf32, #tpu.memory_space<hbm>> -> memref<96x96xf32, #tpu.memory_space<hbm>>
    %dma_wait3A_100 = arith.constant 0 : i32
    %dma_wait3A_101 = arith.constant 0 : i32
    %dma_wait3A_102 = tpu.memref_slice %arg3[%add3A_8, %dma_wait3A_100, %dma_wait3A_101] : memref<1024x96x96xf32, #tpu.memory_space<hbm>> -> memref<1x96x96xf32, #tpu.memory_space<hbm>>
    %dma_wait3A_103 = tpu.memref_squeeze %dma_wait3A_102 : memref<1x96x96xf32, #tpu.memory_space<hbm>> -> memref<96x96xf32, #tpu.memory_space<hbm>>
    tpu.wait_dma2 semaphore(%arg14 : memref<!tpu.dma_semaphore, #tpu.memory_space<semaphore_mem>>) src(%dma_wait3A_103 : memref<96x96xf32, #tpu.memory_space<hbm>>) dst(%arg6 : memref<96x96xf32, #tpu.memory_space<vmem>>)
    %dma_wait3A_104 = arith.constant 0 : i32
    %dma_wait3A_105 = arith.constant 0 : i32
    %dma_wait3A_106 = tpu.memref_slice %arg3[%add3A_10, %dma_wait3A_104, %dma_wait3A_105] : memref<1024x96x96xf32, #tpu.memory_space<hbm>> -> memref<1x96x96xf32, #tpu.memory_space<hbm>>
    %dma_wait3A_107 = tpu.memref_squeeze %dma_wait3A_106 : memref<1x96x96xf32, #tpu.memory_space<hbm>> -> memref<96x96xf32, #tpu.memory_space<hbm>>
    %dma_wait3A_108 = arith.constant 0 : i32
    %dma_wait3A_109 = arith.constant 0 : i32
    %dma_wait3A_110 = tpu.memref_slice %arg3[%add3A_10, %dma_wait3A_108, %dma_wait3A_109] : memref<1024x96x96xf32, #tpu.memory_space<hbm>> -> memref<1x96x96xf32, #tpu.memory_space<hbm>>
    %dma_wait3A_111 = tpu.memref_squeeze %dma_wait3A_110 : memref<1x96x96xf32, #tpu.memory_space<hbm>> -> memref<96x96xf32, #tpu.memory_space<hbm>>
    tpu.wait_dma2 semaphore(%arg14 : memref<!tpu.dma_semaphore, #tpu.memory_space<semaphore_mem>>) src(%dma_wait3A_111 : memref<96x96xf32, #tpu.memory_space<hbm>>) dst(%arg7 : memref<96x96xf32, #tpu.memory_space<vmem>>)
    %dma_wait3A_112 = arith.constant 0 : i32
    %dma_wait3A_113 = arith.constant 0 : i32
    %dma_wait3A_114 = tpu.memref_slice %arg3[%add3A_12, %dma_wait3A_112, %dma_wait3A_113] : memref<1024x96x96xf32, #tpu.memory_space<hbm>> -> memref<1x96x96xf32, #tpu.memory_space<hbm>>
    %dma_wait3A_115 = tpu.memref_squeeze %dma_wait3A_114 : memref<1x96x96xf32, #tpu.memory_space<hbm>> -> memref<96x96xf32, #tpu.memory_space<hbm>>
    %dma_wait3A_116 = arith.constant 0 : i32
    %dma_wait3A_117 = arith.constant 0 : i32
    %dma_wait3A_118 = tpu.memref_slice %arg3[%add3A_12, %dma_wait3A_116, %dma_wait3A_117] : memref<1024x96x96xf32, #tpu.memory_space<hbm>> -> memref<1x96x96xf32, #tpu.memory_space<hbm>>
    %dma_wait3A_119 = tpu.memref_squeeze %dma_wait3A_118 : memref<1x96x96xf32, #tpu.memory_space<hbm>> -> memref<96x96xf32, #tpu.memory_space<hbm>>
    tpu.wait_dma2 semaphore(%arg14 : memref<!tpu.dma_semaphore, #tpu.memory_space<semaphore_mem>>) src(%dma_wait3A_119 : memref<96x96xf32, #tpu.memory_space<hbm>>) dst(%arg8 : memref<96x96xf32, #tpu.memory_space<vmem>>)
    %parallel_loop3A = arith.constant 0 : i32
    %parallel_loop3A_120 = arith.constant 96 : i32
    %parallel_loop3A_121 = arith.constant 1 : i32
    %parallel_loop3A_122:2 = scf.for %parallel_loop3A_490 = %parallel_loop3A to %parallel_loop3A_120 step %parallel_loop3A_121 iter_args(%parallel_loop3A_491 = %broadcast_in_dim3A_44, %parallel_loop3A_492 = %broadcast_in_dim3A_44) -> (vector<16xf32>, vector<16xf32>)  : i32 {
      %parallel_loop3A_493 = arith.index_cast %parallel_loop3A_490 : i32 to index
      %parallel_loop3A_494 = arith.constant 0 : index
      %parallel_loop3A_495 = tpu.vector_load %arg5[%parallel_loop3A_493, %parallel_loop3A_494] {strides = array<i32>} : memref<96x96xf32, #tpu.memory_space<vmem>>, vector<1x16xf32>,
      %parallel_loop3A_496 = vector.shape_cast %parallel_loop3A_495 : vector<1x16xf32> to vector<16xf32>
      %parallel_loop3A_497 = arith.index_cast %parallel_loop3A_490 : i32 to index
      %parallel_loop3A_498 = arith.constant 0 : index
      %parallel_loop3A_499 = tpu.vector_load %arg6[%parallel_loop3A_497, %parallel_loop3A_498] {strides = array<i32>} : memref<96x96xf32, #tpu.memory_space<vmem>>, vector<1x16xf32>,
      %parallel_loop3A_500 = vector.shape_cast %parallel_loop3A_499 : vector<1x16xf32> to vector<16xf32>
      %parallel_loop3A_501 = arith.subf %parallel_loop3A_496, %parallel_loop3A_500 : vector<16xf32>
      %parallel_loop3A_502 = math.absf %parallel_loop3A_501 : vector<16xf32>
      %parallel_loop3A_503 = arith.constant 1.000000e+00 : f32
      %parallel_loop3A_504 = vector.broadcast %parallel_loop3A_503 : f32 to vector<16xf32>
      %parallel_loop3A_505 = arith.cmpf olt, %parallel_loop3A_502, %parallel_loop3A_504 : vector<16xf32>
      %parallel_loop3A_506 = arith.constant 5.000000e-01 : f32
      %parallel_loop3A_507 = vector.broadcast %parallel_loop3A_506 : f32 to vector<16xf32>
      %parallel_loop3A_508 = arith.mulf %parallel_loop3A_507, %parallel_loop3A_501 : vector<16xf32>
      %parallel_loop3A_509 = arith.mulf %parallel_loop3A_508, %parallel_loop3A_501 : vector<16xf32>
      %parallel_loop3A_510 = arith.constant 5.000000e-01 : f32
      %parallel_loop3A_511 = vector.broadcast %parallel_loop3A_510 : f32 to vector<16xf32>
      %parallel_loop3A_512 = arith.subf %parallel_loop3A_502, %parallel_loop3A_511 : vector<16xf32>
      %parallel_loop3A_513 = arith.select %parallel_loop3A_505, %parallel_loop3A_509, %parallel_loop3A_512 : vector<16xi1>, vector<16xf32>
      %parallel_loop3A_514 = arith.index_cast %parallel_loop3A_490 : i32 to index
      %parallel_loop3A_515 = arith.constant 0 : index
      %parallel_loop3A_516 = tpu.vector_load %arg7[%parallel_loop3A_514, %parallel_loop3A_515] {strides = array<i32>} : memref<96x96xf32, #tpu.memory_space<vmem>>, vector<1x16xf32>,
      %parallel_loop3A_517 = vector.shape_cast %parallel_loop3A_516 : vector<1x16xf32> to vector<16xf32>
      %parallel_loop3A_518 = arith.constant 0.000000e+00 : f32
      %parallel_loop3A_519 = vector.broadcast %parallel_loop3A_518 : f32 to vector<16xf32>
      %parallel_loop3A_520 = arith.cmpf ogt, %parallel_loop3A_517, %parallel_loop3A_519 : vector<16xf32>
      %parallel_loop3A_521 = arith.constant 0.000000e+00 : f32
      %parallel_loop3A_522 = vector.broadcast %parallel_loop3A_521 : f32 to vector<16xf32>
      %parallel_loop3A_523 = arith.select %parallel_loop3A_520, %parallel_loop3A_513, %parallel_loop3A_522 : vector<16xi1>, vector<16xf32>
      %parallel_loop3A_524 = arith.addf %parallel_loop3A_491, %parallel_loop3A_523 : vector<16xf32>
      %parallel_loop3A_525 = arith.index_cast %parallel_loop3A_490 : i32 to index
      %parallel_loop3A_526 = arith.constant 0 : index
      %parallel_loop3A_527 = tpu.vector_load %arg8[%parallel_loop3A_525, %parallel_loop3A_526] {strides = array<i32>} : memref<96x96xf32, #tpu.memory_space<vmem>>, vector<1x16xf32>,
      %parallel_loop3A_528 = vector.shape_cast %parallel_loop3A_527 : vector<1x16xf32> to vector<16xf32>
      %parallel_loop3A_529 = arith.addf %parallel_loop3A_492, %parallel_loop3A_528 : vector<16xf32>
      %parallel_loop3A_530 = arith.index_cast %parallel_loop3A_490 : i32 to index
      %parallel_loop3A_531 = arith.constant 16 : index
      %parallel_loop3A_532 = tpu.vector_load %arg5[%parallel_loop3A_530, %parallel_loop3A_531] {strides = array<i32>} : memref<96x96xf32, #tpu.memory_space<vmem>>, vector<1x16xf32>,
      %parallel_loop3A_533 = vector.shape_cast %parallel_loop3A_532 : vector<1x16xf32> to vector<16xf32>
      %parallel_loop3A_534 = arith.index_cast %parallel_loop3A_490 : i32 to index
      %parallel_loop3A_535 = arith.constant 16 : index
      %parallel_loop3A_536 = tpu.vector_load %arg6[%parallel_loop3A_534, %parallel_loop3A_535] {strides = array<i32>} : memref<96x96xf32, #tpu.memory_space<vmem>>, vector<1x16xf32>,
      %parallel_loop3A_537 = vector.shape_cast %parallel_loop3A_536 : vector<1x16xf32> to vector<16xf32>
      %parallel_loop3A_538 = arith.subf %parallel_loop3A_533, %parallel_loop3A_537 : vector<16xf32>
      %parallel_loop3A_539 = math.absf %parallel_loop3A_538 : vector<16xf32>
      %parallel_loop3A_540 = arith.constant 1.000000e+00 : f32
      %parallel_loop3A_541 = vector.broadcast %parallel_loop3A_540 : f32 to vector<16xf32>
      %parallel_loop3A_542 = arith.cmpf olt, %parallel_loop3A_539, %parallel_loop3A_541 : vector<16xf32>
      %parallel_loop3A_543 = arith.constant 5.000000e-01 : f32
      %parallel_loop3A_544 = vector.broadcast %parallel_loop3A_543 : f32 to vector<16xf32>
      %parallel_loop3A_545 = arith.mulf %parallel_loop3A_544, %parallel_loop3A_538 : vector<16xf32>
      %parallel_loop3A_546 = arith.mulf %parallel_loop3A_545, %parallel_loop3A_538 : vector<16xf32>
      %parallel_loop3A_547 = arith.constant 5.000000e-01 : f32
      %parallel_loop3A_548 = vector.broadcast %parallel_loop3A_547 : f32 to vector<16xf32>
      %parallel_loop3A_549 = arith.subf %parallel_loop3A_539, %parallel_loop3A_548 : vector<16xf32>
      %parallel_loop3A_550 = arith.select %parallel_loop3A_542, %parallel_loop3A_546, %parallel_loop3A_549 : vector<16xi1>, vector<16xf32>
      %parallel_loop3A_551 = arith.index_cast %parallel_loop3A_490 : i32 to index
      %parallel_loop3A_552 = arith.constant 16 : index
      %parallel_loop3A_553 = tpu.vector_load %arg7[%parallel_loop3A_551, %parallel_loop3A_552] {strides = array<i32>} : memref<96x96xf32, #tpu.memory_space<vmem>>, vector<1x16xf32>,
      %parallel_loop3A_554 = vector.shape_cast %parallel_loop3A_553 : vector<1x16xf32> to vector<16xf32>
      %parallel_loop3A_555 = arith.constant 0.000000e+00 : f32
      %parallel_loop3A_556 = vector.broadcast %parallel_loop3A_555 : f32 to vector<16xf32>
      %parallel_loop3A_557 = arith.cmpf ogt, %parallel_loop3A_554, %parallel_loop3A_556 : vector<16xf32>
      %parallel_loop3A_558 = arith.constant 0.000000e+00 : f32
      %parallel_loop3A_559 = vector.broadcast %parallel_loop3A_558 : f32 to vector<16xf32>
      %parallel_loop3A_560 = arith.select %parallel_loop3A_557, %parallel_loop3A_550, %parallel_loop3A_559 : vector<16xi1>, vector<16xf32>
      %parallel_loop3A_561 = arith.addf %parallel_loop3A_524, %parallel_loop3A_560 : vector<16xf32>
      %parallel_loop3A_562 = arith.index_cast %parallel_loop3A_490 : i32 to index
      %parallel_loop3A_563 = arith.constant 16 : index
      %parallel_loop3A_564 = tpu.vector_load %arg8[%parallel_loop3A_562, %parallel_loop3A_563] {strides = array<i32>} : memref<96x96xf32, #tpu.memory_space<vmem>>, vector<1x16xf32>,
      %parallel_loop3A_565 = vector.shape_cast %parallel_loop3A_564 : vector<1x16xf32> to vector<16xf32>
      %parallel_loop3A_566 = arith.addf %parallel_loop3A_529, %parallel_loop3A_565 : vector<16xf32>
      %parallel_loop3A_567 = arith.index_cast %parallel_loop3A_490 : i32 to index
      %parallel_loop3A_568 = arith.constant 32 : index
      %parallel_loop3A_569 = tpu.vector_load %arg5[%parallel_loop3A_567, %parallel_loop3A_568] {strides = array<i32>} : memref<96x96xf32, #tpu.memory_space<vmem>>, vector<1x16xf32>,
      %parallel_loop3A_570 = vector.shape_cast %parallel_loop3A_569 : vector<1x16xf32> to vector<16xf32>
      %parallel_loop3A_571 = arith.index_cast %parallel_loop3A_490 : i32 to index
      %parallel_loop3A_572 = arith.constant 32 : index
      %parallel_loop3A_573 = tpu.vector_load %arg6[%parallel_loop3A_571, %parallel_loop3A_572] {strides = array<i32>} : memref<96x96xf32, #tpu.memory_space<vmem>>, vector<1x16xf32>,
      %parallel_loop3A_574 = vector.shape_cast %parallel_loop3A_573 : vector<1x16xf32> to vector<16xf32>
      %parallel_loop3A_575 = arith.subf %parallel_loop3A_570, %parallel_loop3A_574 : vector<16xf32>
      %parallel_loop3A_576 = math.absf %parallel_loop3A_575 : vector<16xf32>
      %parallel_loop3A_577 = arith.constant 1.000000e+00 : f32
      %parallel_loop3A_578 = vector.broadcast %parallel_loop3A_577 : f32 to vector<16xf32>
      %parallel_loop3A_579 = arith.cmpf olt, %parallel_loop3A_576, %parallel_loop3A_578 : vector<16xf32>
      %parallel_loop3A_580 = arith.constant 5.000000e-01 : f32
      %parallel_loop3A_581 = vector.broadcast %parallel_loop3A_580 : f32 to vector<16xf32>
      %parallel_loop3A_582 = arith.mulf %parallel_loop3A_581, %parallel_loop3A_575 : vector<16xf32>
      %parallel_loop3A_583 = arith.mulf %parallel_loop3A_582, %parallel_loop3A_575 : vector<16xf32>
      %parallel_loop3A_584 = arith.constant 5.000000e-01 : f32
      %parallel_loop3A_585 = vector.broadcast %parallel_loop3A_584 : f32 to vector<16xf32>
      %parallel_loop3A_586 = arith.subf %parallel_loop3A_576, %parallel_loop3A_585 : vector<16xf32>
      %parallel_loop3A_587 = arith.select %parallel_loop3A_579, %parallel_loop3A_583, %parallel_loop3A_586 : vector<16xi1>, vector<16xf32>
      %parallel_loop3A_588 = arith.index_cast %parallel_loop3A_490 : i32 to index
      %parallel_loop3A_589 = arith.constant 32 : index
      %parallel_loop3A_590 = tpu.vector_load %arg7[%parallel_loop3A_588, %parallel_loop3A_589] {strides = array<i32>} : memref<96x96xf32, #tpu.memory_space<vmem>>, vector<1x16xf32>,
      %parallel_loop3A_591 = vector.shape_cast %parallel_loop3A_590 : vector<1x16xf32> to vector<16xf32>
      %parallel_loop3A_592 = arith.constant 0.000000e+00 : f32
      %parallel_loop3A_593 = vector.broadcast %parallel_loop3A_592 : f32 to vector<16xf32>
      %parallel_loop3A_594 = arith.cmpf ogt, %parallel_loop3A_591, %parallel_loop3A_593 : vector<16xf32>
      %parallel_loop3A_595 = arith.constant 0.000000e+00 : f32
      %parallel_loop3A_596 = vector.broadcast %parallel_loop3A_595 : f32 to vector<16xf32>
      %parallel_loop3A_597 = arith.select %parallel_loop3A_594, %parallel_loop3A_587, %parallel_loop3A_596 : vector<16xi1>, vector<16xf32>
      %parallel_loop3A_598 = arith.addf %parallel_loop3A_561, %parallel_loop3A_597 : vector<16xf32>
      %parallel_loop3A_599 = arith.index_cast %parallel_loop3A_490 : i32 to index
      %parallel_loop3A_600 = arith.constant 32 : index
      %parallel_loop3A_601 = tpu.vector_load %arg8[%parallel_loop3A_599, %parallel_loop3A_600] {strides = array<i32>} : memref<96x96xf32, #tpu.memory_space<vmem>>, vector<1x16xf32>,
      %parallel_loop3A_602 = vector.shape_cast %parallel_loop3A_601 : vector<1x16xf32> to vector<16xf32>
      %parallel_loop3A_603 = arith.addf %parallel_loop3A_566, %parallel_loop3A_602 : vector<16xf32>
      %parallel_loop3A_604 = arith.index_cast %parallel_loop3A_490 : i32 to index
      %parallel_loop3A_605 = arith.constant 48 : index
      %parallel_loop3A_606 = tpu.vector_load %arg5[%parallel_loop3A_604, %parallel_loop3A_605] {strides = array<i32>} : memref<96x96xf32, #tpu.memory_space<vmem>>, vector<1x16xf32>,
      %parallel_loop3A_607 = vector.shape_cast %parallel_loop3A_606 : vector<1x16xf32> to vector<16xf32>
      %parallel_loop3A_608 = arith.index_cast %parallel_loop3A_490 : i32 to index
      %parallel_loop3A_609 = arith.constant 48 : index
      %parallel_loop3A_610 = tpu.vector_load %arg6[%parallel_loop3A_608, %parallel_loop3A_609] {strides = array<i32>} : memref<96x96xf32, #tpu.memory_space<vmem>>, vector<1x16xf32>,
      %parallel_loop3A_611 = vector.shape_cast %parallel_loop3A_610 : vector<1x16xf32> to vector<16xf32>
      %parallel_loop3A_612 = arith.subf %parallel_loop3A_607, %parallel_loop3A_611 : vector<16xf32>
      %parallel_loop3A_613 = math.absf %parallel_loop3A_612 : vector<16xf32>
      %parallel_loop3A_614 = arith.constant 1.000000e+00 : f32
      %parallel_loop3A_615 = vector.broadcast %parallel_loop3A_614 : f32 to vector<16xf32>
      %parallel_loop3A_616 = arith.cmpf olt, %parallel_loop3A_613, %parallel_loop3A_615 : vector<16xf32>
      %parallel_loop3A_617 = arith.constant 5.000000e-01 : f32
      %parallel_loop3A_618 = vector.broadcast %parallel_loop3A_617 : f32 to vector<16xf32>
      %parallel_loop3A_619 = arith.mulf %parallel_loop3A_618, %parallel_loop3A_612 : vector<16xf32>
      %parallel_loop3A_620 = arith.mulf %parallel_loop3A_619, %parallel_loop3A_612 : vector<16xf32>
      %parallel_loop3A_621 = arith.constant 5.000000e-01 : f32
      %parallel_loop3A_622 = vector.broadcast %parallel_loop3A_621 : f32 to vector<16xf32>
      %parallel_loop3A_623 = arith.subf %parallel_loop3A_613, %parallel_loop3A_622 : vector<16xf32>
      %parallel_loop3A_624 = arith.select %parallel_loop3A_616, %parallel_loop3A_620, %parallel_loop3A_623 : vector<16xi1>, vector<16xf32>
      %parallel_loop3A_625 = arith.index_cast %parallel_loop3A_490 : i32 to index
      %parallel_loop3A_626 = arith.constant 48 : index
      %parallel_loop3A_627 = tpu.vector_load %arg7[%parallel_loop3A_625, %parallel_loop3A_626] {strides = array<i32>} : memref<96x96xf32, #tpu.memory_space<vmem>>, vector<1x16xf32>,
      %parallel_loop3A_628 = vector.shape_cast %parallel_loop3A_627 : vector<1x16xf32> to vector<16xf32>
      %parallel_loop3A_629 = arith.constant 0.000000e+00 : f32
      %parallel_loop3A_630 = vector.broadcast %parallel_loop3A_629 : f32 to vector<16xf32>
      %parallel_loop3A_631 = arith.cmpf ogt, %parallel_loop3A_628, %parallel_loop3A_630 : vector<16xf32>
      %parallel_loop3A_632 = arith.constant 0.000000e+00 : f32
      %parallel_loop3A_633 = vector.broadcast %parallel_loop3A_632 : f32 to vector<16xf32>
      %parallel_loop3A_634 = arith.select %parallel_loop3A_631, %parallel_loop3A_624, %parallel_loop3A_633 : vector<16xi1>, vector<16xf32>
      %parallel_loop3A_635 = arith.addf %parallel_loop3A_598, %parallel_loop3A_634 : vector<16xf32>
      %parallel_loop3A_636 = arith.index_cast %parallel_loop3A_490 : i32 to index
      %parallel_loop3A_637 = arith.constant 48 : index
      %parallel_loop3A_638 = tpu.vector_load %arg8[%parallel_loop3A_636, %parallel_loop3A_637] {strides = array<i32>} : memref<96x96xf32, #tpu.memory_space<vmem>>, vector<1x16xf32>,
      %parallel_loop3A_639 = vector.shape_cast %parallel_loop3A_638 : vector<1x16xf32> to vector<16xf32>
      %parallel_loop3A_640 = arith.addf %parallel_loop3A_603, %parallel_loop3A_639 : vector<16xf32>
      %parallel_loop3A_641 = arith.index_cast %parallel_loop3A_490 : i32 to index
      %parallel_loop3A_642 = arith.constant 64 : index
      %parallel_loop3A_643 = tpu.vector_load %arg5[%parallel_loop3A_641, %parallel_loop3A_642] {strides = array<i32>} : memref<96x96xf32, #tpu.memory_space<vmem>>, vector<1x16xf32>,
      %parallel_loop3A_644 = vector.shape_cast %parallel_loop3A_643 : vector<1x16xf32> to vector<16xf32>
      %parallel_loop3A_645 = arith.index_cast %parallel_loop3A_490 : i32 to index
      %parallel_loop3A_646 = arith.constant 64 : index
      %parallel_loop3A_647 = tpu.vector_load %arg6[%parallel_loop3A_645, %parallel_loop3A_646] {strides = array<i32>} : memref<96x96xf32, #tpu.memory_space<vmem>>, vector<1x16xf32>,
      %parallel_loop3A_648 = vector.shape_cast %parallel_loop3A_647 : vector<1x16xf32> to vector<16xf32>
      %parallel_loop3A_649 = arith.subf %parallel_loop3A_644, %parallel_loop3A_648 : vector<16xf32>
      %parallel_loop3A_650 = math.absf %parallel_loop3A_649 : vector<16xf32>
      %parallel_loop3A_651 = arith.constant 1.000000e+00 : f32
      %parallel_loop3A_652 = vector.broadcast %parallel_loop3A_651 : f32 to vector<16xf32>
      %parallel_loop3A_653 = arith.cmpf olt, %parallel_loop3A_650, %parallel_loop3A_652 : vector<16xf32>
      %parallel_loop3A_654 = arith.constant 5.000000e-01 : f32
      %parallel_loop3A_655 = vector.broadcast %parallel_loop3A_654 : f32 to vector<16xf32>
      %parallel_loop3A_656 = arith.mulf %parallel_loop3A_655, %parallel_loop3A_649 : vector<16xf32>
      %parallel_loop3A_657 = arith.mulf %parallel_loop3A_656, %parallel_loop3A_649 : vector<16xf32>
      %parallel_loop3A_658 = arith.constant 5.000000e-01 : f32
      %parallel_loop3A_659 = vector.broadcast %parallel_loop3A_658 : f32 to vector<16xf32>
      %parallel_loop3A_660 = arith.subf %parallel_loop3A_650, %parallel_loop3A_659 : vector<16xf32>
      %parallel_loop3A_661 = arith.select %parallel_loop3A_653, %parallel_loop3A_657, %parallel_loop3A_660 : vector<16xi1>, vector<16xf32>
      %parallel_loop3A_662 = arith.index_cast %parallel_loop3A_490 : i32 to index
      %parallel_loop3A_663 = arith.constant 64 : index
      %parallel_loop3A_664 = tpu.vector_load %arg7[%parallel_loop3A_662, %parallel_loop3A_663] {strides = array<i32>} : memref<96x96xf32, #tpu.memory_space<vmem>>, vector<1x16xf32>,
      %parallel_loop3A_665 = vector.shape_cast %parallel_loop3A_664 : vector<1x16xf32> to vector<16xf32>
      %parallel_loop3A_666 = arith.constant 0.000000e+00 : f32
      %parallel_loop3A_667 = vector.broadcast %parallel_loop3A_666 : f32 to vector<16xf32>
      %parallel_loop3A_668 = arith.cmpf ogt, %parallel_loop3A_665, %parallel_loop3A_667 : vector<16xf32>
      %parallel_loop3A_669 = arith.constant 0.000000e+00 : f32
      %parallel_loop3A_670 = vector.broadcast %parallel_loop3A_669 : f32 to vector<16xf32>
      %parallel_loop3A_671 = arith.select %parallel_loop3A_668, %parallel_loop3A_661, %parallel_loop3A_670 : vector<16xi1>, vector<16xf32>
      %parallel_loop3A_672 = arith.addf %parallel_loop3A_635, %parallel_loop3A_671 : vector<16xf32>
      %parallel_loop3A_673 = arith.index_cast %parallel_loop3A_490 : i32 to index
      %parallel_loop3A_674 = arith.constant 64 : index
      %parallel_loop3A_675 = tpu.vector_load %arg8[%parallel_loop3A_673, %parallel_loop3A_674] {strides = array<i32>} : memref<96x96xf32, #tpu.memory_space<vmem>>, vector<1x16xf32>,
      %parallel_loop3A_676 = vector.shape_cast %parallel_loop3A_675 : vector<1x16xf32> to vector<16xf32>
      %parallel_loop3A_677 = arith.addf %parallel_loop3A_640, %parallel_loop3A_676 : vector<16xf32>
      %parallel_loop3A_678 = arith.index_cast %parallel_loop3A_490 : i32 to index
      %parallel_loop3A_679 = arith.constant 80 : index
      %parallel_loop3A_680 = tpu.vector_load %arg5[%parallel_loop3A_678, %parallel_loop3A_679] {strides = array<i32>} : memref<96x96xf32, #tpu.memory_space<vmem>>, vector<1x16xf32>,
      %parallel_loop3A_681 = vector.shape_cast %parallel_loop3A_680 : vector<1x16xf32> to vector<16xf32>
      %parallel_loop3A_682 = arith.index_cast %parallel_loop3A_490 : i32 to index
      %parallel_loop3A_683 = arith.constant 80 : index
      %parallel_loop3A_684 = tpu.vector_load %arg6[%parallel_loop3A_682, %parallel_loop3A_683] {strides = array<i32>} : memref<96x96xf32, #tpu.memory_space<vmem>>, vector<1x16xf32>,
      %parallel_loop3A_685 = vector.shape_cast %parallel_loop3A_684 : vector<1x16xf32> to vector<16xf32>
      %parallel_loop3A_686 = arith.subf %parallel_loop3A_681, %parallel_loop3A_685 : vector<16xf32>
      %parallel_loop3A_687 = math.absf %parallel_loop3A_686 : vector<16xf32>
      %parallel_loop3A_688 = arith.constant 1.000000e+00 : f32
      %parallel_loop3A_689 = vector.broadcast %parallel_loop3A_688 : f32 to vector<16xf32>
      %parallel_loop3A_690 = arith.cmpf olt, %parallel_loop3A_687, %parallel_loop3A_689 : vector<16xf32>
      %parallel_loop3A_691 = arith.constant 5.000000e-01 : f32
      %parallel_loop3A_692 = vector.broadcast %parallel_loop3A_691 : f32 to vector<16xf32>
      %parallel_loop3A_693 = arith.mulf %parallel_loop3A_692, %parallel_loop3A_686 : vector<16xf32>
      %parallel_loop3A_694 = arith.mulf %parallel_loop3A_693, %parallel_loop3A_686 : vector<16xf32>
      %parallel_loop3A_695 = arith.constant 5.000000e-01 : f32
      %parallel_loop3A_696 = vector.broadcast %parallel_loop3A_695 : f32 to vector<16xf32>
      %parallel_loop3A_697 = arith.subf %parallel_loop3A_687, %parallel_loop3A_696 : vector<16xf32>
      %parallel_loop3A_698 = arith.select %parallel_loop3A_690, %parallel_loop3A_694, %parallel_loop3A_697 : vector<16xi1>, vector<16xf32>
      %parallel_loop3A_699 = arith.index_cast %parallel_loop3A_490 : i32 to index
      %parallel_loop3A_700 = arith.constant 80 : index
      %parallel_loop3A_701 = tpu.vector_load %arg7[%parallel_loop3A_699, %parallel_loop3A_700] {strides = array<i32>} : memref<96x96xf32, #tpu.memory_space<vmem>>, vector<1x16xf32>,
      %parallel_loop3A_702 = vector.shape_cast %parallel_loop3A_701 : vector<1x16xf32> to vector<16xf32>
      %parallel_loop3A_703 = arith.constant 0.000000e+00 : f32
      %parallel_loop3A_704 = vector.broadcast %parallel_loop3A_703 : f32 to vector<16xf32>
      %parallel_loop3A_705 = arith.cmpf ogt, %parallel_loop3A_702, %parallel_loop3A_704 : vector<16xf32>
      %parallel_loop3A_706 = arith.constant 0.000000e+00 : f32
      %parallel_loop3A_707 = vector.broadcast %parallel_loop3A_706 : f32 to vector<16xf32>
      %parallel_loop3A_708 = arith.select %parallel_loop3A_705, %parallel_loop3A_698, %parallel_loop3A_707 : vector<16xi1>, vector<16xf32>
      %parallel_loop3A_709 = arith.addf %parallel_loop3A_672, %parallel_loop3A_708 : vector<16xf32>
      %parallel_loop3A_710 = arith.index_cast %parallel_loop3A_490 : i32 to index
      %parallel_loop3A_711 = arith.constant 80 : index
      %parallel_loop3A_712 = tpu.vector_load %arg8[%parallel_loop3A_710, %parallel_loop3A_711] {strides = array<i32>} : memref<96x96xf32, #tpu.memory_space<vmem>>, vector<1x16xf32>,
      %parallel_loop3A_713 = vector.shape_cast %parallel_loop3A_712 : vector<1x16xf32> to vector<16xf32>
      %parallel_loop3A_714 = arith.addf %parallel_loop3A_677, %parallel_loop3A_713 : vector<16xf32>
      scf.yield %parallel_loop3A_709, %parallel_loop3A_714 : vector<16xf32>, vector<16xf32>
    } {sc.loop_unroll_factor = 4 : i64, sc.parallel_access}
    %mul3A_123 = arith.constant 6 : i32
    %mul3A_124 = arith.muli %add3A, %mul3A_123 : i32
    %add3A_125 = arith.constant 2 : i32
    %add3A_126 = arith.addi %mul3A_124, %add3A_125 : i32
    %add3A_127 = arith.constant 256 : i32
    %add3A_128 = arith.addi %add3A_127, %add3A_126 : i32
    %add3A_129 = arith.constant 256 : i32
    %add3A_130 = arith.addi %add3A_129, %add3A_126 : i32
    %add3A_131 = arith.constant 512 : i32
    %add3A_132 = arith.addi %add3A_131, %add3A_126 : i32
    %add3A_133 = arith.constant 768 : i32
    %add3A_134 = arith.addi %add3A_133, %add3A_126 : i32
    %dma_start3A_135 = arith.constant 0 : i32
    %dma_start3A_136 = arith.constant 0 : i32
    %dma_start3A_137 = tpu.memref_slice %arg2[%add3A_128, %dma_start3A_135, %dma_start3A_136] : memref<512x96x96xf32, #tpu.memory_space<hbm>> -> memref<1x96x96xf32, #tpu.memory_space<hbm>>
    %dma_start3A_138 = tpu.memref_squeeze %dma_start3A_137 : memref<1x96x96xf32, #tpu.memory_space<hbm>> -> memref<96x96xf32, #tpu.memory_space<hbm>>
    %dma_start3A_139 = arith.constant 0 : i32
    %dma_start3A_140 = arith.constant 0 : i32
    %dma_start3A_141 = tpu.memref_slice %arg2[%add3A_128, %dma_start3A_139, %dma_start3A_140] : memref<512x96x96xf32, #tpu.memory_space<hbm>> -> memref<1x96x96xf32, #tpu.memory_space<hbm>>
    %dma_start3A_142 = tpu.memref_squeeze %dma_start3A_141 : memref<1x96x96xf32, #tpu.memory_space<hbm>> -> memref<96x96xf32, #tpu.memory_space<hbm>>
    tpu.enqueue_dma source(%dma_start3A_142 : memref<96x96xf32, #tpu.memory_space<hbm>>) target(%arg5 : memref<96x96xf32, #tpu.memory_space<vmem>>) target_semaphore(%arg14 : memref<!tpu.dma_semaphore, #tpu.memory_space<semaphore_mem>>)
    %dma_start3A_143 = arith.constant 0 : i32
    %dma_start3A_144 = arith.constant 0 : i32
    %dma_start3A_145 = tpu.memref_slice %arg3[%add3A_130, %dma_start3A_143, %dma_start3A_144] : memref<1024x96x96xf32, #tpu.memory_space<hbm>> -> memref<1x96x96xf32, #tpu.memory_space<hbm>>
    %dma_start3A_146 = tpu.memref_squeeze %dma_start3A_145 : memref<1x96x96xf32, #tpu.memory_space<hbm>> -> memref<96x96xf32, #tpu.memory_space<hbm>>
    %dma_start3A_147 = arith.constant 0 : i32
    %dma_start3A_148 = arith.constant 0 : i32
    %dma_start3A_149 = tpu.memref_slice %arg3[%add3A_130, %dma_start3A_147, %dma_start3A_148] : memref<1024x96x96xf32, #tpu.memory_space<hbm>> -> memref<1x96x96xf32, #tpu.memory_space<hbm>>
    %dma_start3A_150 = tpu.memref_squeeze %dma_start3A_149 : memref<1x96x96xf32, #tpu.memory_space<hbm>> -> memref<96x96xf32, #tpu.memory_space<hbm>>
    tpu.enqueue_dma source(%dma_start3A_150 : memref<96x96xf32, #tpu.memory_space<hbm>>) target(%arg6 : memref<96x96xf32, #tpu.memory_space<vmem>>) target_semaphore(%arg14 : memref<!tpu.dma_semaphore, #tpu.memory_space<semaphore_mem>>)
    %dma_start3A_151 = arith.constant 0 : i32
    %dma_start3A_152 = arith.constant 0 : i32
    %dma_start3A_153 = tpu.memref_slice %arg3[%add3A_132, %dma_start3A_151, %dma_start3A_152] : memref<1024x96x96xf32, #tpu.memory_space<hbm>> -> memref<1x96x96xf32, #tpu.memory_space<hbm>>
    %dma_start3A_154 = tpu.memref_squeeze %dma_start3A_153 : memref<1x96x96xf32, #tpu.memory_space<hbm>> -> memref<96x96xf32, #tpu.memory_space<hbm>>
    %dma_start3A_155 = arith.constant 0 : i32
    %dma_start3A_156 = arith.constant 0 : i32
    %dma_start3A_157 = tpu.memref_slice %arg3[%add3A_132, %dma_start3A_155, %dma_start3A_156] : memref<1024x96x96xf32, #tpu.memory_space<hbm>> -> memref<1x96x96xf32, #tpu.memory_space<hbm>>
    %dma_start3A_158 = tpu.memref_squeeze %dma_start3A_157 : memref<1x96x96xf32, #tpu.memory_space<hbm>> -> memref<96x96xf32, #tpu.memory_space<hbm>>
    tpu.enqueue_dma source(%dma_start3A_158 : memref<96x96xf32, #tpu.memory_space<hbm>>) target(%arg7 : memref<96x96xf32, #tpu.memory_space<vmem>>) target_semaphore(%arg14 : memref<!tpu.dma_semaphore, #tpu.memory_space<semaphore_mem>>)
    %dma_start3A_159 = arith.constant 0 : i32
    %dma_start3A_160 = arith.constant 0 : i32
    %dma_start3A_161 = tpu.memref_slice %arg3[%add3A_134, %dma_start3A_159, %dma_start3A_160] : memref<1024x96x96xf32, #tpu.memory_space<hbm>> -> memref<1x96x96xf32, #tpu.memory_space<hbm>>
    %dma_start3A_162 = tpu.memref_squeeze %dma_start3A_161 : memref<1x96x96xf32, #tpu.memory_space<hbm>> -> memref<96x96xf32, #tpu.memory_space<hbm>>
    %dma_start3A_163 = arith.constant 0 : i32
    %dma_start3A_164 = arith.constant 0 : i32
    %dma_start3A_165 = tpu.memref_slice %arg3[%add3A_134, %dma_start3A_163, %dma_start3A_164] : memref<1024x96x96xf32, #tpu.memory_space<hbm>> -> memref<1x96x96xf32, #tpu.memory_space<hbm>>
    %dma_start3A_166 = tpu.memref_squeeze %dma_start3A_165 : memref<1x96x96xf32, #tpu.memory_space<hbm>> -> memref<96x96xf32, #tpu.memory_space<hbm>>
    tpu.enqueue_dma source(%dma_start3A_166 : memref<96x96xf32, #tpu.memory_space<hbm>>) target(%arg8 : memref<96x96xf32, #tpu.memory_space<vmem>>) target_semaphore(%arg14 : memref<!tpu.dma_semaphore, #tpu.memory_space<semaphore_mem>>)
    %dma_wait3A_167 = arith.constant 0 : i32
    %dma_wait3A_168 = arith.constant 0 : i32
    %dma_wait3A_169 = tpu.memref_slice %arg2[%add3A_50, %dma_wait3A_167, %dma_wait3A_168] : memref<512x96x96xf32, #tpu.memory_space<hbm>> -> memref<1x96x96xf32, #tpu.memory_space<hbm>>
    %dma_wait3A_170 = tpu.memref_squeeze %dma_wait3A_169 : memref<1x96x96xf32, #tpu.memory_space<hbm>> -> memref<96x96xf32, #tpu.memory_space<hbm>>
    %dma_wait3A_171 = arith.constant 0 : i32
    %dma_wait3A_172 = arith.constant 0 : i32
    %dma_wait3A_173 = tpu.memref_slice %arg2[%add3A_50, %dma_wait3A_171, %dma_wait3A_172] : memref<512x96x96xf32, #tpu.memory_space<hbm>> -> memref<1x96x96xf32, #tpu.memory_space<hbm>>
    %dma_wait3A_174 = tpu.memref_squeeze %dma_wait3A_173 : memref<1x96x96xf32, #tpu.memory_space<hbm>> -> memref<96x96xf32, #tpu.memory_space<hbm>>
    tpu.wait_dma2 semaphore(%arg15 : memref<!tpu.dma_semaphore, #tpu.memory_space<semaphore_mem>>) src(%dma_wait3A_174 : memref<96x96xf32, #tpu.memory_space<hbm>>) dst(%arg9 : memref<96x96xf32, #tpu.memory_space<vmem>>)
    %dma_wait3A_175 = arith.constant 0 : i32
    %dma_wait3A_176 = arith.constant 0 : i32
    %dma_wait3A_177 = tpu.memref_slice %arg3[%add3A_52, %dma_wait3A_175, %dma_wait3A_176] : memref<1024x96x96xf32, #tpu.memory_space<hbm>> -> memref<1x96x96xf32, #tpu.memory_space<hbm>>
    %dma_wait3A_178 = tpu.memref_squeeze %dma_wait3A_177 : memref<1x96x96xf32, #tpu.memory_space<hbm>> -> memref<96x96xf32, #tpu.memory_space<hbm>>
    %dma_wait3A_179 = arith.constant 0 : i32
    %dma_wait3A_180 = arith.constant 0 : i32
    %dma_wait3A_181 = tpu.memref_slice %arg3[%add3A_52, %dma_wait3A_179, %dma_wait3A_180] : memref<1024x96x96xf32, #tpu.memory_space<hbm>> -> memref<1x96x96xf32, #tpu.memory_space<hbm>>
    %dma_wait3A_182 = tpu.memref_squeeze %dma_wait3A_181 : memref<1x96x96xf32, #tpu.memory_space<hbm>> -> memref<96x96xf32, #tpu.memory_space<hbm>>
    tpu.wait_dma2 semaphore(%arg15 : memref<!tpu.dma_semaphore, #tpu.memory_space<semaphore_mem>>) src(%dma_wait3A_182 : memref<96x96xf32, #tpu.memory_space<hbm>>) dst(%arg10 : memref<96x96xf32, #tpu.memory_space<vmem>>)
    %dma_wait3A_183 = arith.constant 0 : i32
    %dma_wait3A_184 = arith.constant 0 : i32
    %dma_wait3A_185 = tpu.memref_slice %arg3[%add3A_54, %dma_wait3A_183, %dma_wait3A_184] : memref<1024x96x96xf32, #tpu.memory_space<hbm>> -> memref<1x96x96xf32, #tpu.memory_space<hbm>>
    %dma_wait3A_186 = tpu.memref_squeeze %dma_wait3A_185 : memref<1x96x96xf32, #tpu.memory_space<hbm>> -> memref<96x96xf32, #tpu.memory_space<hbm>>
    %dma_wait3A_187 = arith.constant 0 : i32
    %dma_wait3A_188 = arith.constant 0 : i32
    %dma_wait3A_189 = tpu.memref_slice %arg3[%add3A_54, %dma_wait3A_187, %dma_wait3A_188] : memref<1024x96x96xf32, #tpu.memory_space<hbm>> -> memref<1x96x96xf32, #tpu.memory_space<hbm>>
    %dma_wait3A_190 = tpu.memref_squeeze %dma_wait3A_189 : memref<1x96x96xf32, #tpu.memory_space<hbm>> -> memref<96x96xf32, #tpu.memory_space<hbm>>
    tpu.wait_dma2 semaphore(%arg15 : memref<!tpu.dma_semaphore, #tpu.memory_space<semaphore_mem>>) src(%dma_wait3A_190 : memref<96x96xf32, #tpu.memory_space<hbm>>) dst(%arg11 : memref<96x96xf32, #tpu.memory_space<vmem>>)
    %dma_wait3A_191 = arith.constant 0 : i32
    %dma_wait3A_192 = arith.constant 0 : i32
    %dma_wait3A_193 = tpu.memref_slice %arg3[%add3A_56, %dma_wait3A_191, %dma_wait3A_192] : memref<1024x96x96xf32, #tpu.memory_space<hbm>> -> memref<1x96x96xf32, #tpu.memory_space<hbm>>
    %dma_wait3A_194 = tpu.memref_squeeze %dma_wait3A_193 : memref<1x96x96xf32, #tpu.memory_space<hbm>> -> memref<96x96xf32, #tpu.memory_space<hbm>>
    %dma_wait3A_195 = arith.constant 0 : i32
    %dma_wait3A_196 = arith.constant 0 : i32
    %dma_wait3A_197 = tpu.memref_slice %arg3[%add3A_56, %dma_wait3A_195, %dma_wait3A_196] : memref<1024x96x96xf32, #tpu.memory_space<hbm>> -> memref<1x96x96xf32, #tpu.memory_space<hbm>>
    %dma_wait3A_198 = tpu.memref_squeeze %dma_wait3A_197 : memref<1x96x96xf32, #tpu.memory_space<hbm>> -> memref<96x96xf32, #tpu.memory_space<hbm>>
    tpu.wait_dma2 semaphore(%arg15 : memref<!tpu.dma_semaphore, #tpu.memory_space<semaphore_mem>>) src(%dma_wait3A_198 : memref<96x96xf32, #tpu.memory_space<hbm>>) dst(%arg12 : memref<96x96xf32, #tpu.memory_space<vmem>>)
    %parallel_loop3A_199 = arith.constant 0 : i32
    %parallel_loop3A_200 = arith.constant 96 : i32
    %parallel_loop3A_201 = arith.constant 1 : i32
    %parallel_loop3A_202:2 = scf.for %parallel_loop3A_490 = %parallel_loop3A_199 to %parallel_loop3A_200 step %parallel_loop3A_201 iter_args(%parallel_loop3A_491 = %parallel_loop3A_122#0, %parallel_loop3A_492 = %parallel_loop3A_122#1) -> (vector<16xf32>, vector<16xf32>)  : i32 {
      %parallel_loop3A_493 = arith.index_cast %parallel_loop3A_490 : i32 to index
      %parallel_loop3A_494 = arith.constant 0 : index
      %parallel_loop3A_495 = tpu.vector_load %arg9[%parallel_loop3A_493, %parallel_loop3A_494] {strides = array<i32>} : memref<96x96xf32, #tpu.memory_space<vmem>>, vector<1x16xf32>,
      %parallel_loop3A_496 = vector.shape_cast %parallel_loop3A_495 : vector<1x16xf32> to vector<16xf32>
      %parallel_loop3A_497 = arith.index_cast %parallel_loop3A_490 : i32 to index
      %parallel_loop3A_498 = arith.constant 0 : index
      %parallel_loop3A_499 = tpu.vector_load %arg10[%parallel_loop3A_497, %parallel_loop3A_498] {strides = array<i32>} : memref<96x96xf32, #tpu.memory_space<vmem>>, vector<1x16xf32>,
      %parallel_loop3A_500 = vector.shape_cast %parallel_loop3A_499 : vector<1x16xf32> to vector<16xf32>
      %parallel_loop3A_501 = arith.subf %parallel_loop3A_496, %parallel_loop3A_500 : vector<16xf32>
      %parallel_loop3A_502 = math.absf %parallel_loop3A_501 : vector<16xf32>
      %parallel_loop3A_503 = arith.constant 1.000000e+00 : f32
      %parallel_loop3A_504 = vector.broadcast %parallel_loop3A_503 : f32 to vector<16xf32>
      %parallel_loop3A_505 = arith.cmpf olt, %parallel_loop3A_502, %parallel_loop3A_504 : vector<16xf32>
      %parallel_loop3A_506 = arith.constant 5.000000e-01 : f32
      %parallel_loop3A_507 = vector.broadcast %parallel_loop3A_506 : f32 to vector<16xf32>
      %parallel_loop3A_508 = arith.mulf %parallel_loop3A_507, %parallel_loop3A_501 : vector<16xf32>
      %parallel_loop3A_509 = arith.mulf %parallel_loop3A_508, %parallel_loop3A_501 : vector<16xf32>
      %parallel_loop3A_510 = arith.constant 5.000000e-01 : f32
      %parallel_loop3A_511 = vector.broadcast %parallel_loop3A_510 : f32 to vector<16xf32>
      %parallel_loop3A_512 = arith.subf %parallel_loop3A_502, %parallel_loop3A_511 : vector<16xf32>
      %parallel_loop3A_513 = arith.select %parallel_loop3A_505, %parallel_loop3A_509, %parallel_loop3A_512 : vector<16xi1>, vector<16xf32>
      %parallel_loop3A_514 = arith.index_cast %parallel_loop3A_490 : i32 to index
      %parallel_loop3A_515 = arith.constant 0 : index
      %parallel_loop3A_516 = tpu.vector_load %arg11[%parallel_loop3A_514, %parallel_loop3A_515] {strides = array<i32>} : memref<96x96xf32, #tpu.memory_space<vmem>>, vector<1x16xf32>,
      %parallel_loop3A_517 = vector.shape_cast %parallel_loop3A_516 : vector<1x16xf32> to vector<16xf32>
      %parallel_loop3A_518 = arith.constant 0.000000e+00 : f32
      %parallel_loop3A_519 = vector.broadcast %parallel_loop3A_518 : f32 to vector<16xf32>
      %parallel_loop3A_520 = arith.cmpf ogt, %parallel_loop3A_517, %parallel_loop3A_519 : vector<16xf32>
      %parallel_loop3A_521 = arith.constant 0.000000e+00 : f32
      %parallel_loop3A_522 = vector.broadcast %parallel_loop3A_521 : f32 to vector<16xf32>
      %parallel_loop3A_523 = arith.select %parallel_loop3A_520, %parallel_loop3A_513, %parallel_loop3A_522 : vector<16xi1>, vector<16xf32>
      %parallel_loop3A_524 = arith.addf %parallel_loop3A_491, %parallel_loop3A_523 : vector<16xf32>
      %parallel_loop3A_525 = arith.index_cast %parallel_loop3A_490 : i32 to index
      %parallel_loop3A_526 = arith.constant 0 : index
      %parallel_loop3A_527 = tpu.vector_load %arg12[%parallel_loop3A_525, %parallel_loop3A_526] {strides = array<i32>} : memref<96x96xf32, #tpu.memory_space<vmem>>, vector<1x16xf32>,
      %parallel_loop3A_528 = vector.shape_cast %parallel_loop3A_527 : vector<1x16xf32> to vector<16xf32>
      %parallel_loop3A_529 = arith.addf %parallel_loop3A_492, %parallel_loop3A_528 : vector<16xf32>
      %parallel_loop3A_530 = arith.index_cast %parallel_loop3A_490 : i32 to index
      %parallel_loop3A_531 = arith.constant 16 : index
      %parallel_loop3A_532 = tpu.vector_load %arg9[%parallel_loop3A_530, %parallel_loop3A_531] {strides = array<i32>} : memref<96x96xf32, #tpu.memory_space<vmem>>, vector<1x16xf32>,
      %parallel_loop3A_533 = vector.shape_cast %parallel_loop3A_532 : vector<1x16xf32> to vector<16xf32>
      %parallel_loop3A_534 = arith.index_cast %parallel_loop3A_490 : i32 to index
      %parallel_loop3A_535 = arith.constant 16 : index
      %parallel_loop3A_536 = tpu.vector_load %arg10[%parallel_loop3A_534, %parallel_loop3A_535] {strides = array<i32>} : memref<96x96xf32, #tpu.memory_space<vmem>>, vector<1x16xf32>,
      %parallel_loop3A_537 = vector.shape_cast %parallel_loop3A_536 : vector<1x16xf32> to vector<16xf32>
      %parallel_loop3A_538 = arith.subf %parallel_loop3A_533, %parallel_loop3A_537 : vector<16xf32>
      %parallel_loop3A_539 = math.absf %parallel_loop3A_538 : vector<16xf32>
      %parallel_loop3A_540 = arith.constant 1.000000e+00 : f32
      %parallel_loop3A_541 = vector.broadcast %parallel_loop3A_540 : f32 to vector<16xf32>
      %parallel_loop3A_542 = arith.cmpf olt, %parallel_loop3A_539, %parallel_loop3A_541 : vector<16xf32>
      %parallel_loop3A_543 = arith.constant 5.000000e-01 : f32
      %parallel_loop3A_544 = vector.broadcast %parallel_loop3A_543 : f32 to vector<16xf32>
      %parallel_loop3A_545 = arith.mulf %parallel_loop3A_544, %parallel_loop3A_538 : vector<16xf32>
      %parallel_loop3A_546 = arith.mulf %parallel_loop3A_545, %parallel_loop3A_538 : vector<16xf32>
      %parallel_loop3A_547 = arith.constant 5.000000e-01 : f32
      %parallel_loop3A_548 = vector.broadcast %parallel_loop3A_547 : f32 to vector<16xf32>
      %parallel_loop3A_549 = arith.subf %parallel_loop3A_539, %parallel_loop3A_548 : vector<16xf32>
      %parallel_loop3A_550 = arith.select %parallel_loop3A_542, %parallel_loop3A_546, %parallel_loop3A_549 : vector<16xi1>, vector<16xf32>
      %parallel_loop3A_551 = arith.index_cast %parallel_loop3A_490 : i32 to index
      %parallel_loop3A_552 = arith.constant 16 : index
      %parallel_loop3A_553 = tpu.vector_load %arg11[%parallel_loop3A_551, %parallel_loop3A_552] {strides = array<i32>} : memref<96x96xf32, #tpu.memory_space<vmem>>, vector<1x16xf32>,
      %parallel_loop3A_554 = vector.shape_cast %parallel_loop3A_553 : vector<1x16xf32> to vector<16xf32>
      %parallel_loop3A_555 = arith.constant 0.000000e+00 : f32
      %parallel_loop3A_556 = vector.broadcast %parallel_loop3A_555 : f32 to vector<16xf32>
      %parallel_loop3A_557 = arith.cmpf ogt, %parallel_loop3A_554, %parallel_loop3A_556 : vector<16xf32>
      %parallel_loop3A_558 = arith.constant 0.000000e+00 : f32
      %parallel_loop3A_559 = vector.broadcast %parallel_loop3A_558 : f32 to vector<16xf32>
      %parallel_loop3A_560 = arith.select %parallel_loop3A_557, %parallel_loop3A_550, %parallel_loop3A_559 : vector<16xi1>, vector<16xf32>
      %parallel_loop3A_561 = arith.addf %parallel_loop3A_524, %parallel_loop3A_560 : vector<16xf32>
      %parallel_loop3A_562 = arith.index_cast %parallel_loop3A_490 : i32 to index
      %parallel_loop3A_563 = arith.constant 16 : index
      %parallel_loop3A_564 = tpu.vector_load %arg12[%parallel_loop3A_562, %parallel_loop3A_563] {strides = array<i32>} : memref<96x96xf32, #tpu.memory_space<vmem>>, vector<1x16xf32>,
      %parallel_loop3A_565 = vector.shape_cast %parallel_loop3A_564 : vector<1x16xf32> to vector<16xf32>
      %parallel_loop3A_566 = arith.addf %parallel_loop3A_529, %parallel_loop3A_565 : vector<16xf32>
      %parallel_loop3A_567 = arith.index_cast %parallel_loop3A_490 : i32 to index
      %parallel_loop3A_568 = arith.constant 32 : index
      %parallel_loop3A_569 = tpu.vector_load %arg9[%parallel_loop3A_567, %parallel_loop3A_568] {strides = array<i32>} : memref<96x96xf32, #tpu.memory_space<vmem>>, vector<1x16xf32>,
      %parallel_loop3A_570 = vector.shape_cast %parallel_loop3A_569 : vector<1x16xf32> to vector<16xf32>
      %parallel_loop3A_571 = arith.index_cast %parallel_loop3A_490 : i32 to index
      %parallel_loop3A_572 = arith.constant 32 : index
      %parallel_loop3A_573 = tpu.vector_load %arg10[%parallel_loop3A_571, %parallel_loop3A_572] {strides = array<i32>} : memref<96x96xf32, #tpu.memory_space<vmem>>, vector<1x16xf32>,
      %parallel_loop3A_574 = vector.shape_cast %parallel_loop3A_573 : vector<1x16xf32> to vector<16xf32>
      %parallel_loop3A_575 = arith.subf %parallel_loop3A_570, %parallel_loop3A_574 : vector<16xf32>
      %parallel_loop3A_576 = math.absf %parallel_loop3A_575 : vector<16xf32>
      %parallel_loop3A_577 = arith.constant 1.000000e+00 : f32
      %parallel_loop3A_578 = vector.broadcast %parallel_loop3A_577 : f32 to vector<16xf32>
      %parallel_loop3A_579 = arith.cmpf olt, %parallel_loop3A_576, %parallel_loop3A_578 : vector<16xf32>
      %parallel_loop3A_580 = arith.constant 5.000000e-01 : f32
      %parallel_loop3A_581 = vector.broadcast %parallel_loop3A_580 : f32 to vector<16xf32>
      %parallel_loop3A_582 = arith.mulf %parallel_loop3A_581, %parallel_loop3A_575 : vector<16xf32>
      %parallel_loop3A_583 = arith.mulf %parallel_loop3A_582, %parallel_loop3A_575 : vector<16xf32>
      %parallel_loop3A_584 = arith.constant 5.000000e-01 : f32
      %parallel_loop3A_585 = vector.broadcast %parallel_loop3A_584 : f32 to vector<16xf32>
      %parallel_loop3A_586 = arith.subf %parallel_loop3A_576, %parallel_loop3A_585 : vector<16xf32>
      %parallel_loop3A_587 = arith.select %parallel_loop3A_579, %parallel_loop3A_583, %parallel_loop3A_586 : vector<16xi1>, vector<16xf32>
      %parallel_loop3A_588 = arith.index_cast %parallel_loop3A_490 : i32 to index
      %parallel_loop3A_589 = arith.constant 32 : index
      %parallel_loop3A_590 = tpu.vector_load %arg11[%parallel_loop3A_588, %parallel_loop3A_589] {strides = array<i32>} : memref<96x96xf32, #tpu.memory_space<vmem>>, vector<1x16xf32>,
      %parallel_loop3A_591 = vector.shape_cast %parallel_loop3A_590 : vector<1x16xf32> to vector<16xf32>
      %parallel_loop3A_592 = arith.constant 0.000000e+00 : f32
      %parallel_loop3A_593 = vector.broadcast %parallel_loop3A_592 : f32 to vector<16xf32>
      %parallel_loop3A_594 = arith.cmpf ogt, %parallel_loop3A_591, %parallel_loop3A_593 : vector<16xf32>
      %parallel_loop3A_595 = arith.constant 0.000000e+00 : f32
      %parallel_loop3A_596 = vector.broadcast %parallel_loop3A_595 : f32 to vector<16xf32>
      %parallel_loop3A_597 = arith.select %parallel_loop3A_594, %parallel_loop3A_587, %parallel_loop3A_596 : vector<16xi1>, vector<16xf32>
      %parallel_loop3A_598 = arith.addf %parallel_loop3A_561, %parallel_loop3A_597 : vector<16xf32>
      %parallel_loop3A_599 = arith.index_cast %parallel_loop3A_490 : i32 to index
      %parallel_loop3A_600 = arith.constant 32 : index
      %parallel_loop3A_601 = tpu.vector_load %arg12[%parallel_loop3A_599, %parallel_loop3A_600] {strides = array<i32>} : memref<96x96xf32, #tpu.memory_space<vmem>>, vector<1x16xf32>,
      %parallel_loop3A_602 = vector.shape_cast %parallel_loop3A_601 : vector<1x16xf32> to vector<16xf32>
      %parallel_loop3A_603 = arith.addf %parallel_loop3A_566, %parallel_loop3A_602 : vector<16xf32>
      %parallel_loop3A_604 = arith.index_cast %parallel_loop3A_490 : i32 to index
      %parallel_loop3A_605 = arith.constant 48 : index
      %parallel_loop3A_606 = tpu.vector_load %arg9[%parallel_loop3A_604, %parallel_loop3A_605] {strides = array<i32>} : memref<96x96xf32, #tpu.memory_space<vmem>>, vector<1x16xf32>,
      %parallel_loop3A_607 = vector.shape_cast %parallel_loop3A_606 : vector<1x16xf32> to vector<16xf32>
      %parallel_loop3A_608 = arith.index_cast %parallel_loop3A_490 : i32 to index
      %parallel_loop3A_609 = arith.constant 48 : index
      %parallel_loop3A_610 = tpu.vector_load %arg10[%parallel_loop3A_608, %parallel_loop3A_609] {strides = array<i32>} : memref<96x96xf32, #tpu.memory_space<vmem>>, vector<1x16xf32>,
      %parallel_loop3A_611 = vector.shape_cast %parallel_loop3A_610 : vector<1x16xf32> to vector<16xf32>
      %parallel_loop3A_612 = arith.subf %parallel_loop3A_607, %parallel_loop3A_611 : vector<16xf32>
      %parallel_loop3A_613 = math.absf %parallel_loop3A_612 : vector<16xf32>
      %parallel_loop3A_614 = arith.constant 1.000000e+00 : f32
      %parallel_loop3A_615 = vector.broadcast %parallel_loop3A_614 : f32 to vector<16xf32>
      %parallel_loop3A_616 = arith.cmpf olt, %parallel_loop3A_613, %parallel_loop3A_615 : vector<16xf32>
      %parallel_loop3A_617 = arith.constant 5.000000e-01 : f32
      %parallel_loop3A_618 = vector.broadcast %parallel_loop3A_617 : f32 to vector<16xf32>
      %parallel_loop3A_619 = arith.mulf %parallel_loop3A_618, %parallel_loop3A_612 : vector<16xf32>
      %parallel_loop3A_620 = arith.mulf %parallel_loop3A_619, %parallel_loop3A_612 : vector<16xf32>
      %parallel_loop3A_621 = arith.constant 5.000000e-01 : f32
      %parallel_loop3A_622 = vector.broadcast %parallel_loop3A_621 : f32 to vector<16xf32>
      %parallel_loop3A_623 = arith.subf %parallel_loop3A_613, %parallel_loop3A_622 : vector<16xf32>
      %parallel_loop3A_624 = arith.select %parallel_loop3A_616, %parallel_loop3A_620, %parallel_loop3A_623 : vector<16xi1>, vector<16xf32>
      %parallel_loop3A_625 = arith.index_cast %parallel_loop3A_490 : i32 to index
      %parallel_loop3A_626 = arith.constant 48 : index
      %parallel_loop3A_627 = tpu.vector_load %arg11[%parallel_loop3A_625, %parallel_loop3A_626] {strides = array<i32>} : memref<96x96xf32, #tpu.memory_space<vmem>>, vector<1x16xf32>,
      %parallel_loop3A_628 = vector.shape_cast %parallel_loop3A_627 : vector<1x16xf32> to vector<16xf32>
      %parallel_loop3A_629 = arith.constant 0.000000e+00 : f32
      %parallel_loop3A_630 = vector.broadcast %parallel_loop3A_629 : f32 to vector<16xf32>
      %parallel_loop3A_631 = arith.cmpf ogt, %parallel_loop3A_628, %parallel_loop3A_630 : vector<16xf32>
      %parallel_loop3A_632 = arith.constant 0.000000e+00 : f32
      %parallel_loop3A_633 = vector.broadcast %parallel_loop3A_632 : f32 to vector<16xf32>
      %parallel_loop3A_634 = arith.select %parallel_loop3A_631, %parallel_loop3A_624, %parallel_loop3A_633 : vector<16xi1>, vector<16xf32>
      %parallel_loop3A_635 = arith.addf %parallel_loop3A_598, %parallel_loop3A_634 : vector<16xf32>
      %parallel_loop3A_636 = arith.index_cast %parallel_loop3A_490 : i32 to index
      %parallel_loop3A_637 = arith.constant 48 : index
      %parallel_loop3A_638 = tpu.vector_load %arg12[%parallel_loop3A_636, %parallel_loop3A_637] {strides = array<i32>} : memref<96x96xf32, #tpu.memory_space<vmem>>, vector<1x16xf32>,
      %parallel_loop3A_639 = vector.shape_cast %parallel_loop3A_638 : vector<1x16xf32> to vector<16xf32>
      %parallel_loop3A_640 = arith.addf %parallel_loop3A_603, %parallel_loop3A_639 : vector<16xf32>
      %parallel_loop3A_641 = arith.index_cast %parallel_loop3A_490 : i32 to index
      %parallel_loop3A_642 = arith.constant 64 : index
      %parallel_loop3A_643 = tpu.vector_load %arg9[%parallel_loop3A_641, %parallel_loop3A_642] {strides = array<i32>} : memref<96x96xf32, #tpu.memory_space<vmem>>, vector<1x16xf32>,
      %parallel_loop3A_644 = vector.shape_cast %parallel_loop3A_643 : vector<1x16xf32> to vector<16xf32>
      %parallel_loop3A_645 = arith.index_cast %parallel_loop3A_490 : i32 to index
      %parallel_loop3A_646 = arith.constant 64 : index
      %parallel_loop3A_647 = tpu.vector_load %arg10[%parallel_loop3A_645, %parallel_loop3A_646] {strides = array<i32>} : memref<96x96xf32, #tpu.memory_space<vmem>>, vector<1x16xf32>,
      %parallel_loop3A_648 = vector.shape_cast %parallel_loop3A_647 : vector<1x16xf32> to vector<16xf32>
      %parallel_loop3A_649 = arith.subf %parallel_loop3A_644, %parallel_loop3A_648 : vector<16xf32>
      %parallel_loop3A_650 = math.absf %parallel_loop3A_649 : vector<16xf32>
      %parallel_loop3A_651 = arith.constant 1.000000e+00 : f32
      %parallel_loop3A_652 = vector.broadcast %parallel_loop3A_651 : f32 to vector<16xf32>
      %parallel_loop3A_653 = arith.cmpf olt, %parallel_loop3A_650, %parallel_loop3A_652 : vector<16xf32>
      %parallel_loop3A_654 = arith.constant 5.000000e-01 : f32
      %parallel_loop3A_655 = vector.broadcast %parallel_loop3A_654 : f32 to vector<16xf32>
      %parallel_loop3A_656 = arith.mulf %parallel_loop3A_655, %parallel_loop3A_649 : vector<16xf32>
      %parallel_loop3A_657 = arith.mulf %parallel_loop3A_656, %parallel_loop3A_649 : vector<16xf32>
      %parallel_loop3A_658 = arith.constant 5.000000e-01 : f32
      %parallel_loop3A_659 = vector.broadcast %parallel_loop3A_658 : f32 to vector<16xf32>
      %parallel_loop3A_660 = arith.subf %parallel_loop3A_650, %parallel_loop3A_659 : vector<16xf32>
      %parallel_loop3A_661 = arith.select %parallel_loop3A_653, %parallel_loop3A_657, %parallel_loop3A_660 : vector<16xi1>, vector<16xf32>
      %parallel_loop3A_662 = arith.index_cast %parallel_loop3A_490 : i32 to index
      %parallel_loop3A_663 = arith.constant 64 : index
      %parallel_loop3A_664 = tpu.vector_load %arg11[%parallel_loop3A_662, %parallel_loop3A_663] {strides = array<i32>} : memref<96x96xf32, #tpu.memory_space<vmem>>, vector<1x16xf32>,
      %parallel_loop3A_665 = vector.shape_cast %parallel_loop3A_664 : vector<1x16xf32> to vector<16xf32>
      %parallel_loop3A_666 = arith.constant 0.000000e+00 : f32
      %parallel_loop3A_667 = vector.broadcast %parallel_loop3A_666 : f32 to vector<16xf32>
      %parallel_loop3A_668 = arith.cmpf ogt, %parallel_loop3A_665, %parallel_loop3A_667 : vector<16xf32>
      %parallel_loop3A_669 = arith.constant 0.000000e+00 : f32
      %parallel_loop3A_670 = vector.broadcast %parallel_loop3A_669 : f32 to vector<16xf32>
      %parallel_loop3A_671 = arith.select %parallel_loop3A_668, %parallel_loop3A_661, %parallel_loop3A_670 : vector<16xi1>, vector<16xf32>
      %parallel_loop3A_672 = arith.addf %parallel_loop3A_635, %parallel_loop3A_671 : vector<16xf32>
      %parallel_loop3A_673 = arith.index_cast %parallel_loop3A_490 : i32 to index
      %parallel_loop3A_674 = arith.constant 64 : index
      %parallel_loop3A_675 = tpu.vector_load %arg12[%parallel_loop3A_673, %parallel_loop3A_674] {strides = array<i32>} : memref<96x96xf32, #tpu.memory_space<vmem>>, vector<1x16xf32>,
      %parallel_loop3A_676 = vector.shape_cast %parallel_loop3A_675 : vector<1x16xf32> to vector<16xf32>
      %parallel_loop3A_677 = arith.addf %parallel_loop3A_640, %parallel_loop3A_676 : vector<16xf32>
      %parallel_loop3A_678 = arith.index_cast %parallel_loop3A_490 : i32 to index
      %parallel_loop3A_679 = arith.constant 80 : index
      %parallel_loop3A_680 = tpu.vector_load %arg9[%parallel_loop3A_678, %parallel_loop3A_679] {strides = array<i32>} : memref<96x96xf32, #tpu.memory_space<vmem>>, vector<1x16xf32>,
      %parallel_loop3A_681 = vector.shape_cast %parallel_loop3A_680 : vector<1x16xf32> to vector<16xf32>
      %parallel_loop3A_682 = arith.index_cast %parallel_loop3A_490 : i32 to index
      %parallel_loop3A_683 = arith.constant 80 : index
      %parallel_loop3A_684 = tpu.vector_load %arg10[%parallel_loop3A_682, %parallel_loop3A_683] {strides = array<i32>} : memref<96x96xf32, #tpu.memory_space<vmem>>, vector<1x16xf32>,
      %parallel_loop3A_685 = vector.shape_cast %parallel_loop3A_684 : vector<1x16xf32> to vector<16xf32>
      %parallel_loop3A_686 = arith.subf %parallel_loop3A_681, %parallel_loop3A_685 : vector<16xf32>
      %parallel_loop3A_687 = math.absf %parallel_loop3A_686 : vector<16xf32>
      %parallel_loop3A_688 = arith.constant 1.000000e+00 : f32
      %parallel_loop3A_689 = vector.broadcast %parallel_loop3A_688 : f32 to vector<16xf32>
      %parallel_loop3A_690 = arith.cmpf olt, %parallel_loop3A_687, %parallel_loop3A_689 : vector<16xf32>
      %parallel_loop3A_691 = arith.constant 5.000000e-01 : f32
      %parallel_loop3A_692 = vector.broadcast %parallel_loop3A_691 : f32 to vector<16xf32>
      %parallel_loop3A_693 = arith.mulf %parallel_loop3A_692, %parallel_loop3A_686 : vector<16xf32>
      %parallel_loop3A_694 = arith.mulf %parallel_loop3A_693, %parallel_loop3A_686 : vector<16xf32>
      %parallel_loop3A_695 = arith.constant 5.000000e-01 : f32
      %parallel_loop3A_696 = vector.broadcast %parallel_loop3A_695 : f32 to vector<16xf32>
      %parallel_loop3A_697 = arith.subf %parallel_loop3A_687, %parallel_loop3A_696 : vector<16xf32>
      %parallel_loop3A_698 = arith.select %parallel_loop3A_690, %parallel_loop3A_694, %parallel_loop3A_697 : vector<16xi1>, vector<16xf32>
      %parallel_loop3A_699 = arith.index_cast %parallel_loop3A_490 : i32 to index
      %parallel_loop3A_700 = arith.constant 80 : index
      %parallel_loop3A_701 = tpu.vector_load %arg11[%parallel_loop3A_699, %parallel_loop3A_700] {strides = array<i32>} : memref<96x96xf32, #tpu.memory_space<vmem>>, vector<1x16xf32>,
      %parallel_loop3A_702 = vector.shape_cast %parallel_loop3A_701 : vector<1x16xf32> to vector<16xf32>
      %parallel_loop3A_703 = arith.constant 0.000000e+00 : f32
      %parallel_loop3A_704 = vector.broadcast %parallel_loop3A_703 : f32 to vector<16xf32>
      %parallel_loop3A_705 = arith.cmpf ogt, %parallel_loop3A_702, %parallel_loop3A_704 : vector<16xf32>
      %parallel_loop3A_706 = arith.constant 0.000000e+00 : f32
      %parallel_loop3A_707 = vector.broadcast %parallel_loop3A_706 : f32 to vector<16xf32>
      %parallel_loop3A_708 = arith.select %parallel_loop3A_705, %parallel_loop3A_698, %parallel_loop3A_707 : vector<16xi1>, vector<16xf32>
      %parallel_loop3A_709 = arith.addf %parallel_loop3A_672, %parallel_loop3A_708 : vector<16xf32>
      %parallel_loop3A_710 = arith.index_cast %parallel_loop3A_490 : i32 to index
      %parallel_loop3A_711 = arith.constant 80 : index
      %parallel_loop3A_712 = tpu.vector_load %arg12[%parallel_loop3A_710, %parallel_loop3A_711] {strides = array<i32>} : memref<96x96xf32, #tpu.memory_space<vmem>>, vector<1x16xf32>,
      %parallel_loop3A_713 = vector.shape_cast %parallel_loop3A_712 : vector<1x16xf32> to vector<16xf32>
      %parallel_loop3A_714 = arith.addf %parallel_loop3A_677, %parallel_loop3A_713 : vector<16xf32>
      scf.yield %parallel_loop3A_709, %parallel_loop3A_714 : vector<16xf32>, vector<16xf32>
    } {sc.loop_unroll_factor = 4 : i64, sc.parallel_access}
    %mul3A_203 = arith.constant 6 : i32
    %mul3A_204 = arith.muli %add3A, %mul3A_203 : i32
    %add3A_205 = arith.constant 3 : i32
    %add3A_206 = arith.addi %mul3A_204, %add3A_205 : i32
    %add3A_207 = arith.constant 256 : i32
    %add3A_208 = arith.addi %add3A_207, %add3A_206 : i32
    %add3A_209 = arith.constant 256 : i32
    %add3A_210 = arith.addi %add3A_209, %add3A_206 : i32
    %add3A_211 = arith.constant 512 : i32
    %add3A_212 = arith.addi %add3A_211, %add3A_206 : i32
    %add3A_213 = arith.constant 768 : i32
    %add3A_214 = arith.addi %add3A_213, %add3A_206 : i32
    %dma_start3A_215 = arith.constant 0 : i32
    %dma_start3A_216 = arith.constant 0 : i32
    %dma_start3A_217 = tpu.memref_slice %arg2[%add3A_208, %dma_start3A_215, %dma_start3A_216] : memref<512x96x96xf32, #tpu.memory_space<hbm>> -> memref<1x96x96xf32, #tpu.memory_space<hbm>>
    %dma_start3A_218 = tpu.memref_squeeze %dma_start3A_217 : memref<1x96x96xf32, #tpu.memory_space<hbm>> -> memref<96x96xf32, #tpu.memory_space<hbm>>
    %dma_start3A_219 = arith.constant 0 : i32
    %dma_start3A_220 = arith.constant 0 : i32
    %dma_start3A_221 = tpu.memref_slice %arg2[%add3A_208, %dma_start3A_219, %dma_start3A_220] : memref<512x96x96xf32, #tpu.memory_space<hbm>> -> memref<1x96x96xf32, #tpu.memory_space<hbm>>
    %dma_start3A_222 = tpu.memref_squeeze %dma_start3A_221 : memref<1x96x96xf32, #tpu.memory_space<hbm>> -> memref<96x96xf32, #tpu.memory_space<hbm>>
    tpu.enqueue_dma source(%dma_start3A_222 : memref<96x96xf32, #tpu.memory_space<hbm>>) target(%arg9 : memref<96x96xf32, #tpu.memory_space<vmem>>) target_semaphore(%arg15 : memref<!tpu.dma_semaphore, #tpu.memory_space<semaphore_mem>>)
    %dma_start3A_223 = arith.constant 0 : i32
    %dma_start3A_224 = arith.constant 0 : i32
    %dma_start3A_225 = tpu.memref_slice %arg3[%add3A_210, %dma_start3A_223, %dma_start3A_224] : memref<1024x96x96xf32, #tpu.memory_space<hbm>> -> memref<1x96x96xf32, #tpu.memory_space<hbm>>
    %dma_start3A_226 = tpu.memref_squeeze %dma_start3A_225 : memref<1x96x96xf32, #tpu.memory_space<hbm>> -> memref<96x96xf32, #tpu.memory_space<hbm>>
    %dma_start3A_227 = arith.constant 0 : i32
    %dma_start3A_228 = arith.constant 0 : i32
    %dma_start3A_229 = tpu.memref_slice %arg3[%add3A_210, %dma_start3A_227, %dma_start3A_228] : memref<1024x96x96xf32, #tpu.memory_space<hbm>> -> memref<1x96x96xf32, #tpu.memory_space<hbm>>
    %dma_start3A_230 = tpu.memref_squeeze %dma_start3A_229 : memref<1x96x96xf32, #tpu.memory_space<hbm>> -> memref<96x96xf32, #tpu.memory_space<hbm>>
    tpu.enqueue_dma source(%dma_start3A_230 : memref<96x96xf32, #tpu.memory_space<hbm>>) target(%arg10 : memref<96x96xf32, #tpu.memory_space<vmem>>) target_semaphore(%arg15 : memref<!tpu.dma_semaphore, #tpu.memory_space<semaphore_mem>>)
    %dma_start3A_231 = arith.constant 0 : i32
    %dma_start3A_232 = arith.constant 0 : i32
    %dma_start3A_233 = tpu.memref_slice %arg3[%add3A_212, %dma_start3A_231, %dma_start3A_232] : memref<1024x96x96xf32, #tpu.memory_space<hbm>> -> memref<1x96x96xf32, #tpu.memory_space<hbm>>
    %dma_start3A_234 = tpu.memref_squeeze %dma_start3A_233 : memref<1x96x96xf32, #tpu.memory_space<hbm>> -> memref<96x96xf32, #tpu.memory_space<hbm>>
    %dma_start3A_235 = arith.constant 0 : i32
    %dma_start3A_236 = arith.constant 0 : i32
    %dma_start3A_237 = tpu.memref_slice %arg3[%add3A_212, %dma_start3A_235, %dma_start3A_236] : memref<1024x96x96xf32, #tpu.memory_space<hbm>> -> memref<1x96x96xf32, #tpu.memory_space<hbm>>
    %dma_start3A_238 = tpu.memref_squeeze %dma_start3A_237 : memref<1x96x96xf32, #tpu.memory_space<hbm>> -> memref<96x96xf32, #tpu.memory_space<hbm>>
    tpu.enqueue_dma source(%dma_start3A_238 : memref<96x96xf32, #tpu.memory_space<hbm>>) target(%arg11 : memref<96x96xf32, #tpu.memory_space<vmem>>) target_semaphore(%arg15 : memref<!tpu.dma_semaphore, #tpu.memory_space<semaphore_mem>>)
    %dma_start3A_239 = arith.constant 0 : i32
    %dma_start3A_240 = arith.constant 0 : i32
    %dma_start3A_241 = tpu.memref_slice %arg3[%add3A_214, %dma_start3A_239, %dma_start3A_240] : memref<1024x96x96xf32, #tpu.memory_space<hbm>> -> memref<1x96x96xf32, #tpu.memory_space<hbm>>
    %dma_start3A_242 = tpu.memref_squeeze %dma_start3A_241 : memref<1x96x96xf32, #tpu.memory_space<hbm>> -> memref<96x96xf32, #tpu.memory_space<hbm>>
    %dma_start3A_243 = arith.constant 0 : i32
    %dma_start3A_244 = arith.constant 0 : i32
    %dma_start3A_245 = tpu.memref_slice %arg3[%add3A_214, %dma_start3A_243, %dma_start3A_244] : memref<1024x96x96xf32, #tpu.memory_space<hbm>> -> memref<1x96x96xf32, #tpu.memory_space<hbm>>
    %dma_start3A_246 = tpu.memref_squeeze %dma_start3A_245 : memref<1x96x96xf32, #tpu.memory_space<hbm>> -> memref<96x96xf32, #tpu.memory_space<hbm>>
    tpu.enqueue_dma source(%dma_start3A_246 : memref<96x96xf32, #tpu.memory_space<hbm>>) target(%arg12 : memref<96x96xf32, #tpu.memory_space<vmem>>) target_semaphore(%arg15 : memref<!tpu.dma_semaphore, #tpu.memory_space<semaphore_mem>>)
    %dma_wait3A_247 = arith.constant 0 : i32
    %dma_wait3A_248 = arith.constant 0 : i32
    %dma_wait3A_249 = tpu.memref_slice %arg2[%add3A_128, %dma_wait3A_247, %dma_wait3A_248] : memref<512x96x96xf32, #tpu.memory_space<hbm>> -> memref<1x96x96xf32, #tpu.memory_space<hbm>>
    %dma_wait3A_250 = tpu.memref_squeeze %dma_wait3A_249 : memref<1x96x96xf32, #tpu.memory_space<hbm>> -> memref<96x96xf32, #tpu.memory_space<hbm>>
    %dma_wait3A_251 = arith.constant 0 : i32
    %dma_wait3A_252 = arith.constant 0 : i32
    %dma_wait3A_253 = tpu.memref_slice %arg2[%add3A_128, %dma_wait3A_251, %dma_wait3A_252] : memref<512x96x96xf32, #tpu.memory_space<hbm>> -> memref<1x96x96xf32, #tpu.memory_space<hbm>>
    %dma_wait3A_254 = tpu.memref_squeeze %dma_wait3A_253 : memref<1x96x96xf32, #tpu.memory_space<hbm>> -> memref<96x96xf32, #tpu.memory_space<hbm>>
    tpu.wait_dma2 semaphore(%arg14 : memref<!tpu.dma_semaphore, #tpu.memory_space<semaphore_mem>>) src(%dma_wait3A_254 : memref<96x96xf32, #tpu.memory_space<hbm>>) dst(%arg5 : memref<96x96xf32, #tpu.memory_space<vmem>>)
    %dma_wait3A_255 = arith.constant 0 : i32
    %dma_wait3A_256 = arith.constant 0 : i32
    %dma_wait3A_257 = tpu.memref_slice %arg3[%add3A_130, %dma_wait3A_255, %dma_wait3A_256] : memref<1024x96x96xf32, #tpu.memory_space<hbm>> -> memref<1x96x96xf32, #tpu.memory_space<hbm>>
    %dma_wait3A_258 = tpu.memref_squeeze %dma_wait3A_257 : memref<1x96x96xf32, #tpu.memory_space<hbm>> -> memref<96x96xf32, #tpu.memory_space<hbm>>
    %dma_wait3A_259 = arith.constant 0 : i32
    %dma_wait3A_260 = arith.constant 0 : i32
    %dma_wait3A_261 = tpu.memref_slice %arg3[%add3A_130, %dma_wait3A_259, %dma_wait3A_260] : memref<1024x96x96xf32, #tpu.memory_space<hbm>> -> memref<1x96x96xf32, #tpu.memory_space<hbm>>
    %dma_wait3A_262 = tpu.memref_squeeze %dma_wait3A_261 : memref<1x96x96xf32, #tpu.memory_space<hbm>> -> memref<96x96xf32, #tpu.memory_space<hbm>>
    tpu.wait_dma2 semaphore(%arg14 : memref<!tpu.dma_semaphore, #tpu.memory_space<semaphore_mem>>) src(%dma_wait3A_262 : memref<96x96xf32, #tpu.memory_space<hbm>>) dst(%arg6 : memref<96x96xf32, #tpu.memory_space<vmem>>)
    %dma_wait3A_263 = arith.constant 0 : i32
    %dma_wait3A_264 = arith.constant 0 : i32
    %dma_wait3A_265 = tpu.memref_slice %arg3[%add3A_132, %dma_wait3A_263, %dma_wait3A_264] : memref<1024x96x96xf32, #tpu.memory_space<hbm>> -> memref<1x96x96xf32, #tpu.memory_space<hbm>>
    %dma_wait3A_266 = tpu.memref_squeeze %dma_wait3A_265 : memref<1x96x96xf32, #tpu.memory_space<hbm>> -> memref<96x96xf32, #tpu.memory_space<hbm>>
    %dma_wait3A_267 = arith.constant 0 : i32
    %dma_wait3A_268 = arith.constant 0 : i32
    %dma_wait3A_269 = tpu.memref_slice %arg3[%add3A_132, %dma_wait3A_267, %dma_wait3A_268] : memref<1024x96x96xf32, #tpu.memory_space<hbm>> -> memref<1x96x96xf32, #tpu.memory_space<hbm>>
    %dma_wait3A_270 = tpu.memref_squeeze %dma_wait3A_269 : memref<1x96x96xf32, #tpu.memory_space<hbm>> -> memref<96x96xf32, #tpu.memory_space<hbm>>
    tpu.wait_dma2 semaphore(%arg14 : memref<!tpu.dma_semaphore, #tpu.memory_space<semaphore_mem>>) src(%dma_wait3A_270 : memref<96x96xf32, #tpu.memory_space<hbm>>) dst(%arg7 : memref<96x96xf32, #tpu.memory_space<vmem>>)
    %dma_wait3A_271 = arith.constant 0 : i32
    %dma_wait3A_272 = arith.constant 0 : i32
    %dma_wait3A_273 = tpu.memref_slice %arg3[%add3A_134, %dma_wait3A_271, %dma_wait3A_272] : memref<1024x96x96xf32, #tpu.memory_space<hbm>> -> memref<1x96x96xf32, #tpu.memory_space<hbm>>
    %dma_wait3A_274 = tpu.memref_squeeze %dma_wait3A_273 : memref<1x96x96xf32, #tpu.memory_space<hbm>> -> memref<96x96xf32, #tpu.memory_space<hbm>>
    %dma_wait3A_275 = arith.constant 0 : i32
    %dma_wait3A_276 = arith.constant 0 : i32
    %dma_wait3A_277 = tpu.memref_slice %arg3[%add3A_134, %dma_wait3A_275, %dma_wait3A_276] : memref<1024x96x96xf32, #tpu.memory_space<hbm>> -> memref<1x96x96xf32, #tpu.memory_space<hbm>>
    %dma_wait3A_278 = tpu.memref_squeeze %dma_wait3A_277 : memref<1x96x96xf32, #tpu.memory_space<hbm>> -> memref<96x96xf32, #tpu.memory_space<hbm>>
    tpu.wait_dma2 semaphore(%arg14 : memref<!tpu.dma_semaphore, #tpu.memory_space<semaphore_mem>>) src(%dma_wait3A_278 : memref<96x96xf32, #tpu.memory_space<hbm>>) dst(%arg8 : memref<96x96xf32, #tpu.memory_space<vmem>>)
    %parallel_loop3A_279 = arith.constant 0 : i32
    %parallel_loop3A_280 = arith.constant 96 : i32
    %parallel_loop3A_281 = arith.constant 1 : i32
    %parallel_loop3A_282:2 = scf.for %parallel_loop3A_490 = %parallel_loop3A_279 to %parallel_loop3A_280 step %parallel_loop3A_281 iter_args(%parallel_loop3A_491 = %parallel_loop3A_202#0, %parallel_loop3A_492 = %parallel_loop3A_202#1) -> (vector<16xf32>, vector<16xf32>)  : i32 {
      %parallel_loop3A_493 = arith.index_cast %parallel_loop3A_490 : i32 to index
      %parallel_loop3A_494 = arith.constant 0 : index
      %parallel_loop3A_495 = tpu.vector_load %arg5[%parallel_loop3A_493, %parallel_loop3A_494] {strides = array<i32>} : memref<96x96xf32, #tpu.memory_space<vmem>>, vector<1x16xf32>,
      %parallel_loop3A_496 = vector.shape_cast %parallel_loop3A_495 : vector<1x16xf32> to vector<16xf32>
      %parallel_loop3A_497 = arith.index_cast %parallel_loop3A_490 : i32 to index
      %parallel_loop3A_498 = arith.constant 0 : index
      %parallel_loop3A_499 = tpu.vector_load %arg6[%parallel_loop3A_497, %parallel_loop3A_498] {strides = array<i32>} : memref<96x96xf32, #tpu.memory_space<vmem>>, vector<1x16xf32>,
      %parallel_loop3A_500 = vector.shape_cast %parallel_loop3A_499 : vector<1x16xf32> to vector<16xf32>
      %parallel_loop3A_501 = arith.subf %parallel_loop3A_496, %parallel_loop3A_500 : vector<16xf32>
      %parallel_loop3A_502 = math.absf %parallel_loop3A_501 : vector<16xf32>
      %parallel_loop3A_503 = arith.constant 1.000000e+00 : f32
      %parallel_loop3A_504 = vector.broadcast %parallel_loop3A_503 : f32 to vector<16xf32>
      %parallel_loop3A_505 = arith.cmpf olt, %parallel_loop3A_502, %parallel_loop3A_504 : vector<16xf32>
      %parallel_loop3A_506 = arith.constant 5.000000e-01 : f32
      %parallel_loop3A_507 = vector.broadcast %parallel_loop3A_506 : f32 to vector<16xf32>
      %parallel_loop3A_508 = arith.mulf %parallel_loop3A_507, %parallel_loop3A_501 : vector<16xf32>
      %parallel_loop3A_509 = arith.mulf %parallel_loop3A_508, %parallel_loop3A_501 : vector<16xf32>
      %parallel_loop3A_510 = arith.constant 5.000000e-01 : f32
      %parallel_loop3A_511 = vector.broadcast %parallel_loop3A_510 : f32 to vector<16xf32>
      %parallel_loop3A_512 = arith.subf %parallel_loop3A_502, %parallel_loop3A_511 : vector<16xf32>
      %parallel_loop3A_513 = arith.select %parallel_loop3A_505, %parallel_loop3A_509, %parallel_loop3A_512 : vector<16xi1>, vector<16xf32>
      %parallel_loop3A_514 = arith.index_cast %parallel_loop3A_490 : i32 to index
      %parallel_loop3A_515 = arith.constant 0 : index
      %parallel_loop3A_516 = tpu.vector_load %arg7[%parallel_loop3A_514, %parallel_loop3A_515] {strides = array<i32>} : memref<96x96xf32, #tpu.memory_space<vmem>>, vector<1x16xf32>,
      %parallel_loop3A_517 = vector.shape_cast %parallel_loop3A_516 : vector<1x16xf32> to vector<16xf32>
      %parallel_loop3A_518 = arith.constant 0.000000e+00 : f32
      %parallel_loop3A_519 = vector.broadcast %parallel_loop3A_518 : f32 to vector<16xf32>
      %parallel_loop3A_520 = arith.cmpf ogt, %parallel_loop3A_517, %parallel_loop3A_519 : vector<16xf32>
      %parallel_loop3A_521 = arith.constant 0.000000e+00 : f32
      %parallel_loop3A_522 = vector.broadcast %parallel_loop3A_521 : f32 to vector<16xf32>
      %parallel_loop3A_523 = arith.select %parallel_loop3A_520, %parallel_loop3A_513, %parallel_loop3A_522 : vector<16xi1>, vector<16xf32>
      %parallel_loop3A_524 = arith.addf %parallel_loop3A_491, %parallel_loop3A_523 : vector<16xf32>
      %parallel_loop3A_525 = arith.index_cast %parallel_loop3A_490 : i32 to index
      %parallel_loop3A_526 = arith.constant 0 : index
      %parallel_loop3A_527 = tpu.vector_load %arg8[%parallel_loop3A_525, %parallel_loop3A_526] {strides = array<i32>} : memref<96x96xf32, #tpu.memory_space<vmem>>, vector<1x16xf32>,
      %parallel_loop3A_528 = vector.shape_cast %parallel_loop3A_527 : vector<1x16xf32> to vector<16xf32>
      %parallel_loop3A_529 = arith.addf %parallel_loop3A_492, %parallel_loop3A_528 : vector<16xf32>
      %parallel_loop3A_530 = arith.index_cast %parallel_loop3A_490 : i32 to index
      %parallel_loop3A_531 = arith.constant 16 : index
      %parallel_loop3A_532 = tpu.vector_load %arg5[%parallel_loop3A_530, %parallel_loop3A_531] {strides = array<i32>} : memref<96x96xf32, #tpu.memory_space<vmem>>, vector<1x16xf32>,
      %parallel_loop3A_533 = vector.shape_cast %parallel_loop3A_532 : vector<1x16xf32> to vector<16xf32>
      %parallel_loop3A_534 = arith.index_cast %parallel_loop3A_490 : i32 to index
      %parallel_loop3A_535 = arith.constant 16 : index
      %parallel_loop3A_536 = tpu.vector_load %arg6[%parallel_loop3A_534, %parallel_loop3A_535] {strides = array<i32>} : memref<96x96xf32, #tpu.memory_space<vmem>>, vector<1x16xf32>,
      %parallel_loop3A_537 = vector.shape_cast %parallel_loop3A_536 : vector<1x16xf32> to vector<16xf32>
      %parallel_loop3A_538 = arith.subf %parallel_loop3A_533, %parallel_loop3A_537 : vector<16xf32>
      %parallel_loop3A_539 = math.absf %parallel_loop3A_538 : vector<16xf32>
      %parallel_loop3A_540 = arith.constant 1.000000e+00 : f32
      %parallel_loop3A_541 = vector.broadcast %parallel_loop3A_540 : f32 to vector<16xf32>
      %parallel_loop3A_542 = arith.cmpf olt, %parallel_loop3A_539, %parallel_loop3A_541 : vector<16xf32>
      %parallel_loop3A_543 = arith.constant 5.000000e-01 : f32
      %parallel_loop3A_544 = vector.broadcast %parallel_loop3A_543 : f32 to vector<16xf32>
      %parallel_loop3A_545 = arith.mulf %parallel_loop3A_544, %parallel_loop3A_538 : vector<16xf32>
      %parallel_loop3A_546 = arith.mulf %parallel_loop3A_545, %parallel_loop3A_538 : vector<16xf32>
      %parallel_loop3A_547 = arith.constant 5.000000e-01 : f32
      %parallel_loop3A_548 = vector.broadcast %parallel_loop3A_547 : f32 to vector<16xf32>
      %parallel_loop3A_549 = arith.subf %parallel_loop3A_539, %parallel_loop3A_548 : vector<16xf32>
      %parallel_loop3A_550 = arith.select %parallel_loop3A_542, %parallel_loop3A_546, %parallel_loop3A_549 : vector<16xi1>, vector<16xf32>
      %parallel_loop3A_551 = arith.index_cast %parallel_loop3A_490 : i32 to index
      %parallel_loop3A_552 = arith.constant 16 : index
      %parallel_loop3A_553 = tpu.vector_load %arg7[%parallel_loop3A_551, %parallel_loop3A_552] {strides = array<i32>} : memref<96x96xf32, #tpu.memory_space<vmem>>, vector<1x16xf32>,
      %parallel_loop3A_554 = vector.shape_cast %parallel_loop3A_553 : vector<1x16xf32> to vector<16xf32>
      %parallel_loop3A_555 = arith.constant 0.000000e+00 : f32
      %parallel_loop3A_556 = vector.broadcast %parallel_loop3A_555 : f32 to vector<16xf32>
      %parallel_loop3A_557 = arith.cmpf ogt, %parallel_loop3A_554, %parallel_loop3A_556 : vector<16xf32>
      %parallel_loop3A_558 = arith.constant 0.000000e+00 : f32
      %parallel_loop3A_559 = vector.broadcast %parallel_loop3A_558 : f32 to vector<16xf32>
      %parallel_loop3A_560 = arith.select %parallel_loop3A_557, %parallel_loop3A_550, %parallel_loop3A_559 : vector<16xi1>, vector<16xf32>
      %parallel_loop3A_561 = arith.addf %parallel_loop3A_524, %parallel_loop3A_560 : vector<16xf32>
      %parallel_loop3A_562 = arith.index_cast %parallel_loop3A_490 : i32 to index
      %parallel_loop3A_563 = arith.constant 16 : index
      %parallel_loop3A_564 = tpu.vector_load %arg8[%parallel_loop3A_562, %parallel_loop3A_563] {strides = array<i32>} : memref<96x96xf32, #tpu.memory_space<vmem>>, vector<1x16xf32>,
      %parallel_loop3A_565 = vector.shape_cast %parallel_loop3A_564 : vector<1x16xf32> to vector<16xf32>
      %parallel_loop3A_566 = arith.addf %parallel_loop3A_529, %parallel_loop3A_565 : vector<16xf32>
      %parallel_loop3A_567 = arith.index_cast %parallel_loop3A_490 : i32 to index
      %parallel_loop3A_568 = arith.constant 32 : index
      %parallel_loop3A_569 = tpu.vector_load %arg5[%parallel_loop3A_567, %parallel_loop3A_568] {strides = array<i32>} : memref<96x96xf32, #tpu.memory_space<vmem>>, vector<1x16xf32>,
      %parallel_loop3A_570 = vector.shape_cast %parallel_loop3A_569 : vector<1x16xf32> to vector<16xf32>
      %parallel_loop3A_571 = arith.index_cast %parallel_loop3A_490 : i32 to index
      %parallel_loop3A_572 = arith.constant 32 : index
      %parallel_loop3A_573 = tpu.vector_load %arg6[%parallel_loop3A_571, %parallel_loop3A_572] {strides = array<i32>} : memref<96x96xf32, #tpu.memory_space<vmem>>, vector<1x16xf32>,
      %parallel_loop3A_574 = vector.shape_cast %parallel_loop3A_573 : vector<1x16xf32> to vector<16xf32>
      %parallel_loop3A_575 = arith.subf %parallel_loop3A_570, %parallel_loop3A_574 : vector<16xf32>
      %parallel_loop3A_576 = math.absf %parallel_loop3A_575 : vector<16xf32>
      %parallel_loop3A_577 = arith.constant 1.000000e+00 : f32
      %parallel_loop3A_578 = vector.broadcast %parallel_loop3A_577 : f32 to vector<16xf32>
      %parallel_loop3A_579 = arith.cmpf olt, %parallel_loop3A_576, %parallel_loop3A_578 : vector<16xf32>
      %parallel_loop3A_580 = arith.constant 5.000000e-01 : f32
      %parallel_loop3A_581 = vector.broadcast %parallel_loop3A_580 : f32 to vector<16xf32>
      %parallel_loop3A_582 = arith.mulf %parallel_loop3A_581, %parallel_loop3A_575 : vector<16xf32>
      %parallel_loop3A_583 = arith.mulf %parallel_loop3A_582, %parallel_loop3A_575 : vector<16xf32>
      %parallel_loop3A_584 = arith.constant 5.000000e-01 : f32
      %parallel_loop3A_585 = vector.broadcast %parallel_loop3A_584 : f32 to vector<16xf32>
      %parallel_loop3A_586 = arith.subf %parallel_loop3A_576, %parallel_loop3A_585 : vector<16xf32>
      %parallel_loop3A_587 = arith.select %parallel_loop3A_579, %parallel_loop3A_583, %parallel_loop3A_586 : vector<16xi1>, vector<16xf32>
      %parallel_loop3A_588 = arith.index_cast %parallel_loop3A_490 : i32 to index
      %parallel_loop3A_589 = arith.constant 32 : index
      %parallel_loop3A_590 = tpu.vector_load %arg7[%parallel_loop3A_588, %parallel_loop3A_589] {strides = array<i32>} : memref<96x96xf32, #tpu.memory_space<vmem>>, vector<1x16xf32>,
      %parallel_loop3A_591 = vector.shape_cast %parallel_loop3A_590 : vector<1x16xf32> to vector<16xf32>
      %parallel_loop3A_592 = arith.constant 0.000000e+00 : f32
      %parallel_loop3A_593 = vector.broadcast %parallel_loop3A_592 : f32 to vector<16xf32>
      %parallel_loop3A_594 = arith.cmpf ogt, %parallel_loop3A_591, %parallel_loop3A_593 : vector<16xf32>
      %parallel_loop3A_595 = arith.constant 0.000000e+00 : f32
      %parallel_loop3A_596 = vector.broadcast %parallel_loop3A_595 : f32 to vector<16xf32>
      %parallel_loop3A_597 = arith.select %parallel_loop3A_594, %parallel_loop3A_587, %parallel_loop3A_596 : vector<16xi1>, vector<16xf32>
      %parallel_loop3A_598 = arith.addf %parallel_loop3A_561, %parallel_loop3A_597 : vector<16xf32>
      %parallel_loop3A_599 = arith.index_cast %parallel_loop3A_490 : i32 to index
      %parallel_loop3A_600 = arith.constant 32 : index
      %parallel_loop3A_601 = tpu.vector_load %arg8[%parallel_loop3A_599, %parallel_loop3A_600] {strides = array<i32>} : memref<96x96xf32, #tpu.memory_space<vmem>>, vector<1x16xf32>,
      %parallel_loop3A_602 = vector.shape_cast %parallel_loop3A_601 : vector<1x16xf32> to vector<16xf32>
      %parallel_loop3A_603 = arith.addf %parallel_loop3A_566, %parallel_loop3A_602 : vector<16xf32>
      %parallel_loop3A_604 = arith.index_cast %parallel_loop3A_490 : i32 to index
      %parallel_loop3A_605 = arith.constant 48 : index
      %parallel_loop3A_606 = tpu.vector_load %arg5[%parallel_loop3A_604, %parallel_loop3A_605] {strides = array<i32>} : memref<96x96xf32, #tpu.memory_space<vmem>>, vector<1x16xf32>,
      %parallel_loop3A_607 = vector.shape_cast %parallel_loop3A_606 : vector<1x16xf32> to vector<16xf32>
      %parallel_loop3A_608 = arith.index_cast %parallel_loop3A_490 : i32 to index
      %parallel_loop3A_609 = arith.constant 48 : index
      %parallel_loop3A_610 = tpu.vector_load %arg6[%parallel_loop3A_608, %parallel_loop3A_609] {strides = array<i32>} : memref<96x96xf32, #tpu.memory_space<vmem>>, vector<1x16xf32>,
      %parallel_loop3A_611 = vector.shape_cast %parallel_loop3A_610 : vector<1x16xf32> to vector<16xf32>
      %parallel_loop3A_612 = arith.subf %parallel_loop3A_607, %parallel_loop3A_611 : vector<16xf32>
      %parallel_loop3A_613 = math.absf %parallel_loop3A_612 : vector<16xf32>
      %parallel_loop3A_614 = arith.constant 1.000000e+00 : f32
      %parallel_loop3A_615 = vector.broadcast %parallel_loop3A_614 : f32 to vector<16xf32>
      %parallel_loop3A_616 = arith.cmpf olt, %parallel_loop3A_613, %parallel_loop3A_615 : vector<16xf32>
      %parallel_loop3A_617 = arith.constant 5.000000e-01 : f32
      %parallel_loop3A_618 = vector.broadcast %parallel_loop3A_617 : f32 to vector<16xf32>
      %parallel_loop3A_619 = arith.mulf %parallel_loop3A_618, %parallel_loop3A_612 : vector<16xf32>
      %parallel_loop3A_620 = arith.mulf %parallel_loop3A_619, %parallel_loop3A_612 : vector<16xf32>
      %parallel_loop3A_621 = arith.constant 5.000000e-01 : f32
      %parallel_loop3A_622 = vector.broadcast %parallel_loop3A_621 : f32 to vector<16xf32>
      %parallel_loop3A_623 = arith.subf %parallel_loop3A_613, %parallel_loop3A_622 : vector<16xf32>
      %parallel_loop3A_624 = arith.select %parallel_loop3A_616, %parallel_loop3A_620, %parallel_loop3A_623 : vector<16xi1>, vector<16xf32>
      %parallel_loop3A_625 = arith.index_cast %parallel_loop3A_490 : i32 to index
      %parallel_loop3A_626 = arith.constant 48 : index
      %parallel_loop3A_627 = tpu.vector_load %arg7[%parallel_loop3A_625, %parallel_loop3A_626] {strides = array<i32>} : memref<96x96xf32, #tpu.memory_space<vmem>>, vector<1x16xf32>,
      %parallel_loop3A_628 = vector.shape_cast %parallel_loop3A_627 : vector<1x16xf32> to vector<16xf32>
      %parallel_loop3A_629 = arith.constant 0.000000e+00 : f32
      %parallel_loop3A_630 = vector.broadcast %parallel_loop3A_629 : f32 to vector<16xf32>
      %parallel_loop3A_631 = arith.cmpf ogt, %parallel_loop3A_628, %parallel_loop3A_630 : vector<16xf32>
      %parallel_loop3A_632 = arith.constant 0.000000e+00 : f32
      %parallel_loop3A_633 = vector.broadcast %parallel_loop3A_632 : f32 to vector<16xf32>
      %parallel_loop3A_634 = arith.select %parallel_loop3A_631, %parallel_loop3A_624, %parallel_loop3A_633 : vector<16xi1>, vector<16xf32>
      %parallel_loop3A_635 = arith.addf %parallel_loop3A_598, %parallel_loop3A_634 : vector<16xf32>
      %parallel_loop3A_636 = arith.index_cast %parallel_loop3A_490 : i32 to index
      %parallel_loop3A_637 = arith.constant 48 : index
      %parallel_loop3A_638 = tpu.vector_load %arg8[%parallel_loop3A_636, %parallel_loop3A_637] {strides = array<i32>} : memref<96x96xf32, #tpu.memory_space<vmem>>, vector<1x16xf32>,
      %parallel_loop3A_639 = vector.shape_cast %parallel_loop3A_638 : vector<1x16xf32> to vector<16xf32>
      %parallel_loop3A_640 = arith.addf %parallel_loop3A_603, %parallel_loop3A_639 : vector<16xf32>
      %parallel_loop3A_641 = arith.index_cast %parallel_loop3A_490 : i32 to index
      %parallel_loop3A_642 = arith.constant 64 : index
      %parallel_loop3A_643 = tpu.vector_load %arg5[%parallel_loop3A_641, %parallel_loop3A_642] {strides = array<i32>} : memref<96x96xf32, #tpu.memory_space<vmem>>, vector<1x16xf32>,
      %parallel_loop3A_644 = vector.shape_cast %parallel_loop3A_643 : vector<1x16xf32> to vector<16xf32>
      %parallel_loop3A_645 = arith.index_cast %parallel_loop3A_490 : i32 to index
      %parallel_loop3A_646 = arith.constant 64 : index
      %parallel_loop3A_647 = tpu.vector_load %arg6[%parallel_loop3A_645, %parallel_loop3A_646] {strides = array<i32>} : memref<96x96xf32, #tpu.memory_space<vmem>>, vector<1x16xf32>,
      %parallel_loop3A_648 = vector.shape_cast %parallel_loop3A_647 : vector<1x16xf32> to vector<16xf32>
      %parallel_loop3A_649 = arith.subf %parallel_loop3A_644, %parallel_loop3A_648 : vector<16xf32>
      %parallel_loop3A_650 = math.absf %parallel_loop3A_649 : vector<16xf32>
      %parallel_loop3A_651 = arith.constant 1.000000e+00 : f32
      %parallel_loop3A_652 = vector.broadcast %parallel_loop3A_651 : f32 to vector<16xf32>
      %parallel_loop3A_653 = arith.cmpf olt, %parallel_loop3A_650, %parallel_loop3A_652 : vector<16xf32>
      %parallel_loop3A_654 = arith.constant 5.000000e-01 : f32
      %parallel_loop3A_655 = vector.broadcast %parallel_loop3A_654 : f32 to vector<16xf32>
      %parallel_loop3A_656 = arith.mulf %parallel_loop3A_655, %parallel_loop3A_649 : vector<16xf32>
      %parallel_loop3A_657 = arith.mulf %parallel_loop3A_656, %parallel_loop3A_649 : vector<16xf32>
      %parallel_loop3A_658 = arith.constant 5.000000e-01 : f32
      %parallel_loop3A_659 = vector.broadcast %parallel_loop3A_658 : f32 to vector<16xf32>
      %parallel_loop3A_660 = arith.subf %parallel_loop3A_650, %parallel_loop3A_659 : vector<16xf32>
      %parallel_loop3A_661 = arith.select %parallel_loop3A_653, %parallel_loop3A_657, %parallel_loop3A_660 : vector<16xi1>, vector<16xf32>
      %parallel_loop3A_662 = arith.index_cast %parallel_loop3A_490 : i32 to index
      %parallel_loop3A_663 = arith.constant 64 : index
      %parallel_loop3A_664 = tpu.vector_load %arg7[%parallel_loop3A_662, %parallel_loop3A_663] {strides = array<i32>} : memref<96x96xf32, #tpu.memory_space<vmem>>, vector<1x16xf32>,
      %parallel_loop3A_665 = vector.shape_cast %parallel_loop3A_664 : vector<1x16xf32> to vector<16xf32>
      %parallel_loop3A_666 = arith.constant 0.000000e+00 : f32
      %parallel_loop3A_667 = vector.broadcast %parallel_loop3A_666 : f32 to vector<16xf32>
      %parallel_loop3A_668 = arith.cmpf ogt, %parallel_loop3A_665, %parallel_loop3A_667 : vector<16xf32>
      %parallel_loop3A_669 = arith.constant 0.000000e+00 : f32
      %parallel_loop3A_670 = vector.broadcast %parallel_loop3A_669 : f32 to vector<16xf32>
      %parallel_loop3A_671 = arith.select %parallel_loop3A_668, %parallel_loop3A_661, %parallel_loop3A_670 : vector<16xi1>, vector<16xf32>
      %parallel_loop3A_672 = arith.addf %parallel_loop3A_635, %parallel_loop3A_671 : vector<16xf32>
      %parallel_loop3A_673 = arith.index_cast %parallel_loop3A_490 : i32 to index
      %parallel_loop3A_674 = arith.constant 64 : index
      %parallel_loop3A_675 = tpu.vector_load %arg8[%parallel_loop3A_673, %parallel_loop3A_674] {strides = array<i32>} : memref<96x96xf32, #tpu.memory_space<vmem>>, vector<1x16xf32>,
      %parallel_loop3A_676 = vector.shape_cast %parallel_loop3A_675 : vector<1x16xf32> to vector<16xf32>
      %parallel_loop3A_677 = arith.addf %parallel_loop3A_640, %parallel_loop3A_676 : vector<16xf32>
      %parallel_loop3A_678 = arith.index_cast %parallel_loop3A_490 : i32 to index
      %parallel_loop3A_679 = arith.constant 80 : index
      %parallel_loop3A_680 = tpu.vector_load %arg5[%parallel_loop3A_678, %parallel_loop3A_679] {strides = array<i32>} : memref<96x96xf32, #tpu.memory_space<vmem>>, vector<1x16xf32>,
      %parallel_loop3A_681 = vector.shape_cast %parallel_loop3A_680 : vector<1x16xf32> to vector<16xf32>
      %parallel_loop3A_682 = arith.index_cast %parallel_loop3A_490 : i32 to index
      %parallel_loop3A_683 = arith.constant 80 : index
      %parallel_loop3A_684 = tpu.vector_load %arg6[%parallel_loop3A_682, %parallel_loop3A_683] {strides = array<i32>} : memref<96x96xf32, #tpu.memory_space<vmem>>, vector<1x16xf32>,
      %parallel_loop3A_685 = vector.shape_cast %parallel_loop3A_684 : vector<1x16xf32> to vector<16xf32>
      %parallel_loop3A_686 = arith.subf %parallel_loop3A_681, %parallel_loop3A_685 : vector<16xf32>
      %parallel_loop3A_687 = math.absf %parallel_loop3A_686 : vector<16xf32>
      %parallel_loop3A_688 = arith.constant 1.000000e+00 : f32
      %parallel_loop3A_689 = vector.broadcast %parallel_loop3A_688 : f32 to vector<16xf32>
      %parallel_loop3A_690 = arith.cmpf olt, %parallel_loop3A_687, %parallel_loop3A_689 : vector<16xf32>
      %parallel_loop3A_691 = arith.constant 5.000000e-01 : f32
      %parallel_loop3A_692 = vector.broadcast %parallel_loop3A_691 : f32 to vector<16xf32>
      %parallel_loop3A_693 = arith.mulf %parallel_loop3A_692, %parallel_loop3A_686 : vector<16xf32>
      %parallel_loop3A_694 = arith.mulf %parallel_loop3A_693, %parallel_loop3A_686 : vector<16xf32>
      %parallel_loop3A_695 = arith.constant 5.000000e-01 : f32
      %parallel_loop3A_696 = vector.broadcast %parallel_loop3A_695 : f32 to vector<16xf32>
      %parallel_loop3A_697 = arith.subf %parallel_loop3A_687, %parallel_loop3A_696 : vector<16xf32>
      %parallel_loop3A_698 = arith.select %parallel_loop3A_690, %parallel_loop3A_694, %parallel_loop3A_697 : vector<16xi1>, vector<16xf32>
      %parallel_loop3A_699 = arith.index_cast %parallel_loop3A_490 : i32 to index
      %parallel_loop3A_700 = arith.constant 80 : index
      %parallel_loop3A_701 = tpu.vector_load %arg7[%parallel_loop3A_699, %parallel_loop3A_700] {strides = array<i32>} : memref<96x96xf32, #tpu.memory_space<vmem>>, vector<1x16xf32>,
      %parallel_loop3A_702 = vector.shape_cast %parallel_loop3A_701 : vector<1x16xf32> to vector<16xf32>
      %parallel_loop3A_703 = arith.constant 0.000000e+00 : f32
      %parallel_loop3A_704 = vector.broadcast %parallel_loop3A_703 : f32 to vector<16xf32>
      %parallel_loop3A_705 = arith.cmpf ogt, %parallel_loop3A_702, %parallel_loop3A_704 : vector<16xf32>
      %parallel_loop3A_706 = arith.constant 0.000000e+00 : f32
      %parallel_loop3A_707 = vector.broadcast %parallel_loop3A_706 : f32 to vector<16xf32>
      %parallel_loop3A_708 = arith.select %parallel_loop3A_705, %parallel_loop3A_698, %parallel_loop3A_707 : vector<16xi1>, vector<16xf32>
      %parallel_loop3A_709 = arith.addf %parallel_loop3A_672, %parallel_loop3A_708 : vector<16xf32>
      %parallel_loop3A_710 = arith.index_cast %parallel_loop3A_490 : i32 to index
      %parallel_loop3A_711 = arith.constant 80 : index
      %parallel_loop3A_712 = tpu.vector_load %arg8[%parallel_loop3A_710, %parallel_loop3A_711] {strides = array<i32>} : memref<96x96xf32, #tpu.memory_space<vmem>>, vector<1x16xf32>,
      %parallel_loop3A_713 = vector.shape_cast %parallel_loop3A_712 : vector<1x16xf32> to vector<16xf32>
      %parallel_loop3A_714 = arith.addf %parallel_loop3A_677, %parallel_loop3A_713 : vector<16xf32>
      scf.yield %parallel_loop3A_709, %parallel_loop3A_714 : vector<16xf32>, vector<16xf32>
    } {sc.loop_unroll_factor = 4 : i64, sc.parallel_access}
    %mul3A_283 = arith.constant 6 : i32
    %mul3A_284 = arith.muli %add3A, %mul3A_283 : i32
    %add3A_285 = arith.constant 4 : i32
    %add3A_286 = arith.addi %mul3A_284, %add3A_285 : i32
    %add3A_287 = arith.constant 256 : i32
    %add3A_288 = arith.addi %add3A_287, %add3A_286 : i32
    %add3A_289 = arith.constant 256 : i32
    %add3A_290 = arith.addi %add3A_289, %add3A_286 : i32
    %add3A_291 = arith.constant 512 : i32
    %add3A_292 = arith.addi %add3A_291, %add3A_286 : i32
    %add3A_293 = arith.constant 768 : i32
    %add3A_294 = arith.addi %add3A_293, %add3A_286 : i32
    %dma_start3A_295 = arith.constant 0 : i32
    %dma_start3A_296 = arith.constant 0 : i32
    %dma_start3A_297 = tpu.memref_slice %arg2[%add3A_288, %dma_start3A_295, %dma_start3A_296] : memref<512x96x96xf32, #tpu.memory_space<hbm>> -> memref<1x96x96xf32, #tpu.memory_space<hbm>>
    %dma_start3A_298 = tpu.memref_squeeze %dma_start3A_297 : memref<1x96x96xf32, #tpu.memory_space<hbm>> -> memref<96x96xf32, #tpu.memory_space<hbm>>
    %dma_start3A_299 = arith.constant 0 : i32
    %dma_start3A_300 = arith.constant 0 : i32
    %dma_start3A_301 = tpu.memref_slice %arg2[%add3A_288, %dma_start3A_299, %dma_start3A_300] : memref<512x96x96xf32, #tpu.memory_space<hbm>> -> memref<1x96x96xf32, #tpu.memory_space<hbm>>
    %dma_start3A_302 = tpu.memref_squeeze %dma_start3A_301 : memref<1x96x96xf32, #tpu.memory_space<hbm>> -> memref<96x96xf32, #tpu.memory_space<hbm>>
    tpu.enqueue_dma source(%dma_start3A_302 : memref<96x96xf32, #tpu.memory_space<hbm>>) target(%arg5 : memref<96x96xf32, #tpu.memory_space<vmem>>) target_semaphore(%arg14 : memref<!tpu.dma_semaphore, #tpu.memory_space<semaphore_mem>>)
    %dma_start3A_303 = arith.constant 0 : i32
    %dma_start3A_304 = arith.constant 0 : i32
    %dma_start3A_305 = tpu.memref_slice %arg3[%add3A_290, %dma_start3A_303, %dma_start3A_304] : memref<1024x96x96xf32, #tpu.memory_space<hbm>> -> memref<1x96x96xf32, #tpu.memory_space<hbm>>
    %dma_start3A_306 = tpu.memref_squeeze %dma_start3A_305 : memref<1x96x96xf32, #tpu.memory_space<hbm>> -> memref<96x96xf32, #tpu.memory_space<hbm>>
    %dma_start3A_307 = arith.constant 0 : i32
    %dma_start3A_308 = arith.constant 0 : i32
    %dma_start3A_309 = tpu.memref_slice %arg3[%add3A_290, %dma_start3A_307, %dma_start3A_308] : memref<1024x96x96xf32, #tpu.memory_space<hbm>> -> memref<1x96x96xf32, #tpu.memory_space<hbm>>
    %dma_start3A_310 = tpu.memref_squeeze %dma_start3A_309 : memref<1x96x96xf32, #tpu.memory_space<hbm>> -> memref<96x96xf32, #tpu.memory_space<hbm>>
    tpu.enqueue_dma source(%dma_start3A_310 : memref<96x96xf32, #tpu.memory_space<hbm>>) target(%arg6 : memref<96x96xf32, #tpu.memory_space<vmem>>) target_semaphore(%arg14 : memref<!tpu.dma_semaphore, #tpu.memory_space<semaphore_mem>>)
    %dma_start3A_311 = arith.constant 0 : i32
    %dma_start3A_312 = arith.constant 0 : i32
    %dma_start3A_313 = tpu.memref_slice %arg3[%add3A_292, %dma_start3A_311, %dma_start3A_312] : memref<1024x96x96xf32, #tpu.memory_space<hbm>> -> memref<1x96x96xf32, #tpu.memory_space<hbm>>
    %dma_start3A_314 = tpu.memref_squeeze %dma_start3A_313 : memref<1x96x96xf32, #tpu.memory_space<hbm>> -> memref<96x96xf32, #tpu.memory_space<hbm>>
    %dma_start3A_315 = arith.constant 0 : i32
    %dma_start3A_316 = arith.constant 0 : i32
    %dma_start3A_317 = tpu.memref_slice %arg3[%add3A_292, %dma_start3A_315, %dma_start3A_316] : memref<1024x96x96xf32, #tpu.memory_space<hbm>> -> memref<1x96x96xf32, #tpu.memory_space<hbm>>
    %dma_start3A_318 = tpu.memref_squeeze %dma_start3A_317 : memref<1x96x96xf32, #tpu.memory_space<hbm>> -> memref<96x96xf32, #tpu.memory_space<hbm>>
    tpu.enqueue_dma source(%dma_start3A_318 : memref<96x96xf32, #tpu.memory_space<hbm>>) target(%arg7 : memref<96x96xf32, #tpu.memory_space<vmem>>) target_semaphore(%arg14 : memref<!tpu.dma_semaphore, #tpu.memory_space<semaphore_mem>>)
    %dma_start3A_319 = arith.constant 0 : i32
    %dma_start3A_320 = arith.constant 0 : i32
    %dma_start3A_321 = tpu.memref_slice %arg3[%add3A_294, %dma_start3A_319, %dma_start3A_320] : memref<1024x96x96xf32, #tpu.memory_space<hbm>> -> memref<1x96x96xf32, #tpu.memory_space<hbm>>
    %dma_start3A_322 = tpu.memref_squeeze %dma_start3A_321 : memref<1x96x96xf32, #tpu.memory_space<hbm>> -> memref<96x96xf32, #tpu.memory_space<hbm>>
    %dma_start3A_323 = arith.constant 0 : i32
    %dma_start3A_324 = arith.constant 0 : i32
    %dma_start3A_325 = tpu.memref_slice %arg3[%add3A_294, %dma_start3A_323, %dma_start3A_324] : memref<1024x96x96xf32, #tpu.memory_space<hbm>> -> memref<1x96x96xf32, #tpu.memory_space<hbm>>
    %dma_start3A_326 = tpu.memref_squeeze %dma_start3A_325 : memref<1x96x96xf32, #tpu.memory_space<hbm>> -> memref<96x96xf32, #tpu.memory_space<hbm>>
    tpu.enqueue_dma source(%dma_start3A_326 : memref<96x96xf32, #tpu.memory_space<hbm>>) target(%arg8 : memref<96x96xf32, #tpu.memory_space<vmem>>) target_semaphore(%arg14 : memref<!tpu.dma_semaphore, #tpu.memory_space<semaphore_mem>>)
    %dma_wait3A_327 = arith.constant 0 : i32
    %dma_wait3A_328 = arith.constant 0 : i32
    %dma_wait3A_329 = tpu.memref_slice %arg2[%add3A_208, %dma_wait3A_327, %dma_wait3A_328] : memref<512x96x96xf32, #tpu.memory_space<hbm>> -> memref<1x96x96xf32, #tpu.memory_space<hbm>>
    %dma_wait3A_330 = tpu.memref_squeeze %dma_wait3A_329 : memref<1x96x96xf32, #tpu.memory_space<hbm>> -> memref<96x96xf32, #tpu.memory_space<hbm>>
    %dma_wait3A_331 = arith.constant 0 : i32
    %dma_wait3A_332 = arith.constant 0 : i32
    %dma_wait3A_333 = tpu.memref_slice %arg2[%add3A_208, %dma_wait3A_331, %dma_wait3A_332] : memref<512x96x96xf32, #tpu.memory_space<hbm>> -> memref<1x96x96xf32, #tpu.memory_space<hbm>>
    %dma_wait3A_334 = tpu.memref_squeeze %dma_wait3A_333 : memref<1x96x96xf32, #tpu.memory_space<hbm>> -> memref<96x96xf32, #tpu.memory_space<hbm>>
    tpu.wait_dma2 semaphore(%arg15 : memref<!tpu.dma_semaphore, #tpu.memory_space<semaphore_mem>>) src(%dma_wait3A_334 : memref<96x96xf32, #tpu.memory_space<hbm>>) dst(%arg9 : memref<96x96xf32, #tpu.memory_space<vmem>>)
    %dma_wait3A_335 = arith.constant 0 : i32
    %dma_wait3A_336 = arith.constant 0 : i32
    %dma_wait3A_337 = tpu.memref_slice %arg3[%add3A_210, %dma_wait3A_335, %dma_wait3A_336] : memref<1024x96x96xf32, #tpu.memory_space<hbm>> -> memref<1x96x96xf32, #tpu.memory_space<hbm>>
    %dma_wait3A_338 = tpu.memref_squeeze %dma_wait3A_337 : memref<1x96x96xf32, #tpu.memory_space<hbm>> -> memref<96x96xf32, #tpu.memory_space<hbm>>
    %dma_wait3A_339 = arith.constant 0 : i32
    %dma_wait3A_340 = arith.constant 0 : i32
    %dma_wait3A_341 = tpu.memref_slice %arg3[%add3A_210, %dma_wait3A_339, %dma_wait3A_340] : memref<1024x96x96xf32, #tpu.memory_space<hbm>> -> memref<1x96x96xf32, #tpu.memory_space<hbm>>
    %dma_wait3A_342 = tpu.memref_squeeze %dma_wait3A_341 : memref<1x96x96xf32, #tpu.memory_space<hbm>> -> memref<96x96xf32, #tpu.memory_space<hbm>>
    tpu.wait_dma2 semaphore(%arg15 : memref<!tpu.dma_semaphore, #tpu.memory_space<semaphore_mem>>) src(%dma_wait3A_342 : memref<96x96xf32, #tpu.memory_space<hbm>>) dst(%arg10 : memref<96x96xf32, #tpu.memory_space<vmem>>)
    %dma_wait3A_343 = arith.constant 0 : i32
    %dma_wait3A_344 = arith.constant 0 : i32
    %dma_wait3A_345 = tpu.memref_slice %arg3[%add3A_212, %dma_wait3A_343, %dma_wait3A_344] : memref<1024x96x96xf32, #tpu.memory_space<hbm>> -> memref<1x96x96xf32, #tpu.memory_space<hbm>>
    %dma_wait3A_346 = tpu.memref_squeeze %dma_wait3A_345 : memref<1x96x96xf32, #tpu.memory_space<hbm>> -> memref<96x96xf32, #tpu.memory_space<hbm>>
    %dma_wait3A_347 = arith.constant 0 : i32
    %dma_wait3A_348 = arith.constant 0 : i32
    %dma_wait3A_349 = tpu.memref_slice %arg3[%add3A_212, %dma_wait3A_347, %dma_wait3A_348] : memref<1024x96x96xf32, #tpu.memory_space<hbm>> -> memref<1x96x96xf32, #tpu.memory_space<hbm>>
    %dma_wait3A_350 = tpu.memref_squeeze %dma_wait3A_349 : memref<1x96x96xf32, #tpu.memory_space<hbm>> -> memref<96x96xf32, #tpu.memory_space<hbm>>
    tpu.wait_dma2 semaphore(%arg15 : memref<!tpu.dma_semaphore, #tpu.memory_space<semaphore_mem>>) src(%dma_wait3A_350 : memref<96x96xf32, #tpu.memory_space<hbm>>) dst(%arg11 : memref<96x96xf32, #tpu.memory_space<vmem>>)
    %dma_wait3A_351 = arith.constant 0 : i32
    %dma_wait3A_352 = arith.constant 0 : i32
    %dma_wait3A_353 = tpu.memref_slice %arg3[%add3A_214, %dma_wait3A_351, %dma_wait3A_352] : memref<1024x96x96xf32, #tpu.memory_space<hbm>> -> memref<1x96x96xf32, #tpu.memory_space<hbm>>
    %dma_wait3A_354 = tpu.memref_squeeze %dma_wait3A_353 : memref<1x96x96xf32, #tpu.memory_space<hbm>> -> memref<96x96xf32, #tpu.memory_space<hbm>>
    %dma_wait3A_355 = arith.constant 0 : i32
    %dma_wait3A_356 = arith.constant 0 : i32
    %dma_wait3A_357 = tpu.memref_slice %arg3[%add3A_214, %dma_wait3A_355, %dma_wait3A_356] : memref<1024x96x96xf32, #tpu.memory_space<hbm>> -> memref<1x96x96xf32, #tpu.memory_space<hbm>>
    %dma_wait3A_358 = tpu.memref_squeeze %dma_wait3A_357 : memref<1x96x96xf32, #tpu.memory_space<hbm>> -> memref<96x96xf32, #tpu.memory_space<hbm>>
    tpu.wait_dma2 semaphore(%arg15 : memref<!tpu.dma_semaphore, #tpu.memory_space<semaphore_mem>>) src(%dma_wait3A_358 : memref<96x96xf32, #tpu.memory_space<hbm>>) dst(%arg12 : memref<96x96xf32, #tpu.memory_space<vmem>>)
    %parallel_loop3A_359 = arith.constant 0 : i32
    %parallel_loop3A_360 = arith.constant 96 : i32
    %parallel_loop3A_361 = arith.constant 1 : i32
    %parallel_loop3A_362:2 = scf.for %parallel_loop3A_490 = %parallel_loop3A_359 to %parallel_loop3A_360 step %parallel_loop3A_361 iter_args(%parallel_loop3A_491 = %parallel_loop3A_282#0, %parallel_loop3A_492 = %parallel_loop3A_282#1) -> (vector<16xf32>, vector<16xf32>)  : i32 {
      %parallel_loop3A_493 = arith.index_cast %parallel_loop3A_490 : i32 to index
      %parallel_loop3A_494 = arith.constant 0 : index
      %parallel_loop3A_495 = tpu.vector_load %arg9[%parallel_loop3A_493, %parallel_loop3A_494] {strides = array<i32>} : memref<96x96xf32, #tpu.memory_space<vmem>>, vector<1x16xf32>,
      %parallel_loop3A_496 = vector.shape_cast %parallel_loop3A_495 : vector<1x16xf32> to vector<16xf32>
      %parallel_loop3A_497 = arith.index_cast %parallel_loop3A_490 : i32 to index
      %parallel_loop3A_498 = arith.constant 0 : index
      %parallel_loop3A_499 = tpu.vector_load %arg10[%parallel_loop3A_497, %parallel_loop3A_498] {strides = array<i32>} : memref<96x96xf32, #tpu.memory_space<vmem>>, vector<1x16xf32>,
      %parallel_loop3A_500 = vector.shape_cast %parallel_loop3A_499 : vector<1x16xf32> to vector<16xf32>
      %parallel_loop3A_501 = arith.subf %parallel_loop3A_496, %parallel_loop3A_500 : vector<16xf32>
      %parallel_loop3A_502 = math.absf %parallel_loop3A_501 : vector<16xf32>
      %parallel_loop3A_503 = arith.constant 1.000000e+00 : f32
      %parallel_loop3A_504 = vector.broadcast %parallel_loop3A_503 : f32 to vector<16xf32>
      %parallel_loop3A_505 = arith.cmpf olt, %parallel_loop3A_502, %parallel_loop3A_504 : vector<16xf32>
      %parallel_loop3A_506 = arith.constant 5.000000e-01 : f32
      %parallel_loop3A_507 = vector.broadcast %parallel_loop3A_506 : f32 to vector<16xf32>
      %parallel_loop3A_508 = arith.mulf %parallel_loop3A_507, %parallel_loop3A_501 : vector<16xf32>
      %parallel_loop3A_509 = arith.mulf %parallel_loop3A_508, %parallel_loop3A_501 : vector<16xf32>
      %parallel_loop3A_510 = arith.constant 5.000000e-01 : f32
      %parallel_loop3A_511 = vector.broadcast %parallel_loop3A_510 : f32 to vector<16xf32>
      %parallel_loop3A_512 = arith.subf %parallel_loop3A_502, %parallel_loop3A_511 : vector<16xf32>
      %parallel_loop3A_513 = arith.select %parallel_loop3A_505, %parallel_loop3A_509, %parallel_loop3A_512 : vector<16xi1>, vector<16xf32>
      %parallel_loop3A_514 = arith.index_cast %parallel_loop3A_490 : i32 to index
      %parallel_loop3A_515 = arith.constant 0 : index
      %parallel_loop3A_516 = tpu.vector_load %arg11[%parallel_loop3A_514, %parallel_loop3A_515] {strides = array<i32>} : memref<96x96xf32, #tpu.memory_space<vmem>>, vector<1x16xf32>,
      %parallel_loop3A_517 = vector.shape_cast %parallel_loop3A_516 : vector<1x16xf32> to vector<16xf32>
      %parallel_loop3A_518 = arith.constant 0.000000e+00 : f32
      %parallel_loop3A_519 = vector.broadcast %parallel_loop3A_518 : f32 to vector<16xf32>
      %parallel_loop3A_520 = arith.cmpf ogt, %parallel_loop3A_517, %parallel_loop3A_519 : vector<16xf32>
      %parallel_loop3A_521 = arith.constant 0.000000e+00 : f32
      %parallel_loop3A_522 = vector.broadcast %parallel_loop3A_521 : f32 to vector<16xf32>
      %parallel_loop3A_523 = arith.select %parallel_loop3A_520, %parallel_loop3A_513, %parallel_loop3A_522 : vector<16xi1>, vector<16xf32>
      %parallel_loop3A_524 = arith.addf %parallel_loop3A_491, %parallel_loop3A_523 : vector<16xf32>
      %parallel_loop3A_525 = arith.index_cast %parallel_loop3A_490 : i32 to index
      %parallel_loop3A_526 = arith.constant 0 : index
      %parallel_loop3A_527 = tpu.vector_load %arg12[%parallel_loop3A_525, %parallel_loop3A_526] {strides = array<i32>} : memref<96x96xf32, #tpu.memory_space<vmem>>, vector<1x16xf32>,
      %parallel_loop3A_528 = vector.shape_cast %parallel_loop3A_527 : vector<1x16xf32> to vector<16xf32>
      %parallel_loop3A_529 = arith.addf %parallel_loop3A_492, %parallel_loop3A_528 : vector<16xf32>
      %parallel_loop3A_530 = arith.index_cast %parallel_loop3A_490 : i32 to index
      %parallel_loop3A_531 = arith.constant 16 : index
      %parallel_loop3A_532 = tpu.vector_load %arg9[%parallel_loop3A_530, %parallel_loop3A_531] {strides = array<i32>} : memref<96x96xf32, #tpu.memory_space<vmem>>, vector<1x16xf32>,
      %parallel_loop3A_533 = vector.shape_cast %parallel_loop3A_532 : vector<1x16xf32> to vector<16xf32>
      %parallel_loop3A_534 = arith.index_cast %parallel_loop3A_490 : i32 to index
      %parallel_loop3A_535 = arith.constant 16 : index
      %parallel_loop3A_536 = tpu.vector_load %arg10[%parallel_loop3A_534, %parallel_loop3A_535] {strides = array<i32>} : memref<96x96xf32, #tpu.memory_space<vmem>>, vector<1x16xf32>,
      %parallel_loop3A_537 = vector.shape_cast %parallel_loop3A_536 : vector<1x16xf32> to vector<16xf32>
      %parallel_loop3A_538 = arith.subf %parallel_loop3A_533, %parallel_loop3A_537 : vector<16xf32>
      %parallel_loop3A_539 = math.absf %parallel_loop3A_538 : vector<16xf32>
      %parallel_loop3A_540 = arith.constant 1.000000e+00 : f32
      %parallel_loop3A_541 = vector.broadcast %parallel_loop3A_540 : f32 to vector<16xf32>
      %parallel_loop3A_542 = arith.cmpf olt, %parallel_loop3A_539, %parallel_loop3A_541 : vector<16xf32>
      %parallel_loop3A_543 = arith.constant 5.000000e-01 : f32
      %parallel_loop3A_544 = vector.broadcast %parallel_loop3A_543 : f32 to vector<16xf32>
      %parallel_loop3A_545 = arith.mulf %parallel_loop3A_544, %parallel_loop3A_538 : vector<16xf32>
      %parallel_loop3A_546 = arith.mulf %parallel_loop3A_545, %parallel_loop3A_538 : vector<16xf32>
      %parallel_loop3A_547 = arith.constant 5.000000e-01 : f32
      %parallel_loop3A_548 = vector.broadcast %parallel_loop3A_547 : f32 to vector<16xf32>
      %parallel_loop3A_549 = arith.subf %parallel_loop3A_539, %parallel_loop3A_548 : vector<16xf32>
      %parallel_loop3A_550 = arith.select %parallel_loop3A_542, %parallel_loop3A_546, %parallel_loop3A_549 : vector<16xi1>, vector<16xf32>
      %parallel_loop3A_551 = arith.index_cast %parallel_loop3A_490 : i32 to index
      %parallel_loop3A_552 = arith.constant 16 : index
      %parallel_loop3A_553 = tpu.vector_load %arg11[%parallel_loop3A_551, %parallel_loop3A_552] {strides = array<i32>} : memref<96x96xf32, #tpu.memory_space<vmem>>, vector<1x16xf32>,
      %parallel_loop3A_554 = vector.shape_cast %parallel_loop3A_553 : vector<1x16xf32> to vector<16xf32>
      %parallel_loop3A_555 = arith.constant 0.000000e+00 : f32
      %parallel_loop3A_556 = vector.broadcast %parallel_loop3A_555 : f32 to vector<16xf32>
      %parallel_loop3A_557 = arith.cmpf ogt, %parallel_loop3A_554, %parallel_loop3A_556 : vector<16xf32>
      %parallel_loop3A_558 = arith.constant 0.000000e+00 : f32
      %parallel_loop3A_559 = vector.broadcast %parallel_loop3A_558 : f32 to vector<16xf32>
      %parallel_loop3A_560 = arith.select %parallel_loop3A_557, %parallel_loop3A_550, %parallel_loop3A_559 : vector<16xi1>, vector<16xf32>
      %parallel_loop3A_561 = arith.addf %parallel_loop3A_524, %parallel_loop3A_560 : vector<16xf32>
      %parallel_loop3A_562 = arith.index_cast %parallel_loop3A_490 : i32 to index
      %parallel_loop3A_563 = arith.constant 16 : index
      %parallel_loop3A_564 = tpu.vector_load %arg12[%parallel_loop3A_562, %parallel_loop3A_563] {strides = array<i32>} : memref<96x96xf32, #tpu.memory_space<vmem>>, vector<1x16xf32>,
      %parallel_loop3A_565 = vector.shape_cast %parallel_loop3A_564 : vector<1x16xf32> to vector<16xf32>
      %parallel_loop3A_566 = arith.addf %parallel_loop3A_529, %parallel_loop3A_565 : vector<16xf32>
      %parallel_loop3A_567 = arith.index_cast %parallel_loop3A_490 : i32 to index
      %parallel_loop3A_568 = arith.constant 32 : index
      %parallel_loop3A_569 = tpu.vector_load %arg9[%parallel_loop3A_567, %parallel_loop3A_568] {strides = array<i32>} : memref<96x96xf32, #tpu.memory_space<vmem>>, vector<1x16xf32>,
      %parallel_loop3A_570 = vector.shape_cast %parallel_loop3A_569 : vector<1x16xf32> to vector<16xf32>
      %parallel_loop3A_571 = arith.index_cast %parallel_loop3A_490 : i32 to index
      %parallel_loop3A_572 = arith.constant 32 : index
      %parallel_loop3A_573 = tpu.vector_load %arg10[%parallel_loop3A_571, %parallel_loop3A_572] {strides = array<i32>} : memref<96x96xf32, #tpu.memory_space<vmem>>, vector<1x16xf32>,
      %parallel_loop3A_574 = vector.shape_cast %parallel_loop3A_573 : vector<1x16xf32> to vector<16xf32>
      %parallel_loop3A_575 = arith.subf %parallel_loop3A_570, %parallel_loop3A_574 : vector<16xf32>
      %parallel_loop3A_576 = math.absf %parallel_loop3A_575 : vector<16xf32>
      %parallel_loop3A_577 = arith.constant 1.000000e+00 : f32
      %parallel_loop3A_578 = vector.broadcast %parallel_loop3A_577 : f32 to vector<16xf32>
      %parallel_loop3A_579 = arith.cmpf olt, %parallel_loop3A_576, %parallel_loop3A_578 : vector<16xf32>
      %parallel_loop3A_580 = arith.constant 5.000000e-01 : f32
      %parallel_loop3A_581 = vector.broadcast %parallel_loop3A_580 : f32 to vector<16xf32>
      %parallel_loop3A_582 = arith.mulf %parallel_loop3A_581, %parallel_loop3A_575 : vector<16xf32>
      %parallel_loop3A_583 = arith.mulf %parallel_loop3A_582, %parallel_loop3A_575 : vector<16xf32>
      %parallel_loop3A_584 = arith.constant 5.000000e-01 : f32
      %parallel_loop3A_585 = vector.broadcast %parallel_loop3A_584 : f32 to vector<16xf32>
      %parallel_loop3A_586 = arith.subf %parallel_loop3A_576, %parallel_loop3A_585 : vector<16xf32>
      %parallel_loop3A_587 = arith.select %parallel_loop3A_579, %parallel_loop3A_583, %parallel_loop3A_586 : vector<16xi1>, vector<16xf32>
      %parallel_loop3A_588 = arith.index_cast %parallel_loop3A_490 : i32 to index
      %parallel_loop3A_589 = arith.constant 32 : index
      %parallel_loop3A_590 = tpu.vector_load %arg11[%parallel_loop3A_588, %parallel_loop3A_589] {strides = array<i32>} : memref<96x96xf32, #tpu.memory_space<vmem>>, vector<1x16xf32>,
      %parallel_loop3A_591 = vector.shape_cast %parallel_loop3A_590 : vector<1x16xf32> to vector<16xf32>
      %parallel_loop3A_592 = arith.constant 0.000000e+00 : f32
      %parallel_loop3A_593 = vector.broadcast %parallel_loop3A_592 : f32 to vector<16xf32>
      %parallel_loop3A_594 = arith.cmpf ogt, %parallel_loop3A_591, %parallel_loop3A_593 : vector<16xf32>
      %parallel_loop3A_595 = arith.constant 0.000000e+00 : f32
      %parallel_loop3A_596 = vector.broadcast %parallel_loop3A_595 : f32 to vector<16xf32>
      %parallel_loop3A_597 = arith.select %parallel_loop3A_594, %parallel_loop3A_587, %parallel_loop3A_596 : vector<16xi1>, vector<16xf32>
      %parallel_loop3A_598 = arith.addf %parallel_loop3A_561, %parallel_loop3A_597 : vector<16xf32>
      %parallel_loop3A_599 = arith.index_cast %parallel_loop3A_490 : i32 to index
      %parallel_loop3A_600 = arith.constant 32 : index
      %parallel_loop3A_601 = tpu.vector_load %arg12[%parallel_loop3A_599, %parallel_loop3A_600] {strides = array<i32>} : memref<96x96xf32, #tpu.memory_space<vmem>>, vector<1x16xf32>,
      %parallel_loop3A_602 = vector.shape_cast %parallel_loop3A_601 : vector<1x16xf32> to vector<16xf32>
      %parallel_loop3A_603 = arith.addf %parallel_loop3A_566, %parallel_loop3A_602 : vector<16xf32>
      %parallel_loop3A_604 = arith.index_cast %parallel_loop3A_490 : i32 to index
      %parallel_loop3A_605 = arith.constant 48 : index
      %parallel_loop3A_606 = tpu.vector_load %arg9[%parallel_loop3A_604, %parallel_loop3A_605] {strides = array<i32>} : memref<96x96xf32, #tpu.memory_space<vmem>>, vector<1x16xf32>,
      %parallel_loop3A_607 = vector.shape_cast %parallel_loop3A_606 : vector<1x16xf32> to vector<16xf32>
      %parallel_loop3A_608 = arith.index_cast %parallel_loop3A_490 : i32 to index
      %parallel_loop3A_609 = arith.constant 48 : index
      %parallel_loop3A_610 = tpu.vector_load %arg10[%parallel_loop3A_608, %parallel_loop3A_609] {strides = array<i32>} : memref<96x96xf32, #tpu.memory_space<vmem>>, vector<1x16xf32>,
      %parallel_loop3A_611 = vector.shape_cast %parallel_loop3A_610 : vector<1x16xf32> to vector<16xf32>
      %parallel_loop3A_612 = arith.subf %parallel_loop3A_607, %parallel_loop3A_611 : vector<16xf32>
      %parallel_loop3A_613 = math.absf %parallel_loop3A_612 : vector<16xf32>
      %parallel_loop3A_614 = arith.constant 1.000000e+00 : f32
      %parallel_loop3A_615 = vector.broadcast %parallel_loop3A_614 : f32 to vector<16xf32>
      %parallel_loop3A_616 = arith.cmpf olt, %parallel_loop3A_613, %parallel_loop3A_615 : vector<16xf32>
      %parallel_loop3A_617 = arith.constant 5.000000e-01 : f32
      %parallel_loop3A_618 = vector.broadcast %parallel_loop3A_617 : f32 to vector<16xf32>
      %parallel_loop3A_619 = arith.mulf %parallel_loop3A_618, %parallel_loop3A_612 : vector<16xf32>
      %parallel_loop3A_620 = arith.mulf %parallel_loop3A_619, %parallel_loop3A_612 : vector<16xf32>
      %parallel_loop3A_621 = arith.constant 5.000000e-01 : f32
      %parallel_loop3A_622 = vector.broadcast %parallel_loop3A_621 : f32 to vector<16xf32>
      %parallel_loop3A_623 = arith.subf %parallel_loop3A_613, %parallel_loop3A_622 : vector<16xf32>
      %parallel_loop3A_624 = arith.select %parallel_loop3A_616, %parallel_loop3A_620, %parallel_loop3A_623 : vector<16xi1>, vector<16xf32>
      %parallel_loop3A_625 = arith.index_cast %parallel_loop3A_490 : i32 to index
      %parallel_loop3A_626 = arith.constant 48 : index
      %parallel_loop3A_627 = tpu.vector_load %arg11[%parallel_loop3A_625, %parallel_loop3A_626] {strides = array<i32>} : memref<96x96xf32, #tpu.memory_space<vmem>>, vector<1x16xf32>,
      %parallel_loop3A_628 = vector.shape_cast %parallel_loop3A_627 : vector<1x16xf32> to vector<16xf32>
      %parallel_loop3A_629 = arith.constant 0.000000e+00 : f32
      %parallel_loop3A_630 = vector.broadcast %parallel_loop3A_629 : f32 to vector<16xf32>
      %parallel_loop3A_631 = arith.cmpf ogt, %parallel_loop3A_628, %parallel_loop3A_630 : vector<16xf32>
      %parallel_loop3A_632 = arith.constant 0.000000e+00 : f32
      %parallel_loop3A_633 = vector.broadcast %parallel_loop3A_632 : f32 to vector<16xf32>
      %parallel_loop3A_634 = arith.select %parallel_loop3A_631, %parallel_loop3A_624, %parallel_loop3A_633 : vector<16xi1>, vector<16xf32>
      %parallel_loop3A_635 = arith.addf %parallel_loop3A_598, %parallel_loop3A_634 : vector<16xf32>
      %parallel_loop3A_636 = arith.index_cast %parallel_loop3A_490 : i32 to index
      %parallel_loop3A_637 = arith.constant 48 : index
      %parallel_loop3A_638 = tpu.vector_load %arg12[%parallel_loop3A_636, %parallel_loop3A_637] {strides = array<i32>} : memref<96x96xf32, #tpu.memory_space<vmem>>, vector<1x16xf32>,
      %parallel_loop3A_639 = vector.shape_cast %parallel_loop3A_638 : vector<1x16xf32> to vector<16xf32>
      %parallel_loop3A_640 = arith.addf %parallel_loop3A_603, %parallel_loop3A_639 : vector<16xf32>
      %parallel_loop3A_641 = arith.index_cast %parallel_loop3A_490 : i32 to index
      %parallel_loop3A_642 = arith.constant 64 : index
      %parallel_loop3A_643 = tpu.vector_load %arg9[%parallel_loop3A_641, %parallel_loop3A_642] {strides = array<i32>} : memref<96x96xf32, #tpu.memory_space<vmem>>, vector<1x16xf32>,
      %parallel_loop3A_644 = vector.shape_cast %parallel_loop3A_643 : vector<1x16xf32> to vector<16xf32>
      %parallel_loop3A_645 = arith.index_cast %parallel_loop3A_490 : i32 to index
      %parallel_loop3A_646 = arith.constant 64 : index
      %parallel_loop3A_647 = tpu.vector_load %arg10[%parallel_loop3A_645, %parallel_loop3A_646] {strides = array<i32>} : memref<96x96xf32, #tpu.memory_space<vmem>>, vector<1x16xf32>,
      %parallel_loop3A_648 = vector.shape_cast %parallel_loop3A_647 : vector<1x16xf32> to vector<16xf32>
      %parallel_loop3A_649 = arith.subf %parallel_loop3A_644, %parallel_loop3A_648 : vector<16xf32>
      %parallel_loop3A_650 = math.absf %parallel_loop3A_649 : vector<16xf32>
      %parallel_loop3A_651 = arith.constant 1.000000e+00 : f32
      %parallel_loop3A_652 = vector.broadcast %parallel_loop3A_651 : f32 to vector<16xf32>
      %parallel_loop3A_653 = arith.cmpf olt, %parallel_loop3A_650, %parallel_loop3A_652 : vector<16xf32>
      %parallel_loop3A_654 = arith.constant 5.000000e-01 : f32
      %parallel_loop3A_655 = vector.broadcast %parallel_loop3A_654 : f32 to vector<16xf32>
      %parallel_loop3A_656 = arith.mulf %parallel_loop3A_655, %parallel_loop3A_649 : vector<16xf32>
      %parallel_loop3A_657 = arith.mulf %parallel_loop3A_656, %parallel_loop3A_649 : vector<16xf32>
      %parallel_loop3A_658 = arith.constant 5.000000e-01 : f32
      %parallel_loop3A_659 = vector.broadcast %parallel_loop3A_658 : f32 to vector<16xf32>
      %parallel_loop3A_660 = arith.subf %parallel_loop3A_650, %parallel_loop3A_659 : vector<16xf32>
      %parallel_loop3A_661 = arith.select %parallel_loop3A_653, %parallel_loop3A_657, %parallel_loop3A_660 : vector<16xi1>, vector<16xf32>
      %parallel_loop3A_662 = arith.index_cast %parallel_loop3A_490 : i32 to index
      %parallel_loop3A_663 = arith.constant 64 : index
      %parallel_loop3A_664 = tpu.vector_load %arg11[%parallel_loop3A_662, %parallel_loop3A_663] {strides = array<i32>} : memref<96x96xf32, #tpu.memory_space<vmem>>, vector<1x16xf32>,
      %parallel_loop3A_665 = vector.shape_cast %parallel_loop3A_664 : vector<1x16xf32> to vector<16xf32>
      %parallel_loop3A_666 = arith.constant 0.000000e+00 : f32
      %parallel_loop3A_667 = vector.broadcast %parallel_loop3A_666 : f32 to vector<16xf32>
      %parallel_loop3A_668 = arith.cmpf ogt, %parallel_loop3A_665, %parallel_loop3A_667 : vector<16xf32>
      %parallel_loop3A_669 = arith.constant 0.000000e+00 : f32
      %parallel_loop3A_670 = vector.broadcast %parallel_loop3A_669 : f32 to vector<16xf32>
      %parallel_loop3A_671 = arith.select %parallel_loop3A_668, %parallel_loop3A_661, %parallel_loop3A_670 : vector<16xi1>, vector<16xf32>
      %parallel_loop3A_672 = arith.addf %parallel_loop3A_635, %parallel_loop3A_671 : vector<16xf32>
      %parallel_loop3A_673 = arith.index_cast %parallel_loop3A_490 : i32 to index
      %parallel_loop3A_674 = arith.constant 64 : index
      %parallel_loop3A_675 = tpu.vector_load %arg12[%parallel_loop3A_673, %parallel_loop3A_674] {strides = array<i32>} : memref<96x96xf32, #tpu.memory_space<vmem>>, vector<1x16xf32>,
      %parallel_loop3A_676 = vector.shape_cast %parallel_loop3A_675 : vector<1x16xf32> to vector<16xf32>
      %parallel_loop3A_677 = arith.addf %parallel_loop3A_640, %parallel_loop3A_676 : vector<16xf32>
      %parallel_loop3A_678 = arith.index_cast %parallel_loop3A_490 : i32 to index
      %parallel_loop3A_679 = arith.constant 80 : index
      %parallel_loop3A_680 = tpu.vector_load %arg9[%parallel_loop3A_678, %parallel_loop3A_679] {strides = array<i32>} : memref<96x96xf32, #tpu.memory_space<vmem>>, vector<1x16xf32>,
      %parallel_loop3A_681 = vector.shape_cast %parallel_loop3A_680 : vector<1x16xf32> to vector<16xf32>
      %parallel_loop3A_682 = arith.index_cast %parallel_loop3A_490 : i32 to index
      %parallel_loop3A_683 = arith.constant 80 : index
      %parallel_loop3A_684 = tpu.vector_load %arg10[%parallel_loop3A_682, %parallel_loop3A_683] {strides = array<i32>} : memref<96x96xf32, #tpu.memory_space<vmem>>, vector<1x16xf32>,
      %parallel_loop3A_685 = vector.shape_cast %parallel_loop3A_684 : vector<1x16xf32> to vector<16xf32>
      %parallel_loop3A_686 = arith.subf %parallel_loop3A_681, %parallel_loop3A_685 : vector<16xf32>
      %parallel_loop3A_687 = math.absf %parallel_loop3A_686 : vector<16xf32>
      %parallel_loop3A_688 = arith.constant 1.000000e+00 : f32
      %parallel_loop3A_689 = vector.broadcast %parallel_loop3A_688 : f32 to vector<16xf32>
      %parallel_loop3A_690 = arith.cmpf olt, %parallel_loop3A_687, %parallel_loop3A_689 : vector<16xf32>
      %parallel_loop3A_691 = arith.constant 5.000000e-01 : f32
      %parallel_loop3A_692 = vector.broadcast %parallel_loop3A_691 : f32 to vector<16xf32>
      %parallel_loop3A_693 = arith.mulf %parallel_loop3A_692, %parallel_loop3A_686 : vector<16xf32>
      %parallel_loop3A_694 = arith.mulf %parallel_loop3A_693, %parallel_loop3A_686 : vector<16xf32>
      %parallel_loop3A_695 = arith.constant 5.000000e-01 : f32
      %parallel_loop3A_696 = vector.broadcast %parallel_loop3A_695 : f32 to vector<16xf32>
      %parallel_loop3A_697 = arith.subf %parallel_loop3A_687, %parallel_loop3A_696 : vector<16xf32>
      %parallel_loop3A_698 = arith.select %parallel_loop3A_690, %parallel_loop3A_694, %parallel_loop3A_697 : vector<16xi1>, vector<16xf32>
      %parallel_loop3A_699 = arith.index_cast %parallel_loop3A_490 : i32 to index
      %parallel_loop3A_700 = arith.constant 80 : index
      %parallel_loop3A_701 = tpu.vector_load %arg11[%parallel_loop3A_699, %parallel_loop3A_700] {strides = array<i32>} : memref<96x96xf32, #tpu.memory_space<vmem>>, vector<1x16xf32>,
      %parallel_loop3A_702 = vector.shape_cast %parallel_loop3A_701 : vector<1x16xf32> to vector<16xf32>
      %parallel_loop3A_703 = arith.constant 0.000000e+00 : f32
      %parallel_loop3A_704 = vector.broadcast %parallel_loop3A_703 : f32 to vector<16xf32>
      %parallel_loop3A_705 = arith.cmpf ogt, %parallel_loop3A_702, %parallel_loop3A_704 : vector<16xf32>
      %parallel_loop3A_706 = arith.constant 0.000000e+00 : f32
      %parallel_loop3A_707 = vector.broadcast %parallel_loop3A_706 : f32 to vector<16xf32>
      %parallel_loop3A_708 = arith.select %parallel_loop3A_705, %parallel_loop3A_698, %parallel_loop3A_707 : vector<16xi1>, vector<16xf32>
      %parallel_loop3A_709 = arith.addf %parallel_loop3A_672, %parallel_loop3A_708 : vector<16xf32>
      %parallel_loop3A_710 = arith.index_cast %parallel_loop3A_490 : i32 to index
      %parallel_loop3A_711 = arith.constant 80 : index
      %parallel_loop3A_712 = tpu.vector_load %arg12[%parallel_loop3A_710, %parallel_loop3A_711] {strides = array<i32>} : memref<96x96xf32, #tpu.memory_space<vmem>>, vector<1x16xf32>,
      %parallel_loop3A_713 = vector.shape_cast %parallel_loop3A_712 : vector<1x16xf32> to vector<16xf32>
      %parallel_loop3A_714 = arith.addf %parallel_loop3A_677, %parallel_loop3A_713 : vector<16xf32>
      scf.yield %parallel_loop3A_709, %parallel_loop3A_714 : vector<16xf32>, vector<16xf32>
    } {sc.loop_unroll_factor = 4 : i64, sc.parallel_access}
    %mul3A_363 = arith.constant 6 : i32
    %mul3A_364 = arith.muli %add3A, %mul3A_363 : i32
    %add3A_365 = arith.constant 5 : i32
    %add3A_366 = arith.addi %mul3A_364, %add3A_365 : i32
    %add3A_367 = arith.constant 256 : i32
    %add3A_368 = arith.addi %add3A_367, %add3A_366 : i32
    %add3A_369 = arith.constant 256 : i32
    %add3A_370 = arith.addi %add3A_369, %add3A_366 : i32
    %add3A_371 = arith.constant 512 : i32
    %add3A_372 = arith.addi %add3A_371, %add3A_366 : i32
    %add3A_373 = arith.constant 768 : i32
    %add3A_374 = arith.addi %add3A_373, %add3A_366 : i32
    %dma_start3A_375 = arith.constant 0 : i32
    %dma_start3A_376 = arith.constant 0 : i32
    %dma_start3A_377 = tpu.memref_slice %arg2[%add3A_368, %dma_start3A_375, %dma_start3A_376] : memref<512x96x96xf32, #tpu.memory_space<hbm>> -> memref<1x96x96xf32, #tpu.memory_space<hbm>>
    %dma_start3A_378 = tpu.memref_squeeze %dma_start3A_377 : memref<1x96x96xf32, #tpu.memory_space<hbm>> -> memref<96x96xf32, #tpu.memory_space<hbm>>
    %dma_start3A_379 = arith.constant 0 : i32
    %dma_start3A_380 = arith.constant 0 : i32
    %dma_start3A_381 = tpu.memref_slice %arg2[%add3A_368, %dma_start3A_379, %dma_start3A_380] : memref<512x96x96xf32, #tpu.memory_space<hbm>> -> memref<1x96x96xf32, #tpu.memory_space<hbm>>
    %dma_start3A_382 = tpu.memref_squeeze %dma_start3A_381 : memref<1x96x96xf32, #tpu.memory_space<hbm>> -> memref<96x96xf32, #tpu.memory_space<hbm>>
    tpu.enqueue_dma source(%dma_start3A_382 : memref<96x96xf32, #tpu.memory_space<hbm>>) target(%arg9 : memref<96x96xf32, #tpu.memory_space<vmem>>) target_semaphore(%arg15 : memref<!tpu.dma_semaphore, #tpu.memory_space<semaphore_mem>>)
    %dma_start3A_383 = arith.constant 0 : i32
    %dma_start3A_384 = arith.constant 0 : i32
    %dma_start3A_385 = tpu.memref_slice %arg3[%add3A_370, %dma_start3A_383, %dma_start3A_384] : memref<1024x96x96xf32, #tpu.memory_space<hbm>> -> memref<1x96x96xf32, #tpu.memory_space<hbm>>
    %dma_start3A_386 = tpu.memref_squeeze %dma_start3A_385 : memref<1x96x96xf32, #tpu.memory_space<hbm>> -> memref<96x96xf32, #tpu.memory_space<hbm>>
    %dma_start3A_387 = arith.constant 0 : i32
    %dma_start3A_388 = arith.constant 0 : i32
    %dma_start3A_389 = tpu.memref_slice %arg3[%add3A_370, %dma_start3A_387, %dma_start3A_388] : memref<1024x96x96xf32, #tpu.memory_space<hbm>> -> memref<1x96x96xf32, #tpu.memory_space<hbm>>
    %dma_start3A_390 = tpu.memref_squeeze %dma_start3A_389 : memref<1x96x96xf32, #tpu.memory_space<hbm>> -> memref<96x96xf32, #tpu.memory_space<hbm>>
    tpu.enqueue_dma source(%dma_start3A_390 : memref<96x96xf32, #tpu.memory_space<hbm>>) target(%arg10 : memref<96x96xf32, #tpu.memory_space<vmem>>) target_semaphore(%arg15 : memref<!tpu.dma_semaphore, #tpu.memory_space<semaphore_mem>>)
    %dma_start3A_391 = arith.constant 0 : i32
    %dma_start3A_392 = arith.constant 0 : i32
    %dma_start3A_393 = tpu.memref_slice %arg3[%add3A_372, %dma_start3A_391, %dma_start3A_392] : memref<1024x96x96xf32, #tpu.memory_space<hbm>> -> memref<1x96x96xf32, #tpu.memory_space<hbm>>
    %dma_start3A_394 = tpu.memref_squeeze %dma_start3A_393 : memref<1x96x96xf32, #tpu.memory_space<hbm>> -> memref<96x96xf32, #tpu.memory_space<hbm>>
    %dma_start3A_395 = arith.constant 0 : i32
    %dma_start3A_396 = arith.constant 0 : i32
    %dma_start3A_397 = tpu.memref_slice %arg3[%add3A_372, %dma_start3A_395, %dma_start3A_396] : memref<1024x96x96xf32, #tpu.memory_space<hbm>> -> memref<1x96x96xf32, #tpu.memory_space<hbm>>
    %dma_start3A_398 = tpu.memref_squeeze %dma_start3A_397 : memref<1x96x96xf32, #tpu.memory_space<hbm>> -> memref<96x96xf32, #tpu.memory_space<hbm>>
    tpu.enqueue_dma source(%dma_start3A_398 : memref<96x96xf32, #tpu.memory_space<hbm>>) target(%arg11 : memref<96x96xf32, #tpu.memory_space<vmem>>) target_semaphore(%arg15 : memref<!tpu.dma_semaphore, #tpu.memory_space<semaphore_mem>>)
    %dma_start3A_399 = arith.constant 0 : i32
    %dma_start3A_400 = arith.constant 0 : i32
    %dma_start3A_401 = tpu.memref_slice %arg3[%add3A_374, %dma_start3A_399, %dma_start3A_400] : memref<1024x96x96xf32, #tpu.memory_space<hbm>> -> memref<1x96x96xf32, #tpu.memory_space<hbm>>
    %dma_start3A_402 = tpu.memref_squeeze %dma_start3A_401 : memref<1x96x96xf32, #tpu.memory_space<hbm>> -> memref<96x96xf32, #tpu.memory_space<hbm>>
    %dma_start3A_403 = arith.constant 0 : i32
    %dma_start3A_404 = arith.constant 0 : i32
    %dma_start3A_405 = tpu.memref_slice %arg3[%add3A_374, %dma_start3A_403, %dma_start3A_404] : memref<1024x96x96xf32, #tpu.memory_space<hbm>> -> memref<1x96x96xf32, #tpu.memory_space<hbm>>
    %dma_start3A_406 = tpu.memref_squeeze %dma_start3A_405 : memref<1x96x96xf32, #tpu.memory_space<hbm>> -> memref<96x96xf32, #tpu.memory_space<hbm>>
    tpu.enqueue_dma source(%dma_start3A_406 : memref<96x96xf32, #tpu.memory_space<hbm>>) target(%arg12 : memref<96x96xf32, #tpu.memory_space<vmem>>) target_semaphore(%arg15 : memref<!tpu.dma_semaphore, #tpu.memory_space<semaphore_mem>>)
    %dma_wait3A_407 = arith.constant 0 : i32
    %dma_wait3A_408 = arith.constant 0 : i32
    %dma_wait3A_409 = tpu.memref_slice %arg2[%add3A_288, %dma_wait3A_407, %dma_wait3A_408] : memref<512x96x96xf32, #tpu.memory_space<hbm>> -> memref<1x96x96xf32, #tpu.memory_space<hbm>>
    %dma_wait3A_410 = tpu.memref_squeeze %dma_wait3A_409 : memref<1x96x96xf32, #tpu.memory_space<hbm>> -> memref<96x96xf32, #tpu.memory_space<hbm>>
    %dma_wait3A_411 = arith.constant 0 : i32
    %dma_wait3A_412 = arith.constant 0 : i32
    %dma_wait3A_413 = tpu.memref_slice %arg2[%add3A_288, %dma_wait3A_411, %dma_wait3A_412] : memref<512x96x96xf32, #tpu.memory_space<hbm>> -> memref<1x96x96xf32, #tpu.memory_space<hbm>>
    %dma_wait3A_414 = tpu.memref_squeeze %dma_wait3A_413 : memref<1x96x96xf32, #tpu.memory_space<hbm>> -> memref<96x96xf32, #tpu.memory_space<hbm>>
    tpu.wait_dma2 semaphore(%arg14 : memref<!tpu.dma_semaphore, #tpu.memory_space<semaphore_mem>>) src(%dma_wait3A_414 : memref<96x96xf32, #tpu.memory_space<hbm>>) dst(%arg5 : memref<96x96xf32, #tpu.memory_space<vmem>>)
    %dma_wait3A_415 = arith.constant 0 : i32
    %dma_wait3A_416 = arith.constant 0 : i32
    %dma_wait3A_417 = tpu.memref_slice %arg3[%add3A_290, %dma_wait3A_415, %dma_wait3A_416] : memref<1024x96x96xf32, #tpu.memory_space<hbm>> -> memref<1x96x96xf32, #tpu.memory_space<hbm>>
    %dma_wait3A_418 = tpu.memref_squeeze %dma_wait3A_417 : memref<1x96x96xf32, #tpu.memory_space<hbm>> -> memref<96x96xf32, #tpu.memory_space<hbm>>
    %dma_wait3A_419 = arith.constant 0 : i32
    %dma_wait3A_420 = arith.constant 0 : i32
    %dma_wait3A_421 = tpu.memref_slice %arg3[%add3A_290, %dma_wait3A_419, %dma_wait3A_420] : memref<1024x96x96xf32, #tpu.memory_space<hbm>> -> memref<1x96x96xf32, #tpu.memory_space<hbm>>
    %dma_wait3A_422 = tpu.memref_squeeze %dma_wait3A_421 : memref<1x96x96xf32, #tpu.memory_space<hbm>> -> memref<96x96xf32, #tpu.memory_space<hbm>>
    tpu.wait_dma2 semaphore(%arg14 : memref<!tpu.dma_semaphore, #tpu.memory_space<semaphore_mem>>) src(%dma_wait3A_422 : memref<96x96xf32, #tpu.memory_space<hbm>>) dst(%arg6 : memref<96x96xf32, #tpu.memory_space<vmem>>)
    %dma_wait3A_423 = arith.constant 0 : i32
    %dma_wait3A_424 = arith.constant 0 : i32
    %dma_wait3A_425 = tpu.memref_slice %arg3[%add3A_292, %dma_wait3A_423, %dma_wait3A_424] : memref<1024x96x96xf32, #tpu.memory_space<hbm>> -> memref<1x96x96xf32, #tpu.memory_space<hbm>>
    %dma_wait3A_426 = tpu.memref_squeeze %dma_wait3A_425 : memref<1x96x96xf32, #tpu.memory_space<hbm>> -> memref<96x96xf32, #tpu.memory_space<hbm>>
    %dma_wait3A_427 = arith.constant 0 : i32
    %dma_wait3A_428 = arith.constant 0 : i32
    %dma_wait3A_429 = tpu.memref_slice %arg3[%add3A_292, %dma_wait3A_427, %dma_wait3A_428] : memref<1024x96x96xf32, #tpu.memory_space<hbm>> -> memref<1x96x96xf32, #tpu.memory_space<hbm>>
    %dma_wait3A_430 = tpu.memref_squeeze %dma_wait3A_429 : memref<1x96x96xf32, #tpu.memory_space<hbm>> -> memref<96x96xf32, #tpu.memory_space<hbm>>
    tpu.wait_dma2 semaphore(%arg14 : memref<!tpu.dma_semaphore, #tpu.memory_space<semaphore_mem>>) src(%dma_wait3A_430 : memref<96x96xf32, #tpu.memory_space<hbm>>) dst(%arg7 : memref<96x96xf32, #tpu.memory_space<vmem>>)
    %dma_wait3A_431 = arith.constant 0 : i32
    %dma_wait3A_432 = arith.constant 0 : i32
    %dma_wait3A_433 = tpu.memref_slice %arg3[%add3A_294, %dma_wait3A_431, %dma_wait3A_432] : memref<1024x96x96xf32, #tpu.memory_space<hbm>> -> memref<1x96x96xf32, #tpu.memory_space<hbm>>
    %dma_wait3A_434 = tpu.memref_squeeze %dma_wait3A_433 : memref<1x96x96xf32, #tpu.memory_space<hbm>> -> memref<96x96xf32, #tpu.memory_space<hbm>>
    %dma_wait3A_435 = arith.constant 0 : i32
    %dma_wait3A_436 = arith.constant 0 : i32
    %dma_wait3A_437 = tpu.memref_slice %arg3[%add3A_294, %dma_wait3A_435, %dma_wait3A_436] : memref<1024x96x96xf32, #tpu.memory_space<hbm>> -> memref<1x96x96xf32, #tpu.memory_space<hbm>>
    %dma_wait3A_438 = tpu.memref_squeeze %dma_wait3A_437 : memref<1x96x96xf32, #tpu.memory_space<hbm>> -> memref<96x96xf32, #tpu.memory_space<hbm>>
    tpu.wait_dma2 semaphore(%arg14 : memref<!tpu.dma_semaphore, #tpu.memory_space<semaphore_mem>>) src(%dma_wait3A_438 : memref<96x96xf32, #tpu.memory_space<hbm>>) dst(%arg8 : memref<96x96xf32, #tpu.memory_space<vmem>>)
    %parallel_loop3A_439 = arith.constant 0 : i32
    %parallel_loop3A_440 = arith.constant 96 : i32
    %parallel_loop3A_441 = arith.constant 1 : i32
    %parallel_loop3A_442:2 = scf.for %parallel_loop3A_490 = %parallel_loop3A_439 to %parallel_loop3A_440 step %parallel_loop3A_441 iter_args(%parallel_loop3A_491 = %parallel_loop3A_362#0, %parallel_loop3A_492 = %parallel_loop3A_362#1) -> (vector<16xf32>, vector<16xf32>)  : i32 {
      %parallel_loop3A_493 = arith.index_cast %parallel_loop3A_490 : i32 to index
      %parallel_loop3A_494 = arith.constant 0 : index
      %parallel_loop3A_495 = tpu.vector_load %arg5[%parallel_loop3A_493, %parallel_loop3A_494] {strides = array<i32>} : memref<96x96xf32, #tpu.memory_space<vmem>>, vector<1x16xf32>,
      %parallel_loop3A_496 = vector.shape_cast %parallel_loop3A_495 : vector<1x16xf32> to vector<16xf32>
      %parallel_loop3A_497 = arith.index_cast %parallel_loop3A_490 : i32 to index
      %parallel_loop3A_498 = arith.constant 0 : index
      %parallel_loop3A_499 = tpu.vector_load %arg6[%parallel_loop3A_497, %parallel_loop3A_498] {strides = array<i32>} : memref<96x96xf32, #tpu.memory_space<vmem>>, vector<1x16xf32>,
      %parallel_loop3A_500 = vector.shape_cast %parallel_loop3A_499 : vector<1x16xf32> to vector<16xf32>
      %parallel_loop3A_501 = arith.subf %parallel_loop3A_496, %parallel_loop3A_500 : vector<16xf32>
      %parallel_loop3A_502 = math.absf %parallel_loop3A_501 : vector<16xf32>
      %parallel_loop3A_503 = arith.constant 1.000000e+00 : f32
      %parallel_loop3A_504 = vector.broadcast %parallel_loop3A_503 : f32 to vector<16xf32>
      %parallel_loop3A_505 = arith.cmpf olt, %parallel_loop3A_502, %parallel_loop3A_504 : vector<16xf32>
      %parallel_loop3A_506 = arith.constant 5.000000e-01 : f32
      %parallel_loop3A_507 = vector.broadcast %parallel_loop3A_506 : f32 to vector<16xf32>
      %parallel_loop3A_508 = arith.mulf %parallel_loop3A_507, %parallel_loop3A_501 : vector<16xf32>
      %parallel_loop3A_509 = arith.mulf %parallel_loop3A_508, %parallel_loop3A_501 : vector<16xf32>
      %parallel_loop3A_510 = arith.constant 5.000000e-01 : f32
      %parallel_loop3A_511 = vector.broadcast %parallel_loop3A_510 : f32 to vector<16xf32>
      %parallel_loop3A_512 = arith.subf %parallel_loop3A_502, %parallel_loop3A_511 : vector<16xf32>
      %parallel_loop3A_513 = arith.select %parallel_loop3A_505, %parallel_loop3A_509, %parallel_loop3A_512 : vector<16xi1>, vector<16xf32>
      %parallel_loop3A_514 = arith.index_cast %parallel_loop3A_490 : i32 to index
      %parallel_loop3A_515 = arith.constant 0 : index
      %parallel_loop3A_516 = tpu.vector_load %arg7[%parallel_loop3A_514, %parallel_loop3A_515] {strides = array<i32>} : memref<96x96xf32, #tpu.memory_space<vmem>>, vector<1x16xf32>,
      %parallel_loop3A_517 = vector.shape_cast %parallel_loop3A_516 : vector<1x16xf32> to vector<16xf32>
      %parallel_loop3A_518 = arith.constant 0.000000e+00 : f32
      %parallel_loop3A_519 = vector.broadcast %parallel_loop3A_518 : f32 to vector<16xf32>
      %parallel_loop3A_520 = arith.cmpf ogt, %parallel_loop3A_517, %parallel_loop3A_519 : vector<16xf32>
      %parallel_loop3A_521 = arith.constant 0.000000e+00 : f32
      %parallel_loop3A_522 = vector.broadcast %parallel_loop3A_521 : f32 to vector<16xf32>
      %parallel_loop3A_523 = arith.select %parallel_loop3A_520, %parallel_loop3A_513, %parallel_loop3A_522 : vector<16xi1>, vector<16xf32>
      %parallel_loop3A_524 = arith.addf %parallel_loop3A_491, %parallel_loop3A_523 : vector<16xf32>
      %parallel_loop3A_525 = arith.index_cast %parallel_loop3A_490 : i32 to index
      %parallel_loop3A_526 = arith.constant 0 : index
      %parallel_loop3A_527 = tpu.vector_load %arg8[%parallel_loop3A_525, %parallel_loop3A_526] {strides = array<i32>} : memref<96x96xf32, #tpu.memory_space<vmem>>, vector<1x16xf32>,
      %parallel_loop3A_528 = vector.shape_cast %parallel_loop3A_527 : vector<1x16xf32> to vector<16xf32>
      %parallel_loop3A_529 = arith.addf %parallel_loop3A_492, %parallel_loop3A_528 : vector<16xf32>
      %parallel_loop3A_530 = arith.index_cast %parallel_loop3A_490 : i32 to index
      %parallel_loop3A_531 = arith.constant 16 : index
      %parallel_loop3A_532 = tpu.vector_load %arg5[%parallel_loop3A_530, %parallel_loop3A_531] {strides = array<i32>} : memref<96x96xf32, #tpu.memory_space<vmem>>, vector<1x16xf32>,
      %parallel_loop3A_533 = vector.shape_cast %parallel_loop3A_532 : vector<1x16xf32> to vector<16xf32>
      %parallel_loop3A_534 = arith.index_cast %parallel_loop3A_490 : i32 to index
      %parallel_loop3A_535 = arith.constant 16 : index
      %parallel_loop3A_536 = tpu.vector_load %arg6[%parallel_loop3A_534, %parallel_loop3A_535] {strides = array<i32>} : memref<96x96xf32, #tpu.memory_space<vmem>>, vector<1x16xf32>,
      %parallel_loop3A_537 = vector.shape_cast %parallel_loop3A_536 : vector<1x16xf32> to vector<16xf32>
      %parallel_loop3A_538 = arith.subf %parallel_loop3A_533, %parallel_loop3A_537 : vector<16xf32>
      %parallel_loop3A_539 = math.absf %parallel_loop3A_538 : vector<16xf32>
      %parallel_loop3A_540 = arith.constant 1.000000e+00 : f32
      %parallel_loop3A_541 = vector.broadcast %parallel_loop3A_540 : f32 to vector<16xf32>
      %parallel_loop3A_542 = arith.cmpf olt, %parallel_loop3A_539, %parallel_loop3A_541 : vector<16xf32>
      %parallel_loop3A_543 = arith.constant 5.000000e-01 : f32
      %parallel_loop3A_544 = vector.broadcast %parallel_loop3A_543 : f32 to vector<16xf32>
      %parallel_loop3A_545 = arith.mulf %parallel_loop3A_544, %parallel_loop3A_538 : vector<16xf32>
      %parallel_loop3A_546 = arith.mulf %parallel_loop3A_545, %parallel_loop3A_538 : vector<16xf32>
      %parallel_loop3A_547 = arith.constant 5.000000e-01 : f32
      %parallel_loop3A_548 = vector.broadcast %parallel_loop3A_547 : f32 to vector<16xf32>
      %parallel_loop3A_549 = arith.subf %parallel_loop3A_539, %parallel_loop3A_548 : vector<16xf32>
      %parallel_loop3A_550 = arith.select %parallel_loop3A_542, %parallel_loop3A_546, %parallel_loop3A_549 : vector<16xi1>, vector<16xf32>
      %parallel_loop3A_551 = arith.index_cast %parallel_loop3A_490 : i32 to index
      %parallel_loop3A_552 = arith.constant 16 : index
      %parallel_loop3A_553 = tpu.vector_load %arg7[%parallel_loop3A_551, %parallel_loop3A_552] {strides = array<i32>} : memref<96x96xf32, #tpu.memory_space<vmem>>, vector<1x16xf32>,
      %parallel_loop3A_554 = vector.shape_cast %parallel_loop3A_553 : vector<1x16xf32> to vector<16xf32>
      %parallel_loop3A_555 = arith.constant 0.000000e+00 : f32
      %parallel_loop3A_556 = vector.broadcast %parallel_loop3A_555 : f32 to vector<16xf32>
      %parallel_loop3A_557 = arith.cmpf ogt, %parallel_loop3A_554, %parallel_loop3A_556 : vector<16xf32>
      %parallel_loop3A_558 = arith.constant 0.000000e+00 : f32
      %parallel_loop3A_559 = vector.broadcast %parallel_loop3A_558 : f32 to vector<16xf32>
      %parallel_loop3A_560 = arith.select %parallel_loop3A_557, %parallel_loop3A_550, %parallel_loop3A_559 : vector<16xi1>, vector<16xf32>
      %parallel_loop3A_561 = arith.addf %parallel_loop3A_524, %parallel_loop3A_560 : vector<16xf32>
      %parallel_loop3A_562 = arith.index_cast %parallel_loop3A_490 : i32 to index
      %parallel_loop3A_563 = arith.constant 16 : index
      %parallel_loop3A_564 = tpu.vector_load %arg8[%parallel_loop3A_562, %parallel_loop3A_563] {strides = array<i32>} : memref<96x96xf32, #tpu.memory_space<vmem>>, vector<1x16xf32>,
      %parallel_loop3A_565 = vector.shape_cast %parallel_loop3A_564 : vector<1x16xf32> to vector<16xf32>
      %parallel_loop3A_566 = arith.addf %parallel_loop3A_529, %parallel_loop3A_565 : vector<16xf32>
      %parallel_loop3A_567 = arith.index_cast %parallel_loop3A_490 : i32 to index
      %parallel_loop3A_568 = arith.constant 32 : index
      %parallel_loop3A_569 = tpu.vector_load %arg5[%parallel_loop3A_567, %parallel_loop3A_568] {strides = array<i32>} : memref<96x96xf32, #tpu.memory_space<vmem>>, vector<1x16xf32>,
      %parallel_loop3A_570 = vector.shape_cast %parallel_loop3A_569 : vector<1x16xf32> to vector<16xf32>
      %parallel_loop3A_571 = arith.index_cast %parallel_loop3A_490 : i32 to index
      %parallel_loop3A_572 = arith.constant 32 : index
      %parallel_loop3A_573 = tpu.vector_load %arg6[%parallel_loop3A_571, %parallel_loop3A_572] {strides = array<i32>} : memref<96x96xf32, #tpu.memory_space<vmem>>, vector<1x16xf32>,
      %parallel_loop3A_574 = vector.shape_cast %parallel_loop3A_573 : vector<1x16xf32> to vector<16xf32>
      %parallel_loop3A_575 = arith.subf %parallel_loop3A_570, %parallel_loop3A_574 : vector<16xf32>
      %parallel_loop3A_576 = math.absf %parallel_loop3A_575 : vector<16xf32>
      %parallel_loop3A_577 = arith.constant 1.000000e+00 : f32
      %parallel_loop3A_578 = vector.broadcast %parallel_loop3A_577 : f32 to vector<16xf32>
      %parallel_loop3A_579 = arith.cmpf olt, %parallel_loop3A_576, %parallel_loop3A_578 : vector<16xf32>
      %parallel_loop3A_580 = arith.constant 5.000000e-01 : f32
      %parallel_loop3A_581 = vector.broadcast %parallel_loop3A_580 : f32 to vector<16xf32>
      %parallel_loop3A_582 = arith.mulf %parallel_loop3A_581, %parallel_loop3A_575 : vector<16xf32>
      %parallel_loop3A_583 = arith.mulf %parallel_loop3A_582, %parallel_loop3A_575 : vector<16xf32>
      %parallel_loop3A_584 = arith.constant 5.000000e-01 : f32
      %parallel_loop3A_585 = vector.broadcast %parallel_loop3A_584 : f32 to vector<16xf32>
      %parallel_loop3A_586 = arith.subf %parallel_loop3A_576, %parallel_loop3A_585 : vector<16xf32>
      %parallel_loop3A_587 = arith.select %parallel_loop3A_579, %parallel_loop3A_583, %parallel_loop3A_586 : vector<16xi1>, vector<16xf32>
      %parallel_loop3A_588 = arith.index_cast %parallel_loop3A_490 : i32 to index
      %parallel_loop3A_589 = arith.constant 32 : index
      %parallel_loop3A_590 = tpu.vector_load %arg7[%parallel_loop3A_588, %parallel_loop3A_589] {strides = array<i32>} : memref<96x96xf32, #tpu.memory_space<vmem>>, vector<1x16xf32>,
      %parallel_loop3A_591 = vector.shape_cast %parallel_loop3A_590 : vector<1x16xf32> to vector<16xf32>
      %parallel_loop3A_592 = arith.constant 0.000000e+00 : f32
      %parallel_loop3A_593 = vector.broadcast %parallel_loop3A_592 : f32 to vector<16xf32>
      %parallel_loop3A_594 = arith.cmpf ogt, %parallel_loop3A_591, %parallel_loop3A_593 : vector<16xf32>
      %parallel_loop3A_595 = arith.constant 0.000000e+00 : f32
      %parallel_loop3A_596 = vector.broadcast %parallel_loop3A_595 : f32 to vector<16xf32>
      %parallel_loop3A_597 = arith.select %parallel_loop3A_594, %parallel_loop3A_587, %parallel_loop3A_596 : vector<16xi1>, vector<16xf32>
      %parallel_loop3A_598 = arith.addf %parallel_loop3A_561, %parallel_loop3A_597 : vector<16xf32>
      %parallel_loop3A_599 = arith.index_cast %parallel_loop3A_490 : i32 to index
      %parallel_loop3A_600 = arith.constant 32 : index
      %parallel_loop3A_601 = tpu.vector_load %arg8[%parallel_loop3A_599, %parallel_loop3A_600] {strides = array<i32>} : memref<96x96xf32, #tpu.memory_space<vmem>>, vector<1x16xf32>,
      %parallel_loop3A_602 = vector.shape_cast %parallel_loop3A_601 : vector<1x16xf32> to vector<16xf32>
      %parallel_loop3A_603 = arith.addf %parallel_loop3A_566, %parallel_loop3A_602 : vector<16xf32>
      %parallel_loop3A_604 = arith.index_cast %parallel_loop3A_490 : i32 to index
      %parallel_loop3A_605 = arith.constant 48 : index
      %parallel_loop3A_606 = tpu.vector_load %arg5[%parallel_loop3A_604, %parallel_loop3A_605] {strides = array<i32>} : memref<96x96xf32, #tpu.memory_space<vmem>>, vector<1x16xf32>,
      %parallel_loop3A_607 = vector.shape_cast %parallel_loop3A_606 : vector<1x16xf32> to vector<16xf32>
      %parallel_loop3A_608 = arith.index_cast %parallel_loop3A_490 : i32 to index
      %parallel_loop3A_609 = arith.constant 48 : index
      %parallel_loop3A_610 = tpu.vector_load %arg6[%parallel_loop3A_608, %parallel_loop3A_609] {strides = array<i32>} : memref<96x96xf32, #tpu.memory_space<vmem>>, vector<1x16xf32>,
      %parallel_loop3A_611 = vector.shape_cast %parallel_loop3A_610 : vector<1x16xf32> to vector<16xf32>
      %parallel_loop3A_612 = arith.subf %parallel_loop3A_607, %parallel_loop3A_611 : vector<16xf32>
      %parallel_loop3A_613 = math.absf %parallel_loop3A_612 : vector<16xf32>
      %parallel_loop3A_614 = arith.constant 1.000000e+00 : f32
      %parallel_loop3A_615 = vector.broadcast %parallel_loop3A_614 : f32 to vector<16xf32>
      %parallel_loop3A_616 = arith.cmpf olt, %parallel_loop3A_613, %parallel_loop3A_615 : vector<16xf32>
      %parallel_loop3A_617 = arith.constant 5.000000e-01 : f32
      %parallel_loop3A_618 = vector.broadcast %parallel_loop3A_617 : f32 to vector<16xf32>
      %parallel_loop3A_619 = arith.mulf %parallel_loop3A_618, %parallel_loop3A_612 : vector<16xf32>
      %parallel_loop3A_620 = arith.mulf %parallel_loop3A_619, %parallel_loop3A_612 : vector<16xf32>
      %parallel_loop3A_621 = arith.constant 5.000000e-01 : f32
      %parallel_loop3A_622 = vector.broadcast %parallel_loop3A_621 : f32 to vector<16xf32>
      %parallel_loop3A_623 = arith.subf %parallel_loop3A_613, %parallel_loop3A_622 : vector<16xf32>
      %parallel_loop3A_624 = arith.select %parallel_loop3A_616, %parallel_loop3A_620, %parallel_loop3A_623 : vector<16xi1>, vector<16xf32>
      %parallel_loop3A_625 = arith.index_cast %parallel_loop3A_490 : i32 to index
      %parallel_loop3A_626 = arith.constant 48 : index
      %parallel_loop3A_627 = tpu.vector_load %arg7[%parallel_loop3A_625, %parallel_loop3A_626] {strides = array<i32>} : memref<96x96xf32, #tpu.memory_space<vmem>>, vector<1x16xf32>,
      %parallel_loop3A_628 = vector.shape_cast %parallel_loop3A_627 : vector<1x16xf32> to vector<16xf32>
      %parallel_loop3A_629 = arith.constant 0.000000e+00 : f32
      %parallel_loop3A_630 = vector.broadcast %parallel_loop3A_629 : f32 to vector<16xf32>
      %parallel_loop3A_631 = arith.cmpf ogt, %parallel_loop3A_628, %parallel_loop3A_630 : vector<16xf32>
      %parallel_loop3A_632 = arith.constant 0.000000e+00 : f32
      %parallel_loop3A_633 = vector.broadcast %parallel_loop3A_632 : f32 to vector<16xf32>
      %parallel_loop3A_634 = arith.select %parallel_loop3A_631, %parallel_loop3A_624, %parallel_loop3A_633 : vector<16xi1>, vector<16xf32>
      %parallel_loop3A_635 = arith.addf %parallel_loop3A_598, %parallel_loop3A_634 : vector<16xf32>
      %parallel_loop3A_636 = arith.index_cast %parallel_loop3A_490 : i32 to index
      %parallel_loop3A_637 = arith.constant 48 : index
      %parallel_loop3A_638 = tpu.vector_load %arg8[%parallel_loop3A_636, %parallel_loop3A_637] {strides = array<i32>} : memref<96x96xf32, #tpu.memory_space<vmem>>, vector<1x16xf32>,
      %parallel_loop3A_639 = vector.shape_cast %parallel_loop3A_638 : vector<1x16xf32> to vector<16xf32>
      %parallel_loop3A_640 = arith.addf %parallel_loop3A_603, %parallel_loop3A_639 : vector<16xf32>
      %parallel_loop3A_641 = arith.index_cast %parallel_loop3A_490 : i32 to index
      %parallel_loop3A_642 = arith.constant 64 : index
      %parallel_loop3A_643 = tpu.vector_load %arg5[%parallel_loop3A_641, %parallel_loop3A_642] {strides = array<i32>} : memref<96x96xf32, #tpu.memory_space<vmem>>, vector<1x16xf32>,
      %parallel_loop3A_644 = vector.shape_cast %parallel_loop3A_643 : vector<1x16xf32> to vector<16xf32>
      %parallel_loop3A_645 = arith.index_cast %parallel_loop3A_490 : i32 to index
      %parallel_loop3A_646 = arith.constant 64 : index
      %parallel_loop3A_647 = tpu.vector_load %arg6[%parallel_loop3A_645, %parallel_loop3A_646] {strides = array<i32>} : memref<96x96xf32, #tpu.memory_space<vmem>>, vector<1x16xf32>,
      %parallel_loop3A_648 = vector.shape_cast %parallel_loop3A_647 : vector<1x16xf32> to vector<16xf32>
      %parallel_loop3A_649 = arith.subf %parallel_loop3A_644, %parallel_loop3A_648 : vector<16xf32>
      %parallel_loop3A_650 = math.absf %parallel_loop3A_649 : vector<16xf32>
      %parallel_loop3A_651 = arith.constant 1.000000e+00 : f32
      %parallel_loop3A_652 = vector.broadcast %parallel_loop3A_651 : f32 to vector<16xf32>
      %parallel_loop3A_653 = arith.cmpf olt, %parallel_loop3A_650, %parallel_loop3A_652 : vector<16xf32>
      %parallel_loop3A_654 = arith.constant 5.000000e-01 : f32
      %parallel_loop3A_655 = vector.broadcast %parallel_loop3A_654 : f32 to vector<16xf32>
      %parallel_loop3A_656 = arith.mulf %parallel_loop3A_655, %parallel_loop3A_649 : vector<16xf32>
      %parallel_loop3A_657 = arith.mulf %parallel_loop3A_656, %parallel_loop3A_649 : vector<16xf32>
      %parallel_loop3A_658 = arith.constant 5.000000e-01 : f32
      %parallel_loop3A_659 = vector.broadcast %parallel_loop3A_658 : f32 to vector<16xf32>
      %parallel_loop3A_660 = arith.subf %parallel_loop3A_650, %parallel_loop3A_659 : vector<16xf32>
      %parallel_loop3A_661 = arith.select %parallel_loop3A_653, %parallel_loop3A_657, %parallel_loop3A_660 : vector<16xi1>, vector<16xf32>
      %parallel_loop3A_662 = arith.index_cast %parallel_loop3A_490 : i32 to index
      %parallel_loop3A_663 = arith.constant 64 : index
      %parallel_loop3A_664 = tpu.vector_load %arg7[%parallel_loop3A_662, %parallel_loop3A_663] {strides = array<i32>} : memref<96x96xf32, #tpu.memory_space<vmem>>, vector<1x16xf32>,
      %parallel_loop3A_665 = vector.shape_cast %parallel_loop3A_664 : vector<1x16xf32> to vector<16xf32>
      %parallel_loop3A_666 = arith.constant 0.000000e+00 : f32
      %parallel_loop3A_667 = vector.broadcast %parallel_loop3A_666 : f32 to vector<16xf32>
      %parallel_loop3A_668 = arith.cmpf ogt, %parallel_loop3A_665, %parallel_loop3A_667 : vector<16xf32>
      %parallel_loop3A_669 = arith.constant 0.000000e+00 : f32
      %parallel_loop3A_670 = vector.broadcast %parallel_loop3A_669 : f32 to vector<16xf32>
      %parallel_loop3A_671 = arith.select %parallel_loop3A_668, %parallel_loop3A_661, %parallel_loop3A_670 : vector<16xi1>, vector<16xf32>
      %parallel_loop3A_672 = arith.addf %parallel_loop3A_635, %parallel_loop3A_671 : vector<16xf32>
      %parallel_loop3A_673 = arith.index_cast %parallel_loop3A_490 : i32 to index
      %parallel_loop3A_674 = arith.constant 64 : index
      %parallel_loop3A_675 = tpu.vector_load %arg8[%parallel_loop3A_673, %parallel_loop3A_674] {strides = array<i32>} : memref<96x96xf32, #tpu.memory_space<vmem>>, vector<1x16xf32>,
      %parallel_loop3A_676 = vector.shape_cast %parallel_loop3A_675 : vector<1x16xf32> to vector<16xf32>
      %parallel_loop3A_677 = arith.addf %parallel_loop3A_640, %parallel_loop3A_676 : vector<16xf32>
      %parallel_loop3A_678 = arith.index_cast %parallel_loop3A_490 : i32 to index
      %parallel_loop3A_679 = arith.constant 80 : index
      %parallel_loop3A_680 = tpu.vector_load %arg5[%parallel_loop3A_678, %parallel_loop3A_679] {strides = array<i32>} : memref<96x96xf32, #tpu.memory_space<vmem>>, vector<1x16xf32>,
      %parallel_loop3A_681 = vector.shape_cast %parallel_loop3A_680 : vector<1x16xf32> to vector<16xf32>
      %parallel_loop3A_682 = arith.index_cast %parallel_loop3A_490 : i32 to index
      %parallel_loop3A_683 = arith.constant 80 : index
      %parallel_loop3A_684 = tpu.vector_load %arg6[%parallel_loop3A_682, %parallel_loop3A_683] {strides = array<i32>} : memref<96x96xf32, #tpu.memory_space<vmem>>, vector<1x16xf32>,
      %parallel_loop3A_685 = vector.shape_cast %parallel_loop3A_684 : vector<1x16xf32> to vector<16xf32>
      %parallel_loop3A_686 = arith.subf %parallel_loop3A_681, %parallel_loop3A_685 : vector<16xf32>
      %parallel_loop3A_687 = math.absf %parallel_loop3A_686 : vector<16xf32>
      %parallel_loop3A_688 = arith.constant 1.000000e+00 : f32
      %parallel_loop3A_689 = vector.broadcast %parallel_loop3A_688 : f32 to vector<16xf32>
      %parallel_loop3A_690 = arith.cmpf olt, %parallel_loop3A_687, %parallel_loop3A_689 : vector<16xf32>
      %parallel_loop3A_691 = arith.constant 5.000000e-01 : f32
      %parallel_loop3A_692 = vector.broadcast %parallel_loop3A_691 : f32 to vector<16xf32>
      %parallel_loop3A_693 = arith.mulf %parallel_loop3A_692, %parallel_loop3A_686 : vector<16xf32>
      %parallel_loop3A_694 = arith.mulf %parallel_loop3A_693, %parallel_loop3A_686 : vector<16xf32>
      %parallel_loop3A_695 = arith.constant 5.000000e-01 : f32
      %parallel_loop3A_696 = vector.broadcast %parallel_loop3A_695 : f32 to vector<16xf32>
      %parallel_loop3A_697 = arith.subf %parallel_loop3A_687, %parallel_loop3A_696 : vector<16xf32>
      %parallel_loop3A_698 = arith.select %parallel_loop3A_690, %parallel_loop3A_694, %parallel_loop3A_697 : vector<16xi1>, vector<16xf32>
      %parallel_loop3A_699 = arith.index_cast %parallel_loop3A_490 : i32 to index
      %parallel_loop3A_700 = arith.constant 80 : index
      %parallel_loop3A_701 = tpu.vector_load %arg7[%parallel_loop3A_699, %parallel_loop3A_700] {strides = array<i32>} : memref<96x96xf32, #tpu.memory_space<vmem>>, vector<1x16xf32>,
      %parallel_loop3A_702 = vector.shape_cast %parallel_loop3A_701 : vector<1x16xf32> to vector<16xf32>
      %parallel_loop3A_703 = arith.constant 0.000000e+00 : f32
      %parallel_loop3A_704 = vector.broadcast %parallel_loop3A_703 : f32 to vector<16xf32>
      %parallel_loop3A_705 = arith.cmpf ogt, %parallel_loop3A_702, %parallel_loop3A_704 : vector<16xf32>
      %parallel_loop3A_706 = arith.constant 0.000000e+00 : f32
      %parallel_loop3A_707 = vector.broadcast %parallel_loop3A_706 : f32 to vector<16xf32>
      %parallel_loop3A_708 = arith.select %parallel_loop3A_705, %parallel_loop3A_698, %parallel_loop3A_707 : vector<16xi1>, vector<16xf32>
      %parallel_loop3A_709 = arith.addf %parallel_loop3A_672, %parallel_loop3A_708 : vector<16xf32>
      %parallel_loop3A_710 = arith.index_cast %parallel_loop3A_490 : i32 to index
      %parallel_loop3A_711 = arith.constant 80 : index
      %parallel_loop3A_712 = tpu.vector_load %arg8[%parallel_loop3A_710, %parallel_loop3A_711] {strides = array<i32>} : memref<96x96xf32, #tpu.memory_space<vmem>>, vector<1x16xf32>,
      %parallel_loop3A_713 = vector.shape_cast %parallel_loop3A_712 : vector<1x16xf32> to vector<16xf32>
      %parallel_loop3A_714 = arith.addf %parallel_loop3A_677, %parallel_loop3A_713 : vector<16xf32>
      scf.yield %parallel_loop3A_709, %parallel_loop3A_714 : vector<16xf32>, vector<16xf32>
    } {sc.loop_unroll_factor = 4 : i64, sc.parallel_access}
    %dma_wait3A_443 = arith.constant 0 : i32
    %dma_wait3A_444 = arith.constant 0 : i32
    %dma_wait3A_445 = tpu.memref_slice %arg2[%add3A_368, %dma_wait3A_443, %dma_wait3A_444] : memref<512x96x96xf32, #tpu.memory_space<hbm>> -> memref<1x96x96xf32, #tpu.memory_space<hbm>>
    %dma_wait3A_446 = tpu.memref_squeeze %dma_wait3A_445 : memref<1x96x96xf32, #tpu.memory_space<hbm>> -> memref<96x96xf32, #tpu.memory_space<hbm>>
    %dma_wait3A_447 = arith.constant 0 : i32
    %dma_wait3A_448 = arith.constant 0 : i32
    %dma_wait3A_449 = tpu.memref_slice %arg2[%add3A_368, %dma_wait3A_447, %dma_wait3A_448] : memref<512x96x96xf32, #tpu.memory_space<hbm>> -> memref<1x96x96xf32, #tpu.memory_space<hbm>>
    %dma_wait3A_450 = tpu.memref_squeeze %dma_wait3A_449 : memref<1x96x96xf32, #tpu.memory_space<hbm>> -> memref<96x96xf32, #tpu.memory_space<hbm>>
    tpu.wait_dma2 semaphore(%arg15 : memref<!tpu.dma_semaphore, #tpu.memory_space<semaphore_mem>>) src(%dma_wait3A_450 : memref<96x96xf32, #tpu.memory_space<hbm>>) dst(%arg9 : memref<96x96xf32, #tpu.memory_space<vmem>>)
    %dma_wait3A_451 = arith.constant 0 : i32
    %dma_wait3A_452 = arith.constant 0 : i32
    %dma_wait3A_453 = tpu.memref_slice %arg3[%add3A_370, %dma_wait3A_451, %dma_wait3A_452] : memref<1024x96x96xf32, #tpu.memory_space<hbm>> -> memref<1x96x96xf32, #tpu.memory_space<hbm>>
    %dma_wait3A_454 = tpu.memref_squeeze %dma_wait3A_453 : memref<1x96x96xf32, #tpu.memory_space<hbm>> -> memref<96x96xf32, #tpu.memory_space<hbm>>
    %dma_wait3A_455 = arith.constant 0 : i32
    %dma_wait3A_456 = arith.constant 0 : i32
    %dma_wait3A_457 = tpu.memref_slice %arg3[%add3A_370, %dma_wait3A_455, %dma_wait3A_456] : memref<1024x96x96xf32, #tpu.memory_space<hbm>> -> memref<1x96x96xf32, #tpu.memory_space<hbm>>
    %dma_wait3A_458 = tpu.memref_squeeze %dma_wait3A_457 : memref<1x96x96xf32, #tpu.memory_space<hbm>> -> memref<96x96xf32, #tpu.memory_space<hbm>>
    tpu.wait_dma2 semaphore(%arg15 : memref<!tpu.dma_semaphore, #tpu.memory_space<semaphore_mem>>) src(%dma_wait3A_458 : memref<96x96xf32, #tpu.memory_space<hbm>>) dst(%arg10 : memref<96x96xf32, #tpu.memory_space<vmem>>)
    %dma_wait3A_459 = arith.constant 0 : i32
    %dma_wait3A_460 = arith.constant 0 : i32
    %dma_wait3A_461 = tpu.memref_slice %arg3[%add3A_372, %dma_wait3A_459, %dma_wait3A_460] : memref<1024x96x96xf32, #tpu.memory_space<hbm>> -> memref<1x96x96xf32, #tpu.memory_space<hbm>>
    %dma_wait3A_462 = tpu.memref_squeeze %dma_wait3A_461 : memref<1x96x96xf32, #tpu.memory_space<hbm>> -> memref<96x96xf32, #tpu.memory_space<hbm>>
    %dma_wait3A_463 = arith.constant 0 : i32
    %dma_wait3A_464 = arith.constant 0 : i32
    %dma_wait3A_465 = tpu.memref_slice %arg3[%add3A_372, %dma_wait3A_463, %dma_wait3A_464] : memref<1024x96x96xf32, #tpu.memory_space<hbm>> -> memref<1x96x96xf32, #tpu.memory_space<hbm>>
    %dma_wait3A_466 = tpu.memref_squeeze %dma_wait3A_465 : memref<1x96x96xf32, #tpu.memory_space<hbm>> -> memref<96x96xf32, #tpu.memory_space<hbm>>
    tpu.wait_dma2 semaphore(%arg15 : memref<!tpu.dma_semaphore, #tpu.memory_space<semaphore_mem>>) src(%dma_wait3A_466 : memref<96x96xf32, #tpu.memory_space<hbm>>) dst(%arg11 : memref<96x96xf32, #tpu.memory_space<vmem>>)
    %dma_wait3A_467 = arith.constant 0 : i32
    %dma_wait3A_468 = arith.constant 0 : i32
    %dma_wait3A_469 = tpu.memref_slice %arg3[%add3A_374, %dma_wait3A_467, %dma_wait3A_468] : memref<1024x96x96xf32, #tpu.memory_space<hbm>> -> memref<1x96x96xf32, #tpu.memory_space<hbm>>
    %dma_wait3A_470 = tpu.memref_squeeze %dma_wait3A_469 : memref<1x96x96xf32, #tpu.memory_space<hbm>> -> memref<96x96xf32, #tpu.memory_space<hbm>>
    %dma_wait3A_471 = arith.constant 0 : i32
    %dma_wait3A_472 = arith.constant 0 : i32
    %dma_wait3A_473 = tpu.memref_slice %arg3[%add3A_374, %dma_wait3A_471, %dma_wait3A_472] : memref<1024x96x96xf32, #tpu.memory_space<hbm>> -> memref<1x96x96xf32, #tpu.memory_space<hbm>>
    %dma_wait3A_474 = tpu.memref_squeeze %dma_wait3A_473 : memref<1x96x96xf32, #tpu.memory_space<hbm>> -> memref<96x96xf32, #tpu.memory_space<hbm>>
    tpu.wait_dma2 semaphore(%arg15 : memref<!tpu.dma_semaphore, #tpu.memory_space<semaphore_mem>>) src(%dma_wait3A_474 : memref<96x96xf32, #tpu.memory_space<hbm>>) dst(%arg12 : memref<96x96xf32, #tpu.memory_space<vmem>>)
    %parallel_loop3A_475 = arith.constant 0 : i32
    %parallel_loop3A_476 = arith.constant 96 : i32
    %parallel_loop3A_477 = arith.constant 1 : i32
    %parallel_loop3A_478:2 = scf.for %parallel_loop3A_490 = %parallel_loop3A_475 to %parallel_loop3A_476 step %parallel_loop3A_477 iter_args(%parallel_loop3A_491 = %parallel_loop3A_442#0, %parallel_loop3A_492 = %parallel_loop3A_442#1) -> (vector<16xf32>, vector<16xf32>)  : i32 {
      %parallel_loop3A_493 = arith.index_cast %parallel_loop3A_490 : i32 to index
      %parallel_loop3A_494 = arith.constant 0 : index
      %parallel_loop3A_495 = tpu.vector_load %arg9[%parallel_loop3A_493, %parallel_loop3A_494] {strides = array<i32>} : memref<96x96xf32, #tpu.memory_space<vmem>>, vector<1x16xf32>,
      %parallel_loop3A_496 = vector.shape_cast %parallel_loop3A_495 : vector<1x16xf32> to vector<16xf32>
      %parallel_loop3A_497 = arith.index_cast %parallel_loop3A_490 : i32 to index
      %parallel_loop3A_498 = arith.constant 0 : index
      %parallel_loop3A_499 = tpu.vector_load %arg10[%parallel_loop3A_497, %parallel_loop3A_498] {strides = array<i32>} : memref<96x96xf32, #tpu.memory_space<vmem>>, vector<1x16xf32>,
      %parallel_loop3A_500 = vector.shape_cast %parallel_loop3A_499 : vector<1x16xf32> to vector<16xf32>
      %parallel_loop3A_501 = arith.subf %parallel_loop3A_496, %parallel_loop3A_500 : vector<16xf32>
      %parallel_loop3A_502 = math.absf %parallel_loop3A_501 : vector<16xf32>
      %parallel_loop3A_503 = arith.constant 1.000000e+00 : f32
      %parallel_loop3A_504 = vector.broadcast %parallel_loop3A_503 : f32 to vector<16xf32>
      %parallel_loop3A_505 = arith.cmpf olt, %parallel_loop3A_502, %parallel_loop3A_504 : vector<16xf32>
      %parallel_loop3A_506 = arith.constant 5.000000e-01 : f32
      %parallel_loop3A_507 = vector.broadcast %parallel_loop3A_506 : f32 to vector<16xf32>
      %parallel_loop3A_508 = arith.mulf %parallel_loop3A_507, %parallel_loop3A_501 : vector<16xf32>
      %parallel_loop3A_509 = arith.mulf %parallel_loop3A_508, %parallel_loop3A_501 : vector<16xf32>
      %parallel_loop3A_510 = arith.constant 5.000000e-01 : f32
      %parallel_loop3A_511 = vector.broadcast %parallel_loop3A_510 : f32 to vector<16xf32>
      %parallel_loop3A_512 = arith.subf %parallel_loop3A_502, %parallel_loop3A_511 : vector<16xf32>
      %parallel_loop3A_513 = arith.select %parallel_loop3A_505, %parallel_loop3A_509, %parallel_loop3A_512 : vector<16xi1>, vector<16xf32>
      %parallel_loop3A_514 = arith.index_cast %parallel_loop3A_490 : i32 to index
      %parallel_loop3A_515 = arith.constant 0 : index
      %parallel_loop3A_516 = tpu.vector_load %arg11[%parallel_loop3A_514, %parallel_loop3A_515] {strides = array<i32>} : memref<96x96xf32, #tpu.memory_space<vmem>>, vector<1x16xf32>,
      %parallel_loop3A_517 = vector.shape_cast %parallel_loop3A_516 : vector<1x16xf32> to vector<16xf32>
      %parallel_loop3A_518 = arith.constant 0.000000e+00 : f32
      %parallel_loop3A_519 = vector.broadcast %parallel_loop3A_518 : f32 to vector<16xf32>
      %parallel_loop3A_520 = arith.cmpf ogt, %parallel_loop3A_517, %parallel_loop3A_519 : vector<16xf32>
      %parallel_loop3A_521 = arith.constant 0.000000e+00 : f32
      %parallel_loop3A_522 = vector.broadcast %parallel_loop3A_521 : f32 to vector<16xf32>
      %parallel_loop3A_523 = arith.select %parallel_loop3A_520, %parallel_loop3A_513, %parallel_loop3A_522 : vector<16xi1>, vector<16xf32>
      %parallel_loop3A_524 = arith.addf %parallel_loop3A_491, %parallel_loop3A_523 : vector<16xf32>
      %parallel_loop3A_525 = arith.index_cast %parallel_loop3A_490 : i32 to index
      %parallel_loop3A_526 = arith.constant 0 : index
      %parallel_loop3A_527 = tpu.vector_load %arg12[%parallel_loop3A_525, %parallel_loop3A_526] {strides = array<i32>} : memref<96x96xf32, #tpu.memory_space<vmem>>, vector<1x16xf32>,
      %parallel_loop3A_528 = vector.shape_cast %parallel_loop3A_527 : vector<1x16xf32> to vector<16xf32>
      %parallel_loop3A_529 = arith.addf %parallel_loop3A_492, %parallel_loop3A_528 : vector<16xf32>
      %parallel_loop3A_530 = arith.index_cast %parallel_loop3A_490 : i32 to index
      %parallel_loop3A_531 = arith.constant 16 : index
      %parallel_loop3A_532 = tpu.vector_load %arg9[%parallel_loop3A_530, %parallel_loop3A_531] {strides = array<i32>} : memref<96x96xf32, #tpu.memory_space<vmem>>, vector<1x16xf32>,
      %parallel_loop3A_533 = vector.shape_cast %parallel_loop3A_532 : vector<1x16xf32> to vector<16xf32>
      %parallel_loop3A_534 = arith.index_cast %parallel_loop3A_490 : i32 to index
      %parallel_loop3A_535 = arith.constant 16 : index
      %parallel_loop3A_536 = tpu.vector_load %arg10[%parallel_loop3A_534, %parallel_loop3A_535] {strides = array<i32>} : memref<96x96xf32, #tpu.memory_space<vmem>>, vector<1x16xf32>,
      %parallel_loop3A_537 = vector.shape_cast %parallel_loop3A_536 : vector<1x16xf32> to vector<16xf32>
      %parallel_loop3A_538 = arith.subf %parallel_loop3A_533, %parallel_loop3A_537 : vector<16xf32>
      %parallel_loop3A_539 = math.absf %parallel_loop3A_538 : vector<16xf32>
      %parallel_loop3A_540 = arith.constant 1.000000e+00 : f32
      %parallel_loop3A_541 = vector.broadcast %parallel_loop3A_540 : f32 to vector<16xf32>
      %parallel_loop3A_542 = arith.cmpf olt, %parallel_loop3A_539, %parallel_loop3A_541 : vector<16xf32>
      %parallel_loop3A_543 = arith.constant 5.000000e-01 : f32
      %parallel_loop3A_544 = vector.broadcast %parallel_loop3A_543 : f32 to vector<16xf32>
      %parallel_loop3A_545 = arith.mulf %parallel_loop3A_544, %parallel_loop3A_538 : vector<16xf32>
      %parallel_loop3A_546 = arith.mulf %parallel_loop3A_545, %parallel_loop3A_538 : vector<16xf32>
      %parallel_loop3A_547 = arith.constant 5.000000e-01 : f32
      %parallel_loop3A_548 = vector.broadcast %parallel_loop3A_547 : f32 to vector<16xf32>
      %parallel_loop3A_549 = arith.subf %parallel_loop3A_539, %parallel_loop3A_548 : vector<16xf32>
      %parallel_loop3A_550 = arith.select %parallel_loop3A_542, %parallel_loop3A_546, %parallel_loop3A_549 : vector<16xi1>, vector<16xf32>
      %parallel_loop3A_551 = arith.index_cast %parallel_loop3A_490 : i32 to index
      %parallel_loop3A_552 = arith.constant 16 : index
      %parallel_loop3A_553 = tpu.vector_load %arg11[%parallel_loop3A_551, %parallel_loop3A_552] {strides = array<i32>} : memref<96x96xf32, #tpu.memory_space<vmem>>, vector<1x16xf32>,
      %parallel_loop3A_554 = vector.shape_cast %parallel_loop3A_553 : vector<1x16xf32> to vector<16xf32>
      %parallel_loop3A_555 = arith.constant 0.000000e+00 : f32
      %parallel_loop3A_556 = vector.broadcast %parallel_loop3A_555 : f32 to vector<16xf32>
      %parallel_loop3A_557 = arith.cmpf ogt, %parallel_loop3A_554, %parallel_loop3A_556 : vector<16xf32>
      %parallel_loop3A_558 = arith.constant 0.000000e+00 : f32
      %parallel_loop3A_559 = vector.broadcast %parallel_loop3A_558 : f32 to vector<16xf32>
      %parallel_loop3A_560 = arith.select %parallel_loop3A_557, %parallel_loop3A_550, %parallel_loop3A_559 : vector<16xi1>, vector<16xf32>
      %parallel_loop3A_561 = arith.addf %parallel_loop3A_524, %parallel_loop3A_560 : vector<16xf32>
      %parallel_loop3A_562 = arith.index_cast %parallel_loop3A_490 : i32 to index
      %parallel_loop3A_563 = arith.constant 16 : index
      %parallel_loop3A_564 = tpu.vector_load %arg12[%parallel_loop3A_562, %parallel_loop3A_563] {strides = array<i32>} : memref<96x96xf32, #tpu.memory_space<vmem>>, vector<1x16xf32>,
      %parallel_loop3A_565 = vector.shape_cast %parallel_loop3A_564 : vector<1x16xf32> to vector<16xf32>
      %parallel_loop3A_566 = arith.addf %parallel_loop3A_529, %parallel_loop3A_565 : vector<16xf32>
      %parallel_loop3A_567 = arith.index_cast %parallel_loop3A_490 : i32 to index
      %parallel_loop3A_568 = arith.constant 32 : index
      %parallel_loop3A_569 = tpu.vector_load %arg9[%parallel_loop3A_567, %parallel_loop3A_568] {strides = array<i32>} : memref<96x96xf32, #tpu.memory_space<vmem>>, vector<1x16xf32>,
      %parallel_loop3A_570 = vector.shape_cast %parallel_loop3A_569 : vector<1x16xf32> to vector<16xf32>
      %parallel_loop3A_571 = arith.index_cast %parallel_loop3A_490 : i32 to index
      %parallel_loop3A_572 = arith.constant 32 : index
      %parallel_loop3A_573 = tpu.vector_load %arg10[%parallel_loop3A_571, %parallel_loop3A_572] {strides = array<i32>} : memref<96x96xf32, #tpu.memory_space<vmem>>, vector<1x16xf32>,
      %parallel_loop3A_574 = vector.shape_cast %parallel_loop3A_573 : vector<1x16xf32> to vector<16xf32>
      %parallel_loop3A_575 = arith.subf %parallel_loop3A_570, %parallel_loop3A_574 : vector<16xf32>
      %parallel_loop3A_576 = math.absf %parallel_loop3A_575 : vector<16xf32>
      %parallel_loop3A_577 = arith.constant 1.000000e+00 : f32
      %parallel_loop3A_578 = vector.broadcast %parallel_loop3A_577 : f32 to vector<16xf32>
      %parallel_loop3A_579 = arith.cmpf olt, %parallel_loop3A_576, %parallel_loop3A_578 : vector<16xf32>
      %parallel_loop3A_580 = arith.constant 5.000000e-01 : f32
      %parallel_loop3A_581 = vector.broadcast %parallel_loop3A_580 : f32 to vector<16xf32>
      %parallel_loop3A_582 = arith.mulf %parallel_loop3A_581, %parallel_loop3A_575 : vector<16xf32>
      %parallel_loop3A_583 = arith.mulf %parallel_loop3A_582, %parallel_loop3A_575 : vector<16xf32>
      %parallel_loop3A_584 = arith.constant 5.000000e-01 : f32
      %parallel_loop3A_585 = vector.broadcast %parallel_loop3A_584 : f32 to vector<16xf32>
      %parallel_loop3A_586 = arith.subf %parallel_loop3A_576, %parallel_loop3A_585 : vector<16xf32>
      %parallel_loop3A_587 = arith.select %parallel_loop3A_579, %parallel_loop3A_583, %parallel_loop3A_586 : vector<16xi1>, vector<16xf32>
      %parallel_loop3A_588 = arith.index_cast %parallel_loop3A_490 : i32 to index
      %parallel_loop3A_589 = arith.constant 32 : index
      %parallel_loop3A_590 = tpu.vector_load %arg11[%parallel_loop3A_588, %parallel_loop3A_589] {strides = array<i32>} : memref<96x96xf32, #tpu.memory_space<vmem>>, vector<1x16xf32>,
      %parallel_loop3A_591 = vector.shape_cast %parallel_loop3A_590 : vector<1x16xf32> to vector<16xf32>
      %parallel_loop3A_592 = arith.constant 0.000000e+00 : f32
      %parallel_loop3A_593 = vector.broadcast %parallel_loop3A_592 : f32 to vector<16xf32>
      %parallel_loop3A_594 = arith.cmpf ogt, %parallel_loop3A_591, %parallel_loop3A_593 : vector<16xf32>
      %parallel_loop3A_595 = arith.constant 0.000000e+00 : f32
      %parallel_loop3A_596 = vector.broadcast %parallel_loop3A_595 : f32 to vector<16xf32>
      %parallel_loop3A_597 = arith.select %parallel_loop3A_594, %parallel_loop3A_587, %parallel_loop3A_596 : vector<16xi1>, vector<16xf32>
      %parallel_loop3A_598 = arith.addf %parallel_loop3A_561, %parallel_loop3A_597 : vector<16xf32>
      %parallel_loop3A_599 = arith.index_cast %parallel_loop3A_490 : i32 to index
      %parallel_loop3A_600 = arith.constant 32 : index
      %parallel_loop3A_601 = tpu.vector_load %arg12[%parallel_loop3A_599, %parallel_loop3A_600] {strides = array<i32>} : memref<96x96xf32, #tpu.memory_space<vmem>>, vector<1x16xf32>,
      %parallel_loop3A_602 = vector.shape_cast %parallel_loop3A_601 : vector<1x16xf32> to vector<16xf32>
      %parallel_loop3A_603 = arith.addf %parallel_loop3A_566, %parallel_loop3A_602 : vector<16xf32>
      %parallel_loop3A_604 = arith.index_cast %parallel_loop3A_490 : i32 to index
      %parallel_loop3A_605 = arith.constant 48 : index
      %parallel_loop3A_606 = tpu.vector_load %arg9[%parallel_loop3A_604, %parallel_loop3A_605] {strides = array<i32>} : memref<96x96xf32, #tpu.memory_space<vmem>>, vector<1x16xf32>,
      %parallel_loop3A_607 = vector.shape_cast %parallel_loop3A_606 : vector<1x16xf32> to vector<16xf32>
      %parallel_loop3A_608 = arith.index_cast %parallel_loop3A_490 : i32 to index
      %parallel_loop3A_609 = arith.constant 48 : index
      %parallel_loop3A_610 = tpu.vector_load %arg10[%parallel_loop3A_608, %parallel_loop3A_609] {strides = array<i32>} : memref<96x96xf32, #tpu.memory_space<vmem>>, vector<1x16xf32>,
      %parallel_loop3A_611 = vector.shape_cast %parallel_loop3A_610 : vector<1x16xf32> to vector<16xf32>
      %parallel_loop3A_612 = arith.subf %parallel_loop3A_607, %parallel_loop3A_611 : vector<16xf32>
      %parallel_loop3A_613 = math.absf %parallel_loop3A_612 : vector<16xf32>
      %parallel_loop3A_614 = arith.constant 1.000000e+00 : f32
      %parallel_loop3A_615 = vector.broadcast %parallel_loop3A_614 : f32 to vector<16xf32>
      %parallel_loop3A_616 = arith.cmpf olt, %parallel_loop3A_613, %parallel_loop3A_615 : vector<16xf32>
      %parallel_loop3A_617 = arith.constant 5.000000e-01 : f32
      %parallel_loop3A_618 = vector.broadcast %parallel_loop3A_617 : f32 to vector<16xf32>
      %parallel_loop3A_619 = arith.mulf %parallel_loop3A_618, %parallel_loop3A_612 : vector<16xf32>
      %parallel_loop3A_620 = arith.mulf %parallel_loop3A_619, %parallel_loop3A_612 : vector<16xf32>
      %parallel_loop3A_621 = arith.constant 5.000000e-01 : f32
      %parallel_loop3A_622 = vector.broadcast %parallel_loop3A_621 : f32 to vector<16xf32>
      %parallel_loop3A_623 = arith.subf %parallel_loop3A_613, %parallel_loop3A_622 : vector<16xf32>
      %parallel_loop3A_624 = arith.select %parallel_loop3A_616, %parallel_loop3A_620, %parallel_loop3A_623 : vector<16xi1>, vector<16xf32>
      %parallel_loop3A_625 = arith.index_cast %parallel_loop3A_490 : i32 to index
      %parallel_loop3A_626 = arith.constant 48 : index
      %parallel_loop3A_627 = tpu.vector_load %arg11[%parallel_loop3A_625, %parallel_loop3A_626] {strides = array<i32>} : memref<96x96xf32, #tpu.memory_space<vmem>>, vector<1x16xf32>,
      %parallel_loop3A_628 = vector.shape_cast %parallel_loop3A_627 : vector<1x16xf32> to vector<16xf32>
      %parallel_loop3A_629 = arith.constant 0.000000e+00 : f32
      %parallel_loop3A_630 = vector.broadcast %parallel_loop3A_629 : f32 to vector<16xf32>
      %parallel_loop3A_631 = arith.cmpf ogt, %parallel_loop3A_628, %parallel_loop3A_630 : vector<16xf32>
      %parallel_loop3A_632 = arith.constant 0.000000e+00 : f32
      %parallel_loop3A_633 = vector.broadcast %parallel_loop3A_632 : f32 to vector<16xf32>
      %parallel_loop3A_634 = arith.select %parallel_loop3A_631, %parallel_loop3A_624, %parallel_loop3A_633 : vector<16xi1>, vector<16xf32>
      %parallel_loop3A_635 = arith.addf %parallel_loop3A_598, %parallel_loop3A_634 : vector<16xf32>
      %parallel_loop3A_636 = arith.index_cast %parallel_loop3A_490 : i32 to index
      %parallel_loop3A_637 = arith.constant 48 : index
      %parallel_loop3A_638 = tpu.vector_load %arg12[%parallel_loop3A_636, %parallel_loop3A_637] {strides = array<i32>} : memref<96x96xf32, #tpu.memory_space<vmem>>, vector<1x16xf32>,
      %parallel_loop3A_639 = vector.shape_cast %parallel_loop3A_638 : vector<1x16xf32> to vector<16xf32>
      %parallel_loop3A_640 = arith.addf %parallel_loop3A_603, %parallel_loop3A_639 : vector<16xf32>
      %parallel_loop3A_641 = arith.index_cast %parallel_loop3A_490 : i32 to index
      %parallel_loop3A_642 = arith.constant 64 : index
      %parallel_loop3A_643 = tpu.vector_load %arg9[%parallel_loop3A_641, %parallel_loop3A_642] {strides = array<i32>} : memref<96x96xf32, #tpu.memory_space<vmem>>, vector<1x16xf32>,
      %parallel_loop3A_644 = vector.shape_cast %parallel_loop3A_643 : vector<1x16xf32> to vector<16xf32>
      %parallel_loop3A_645 = arith.index_cast %parallel_loop3A_490 : i32 to index
      %parallel_loop3A_646 = arith.constant 64 : index
      %parallel_loop3A_647 = tpu.vector_load %arg10[%parallel_loop3A_645, %parallel_loop3A_646] {strides = array<i32>} : memref<96x96xf32, #tpu.memory_space<vmem>>, vector<1x16xf32>,
      %parallel_loop3A_648 = vector.shape_cast %parallel_loop3A_647 : vector<1x16xf32> to vector<16xf32>
      %parallel_loop3A_649 = arith.subf %parallel_loop3A_644, %parallel_loop3A_648 : vector<16xf32>
      %parallel_loop3A_650 = math.absf %parallel_loop3A_649 : vector<16xf32>
      %parallel_loop3A_651 = arith.constant 1.000000e+00 : f32
      %parallel_loop3A_652 = vector.broadcast %parallel_loop3A_651 : f32 to vector<16xf32>
      %parallel_loop3A_653 = arith.cmpf olt, %parallel_loop3A_650, %parallel_loop3A_652 : vector<16xf32>
      %parallel_loop3A_654 = arith.constant 5.000000e-01 : f32
      %parallel_loop3A_655 = vector.broadcast %parallel_loop3A_654 : f32 to vector<16xf32>
      %parallel_loop3A_656 = arith.mulf %parallel_loop3A_655, %parallel_loop3A_649 : vector<16xf32>
      %parallel_loop3A_657 = arith.mulf %parallel_loop3A_656, %parallel_loop3A_649 : vector<16xf32>
      %parallel_loop3A_658 = arith.constant 5.000000e-01 : f32
      %parallel_loop3A_659 = vector.broadcast %parallel_loop3A_658 : f32 to vector<16xf32>
      %parallel_loop3A_660 = arith.subf %parallel_loop3A_650, %parallel_loop3A_659 : vector<16xf32>
      %parallel_loop3A_661 = arith.select %parallel_loop3A_653, %parallel_loop3A_657, %parallel_loop3A_660 : vector<16xi1>, vector<16xf32>
      %parallel_loop3A_662 = arith.index_cast %parallel_loop3A_490 : i32 to index
      %parallel_loop3A_663 = arith.constant 64 : index
      %parallel_loop3A_664 = tpu.vector_load %arg11[%parallel_loop3A_662, %parallel_loop3A_663] {strides = array<i32>} : memref<96x96xf32, #tpu.memory_space<vmem>>, vector<1x16xf32>,
      %parallel_loop3A_665 = vector.shape_cast %parallel_loop3A_664 : vector<1x16xf32> to vector<16xf32>
      %parallel_loop3A_666 = arith.constant 0.000000e+00 : f32
      %parallel_loop3A_667 = vector.broadcast %parallel_loop3A_666 : f32 to vector<16xf32>
      %parallel_loop3A_668 = arith.cmpf ogt, %parallel_loop3A_665, %parallel_loop3A_667 : vector<16xf32>
      %parallel_loop3A_669 = arith.constant 0.000000e+00 : f32
      %parallel_loop3A_670 = vector.broadcast %parallel_loop3A_669 : f32 to vector<16xf32>
      %parallel_loop3A_671 = arith.select %parallel_loop3A_668, %parallel_loop3A_661, %parallel_loop3A_670 : vector<16xi1>, vector<16xf32>
      %parallel_loop3A_672 = arith.addf %parallel_loop3A_635, %parallel_loop3A_671 : vector<16xf32>
      %parallel_loop3A_673 = arith.index_cast %parallel_loop3A_490 : i32 to index
      %parallel_loop3A_674 = arith.constant 64 : index
      %parallel_loop3A_675 = tpu.vector_load %arg12[%parallel_loop3A_673, %parallel_loop3A_674] {strides = array<i32>} : memref<96x96xf32, #tpu.memory_space<vmem>>, vector<1x16xf32>,
      %parallel_loop3A_676 = vector.shape_cast %parallel_loop3A_675 : vector<1x16xf32> to vector<16xf32>
      %parallel_loop3A_677 = arith.addf %parallel_loop3A_640, %parallel_loop3A_676 : vector<16xf32>
      %parallel_loop3A_678 = arith.index_cast %parallel_loop3A_490 : i32 to index
      %parallel_loop3A_679 = arith.constant 80 : index
      %parallel_loop3A_680 = tpu.vector_load %arg9[%parallel_loop3A_678, %parallel_loop3A_679] {strides = array<i32>} : memref<96x96xf32, #tpu.memory_space<vmem>>, vector<1x16xf32>,
      %parallel_loop3A_681 = vector.shape_cast %parallel_loop3A_680 : vector<1x16xf32> to vector<16xf32>
      %parallel_loop3A_682 = arith.index_cast %parallel_loop3A_490 : i32 to index
      %parallel_loop3A_683 = arith.constant 80 : index
      %parallel_loop3A_684 = tpu.vector_load %arg10[%parallel_loop3A_682, %parallel_loop3A_683] {strides = array<i32>} : memref<96x96xf32, #tpu.memory_space<vmem>>, vector<1x16xf32>,
      %parallel_loop3A_685 = vector.shape_cast %parallel_loop3A_684 : vector<1x16xf32> to vector<16xf32>
      %parallel_loop3A_686 = arith.subf %parallel_loop3A_681, %parallel_loop3A_685 : vector<16xf32>
      %parallel_loop3A_687 = math.absf %parallel_loop3A_686 : vector<16xf32>
      %parallel_loop3A_688 = arith.constant 1.000000e+00 : f32
      %parallel_loop3A_689 = vector.broadcast %parallel_loop3A_688 : f32 to vector<16xf32>
      %parallel_loop3A_690 = arith.cmpf olt, %parallel_loop3A_687, %parallel_loop3A_689 : vector<16xf32>
      %parallel_loop3A_691 = arith.constant 5.000000e-01 : f32
      %parallel_loop3A_692 = vector.broadcast %parallel_loop3A_691 : f32 to vector<16xf32>
      %parallel_loop3A_693 = arith.mulf %parallel_loop3A_692, %parallel_loop3A_686 : vector<16xf32>
      %parallel_loop3A_694 = arith.mulf %parallel_loop3A_693, %parallel_loop3A_686 : vector<16xf32>
      %parallel_loop3A_695 = arith.constant 5.000000e-01 : f32
      %parallel_loop3A_696 = vector.broadcast %parallel_loop3A_695 : f32 to vector<16xf32>
      %parallel_loop3A_697 = arith.subf %parallel_loop3A_687, %parallel_loop3A_696 : vector<16xf32>
      %parallel_loop3A_698 = arith.select %parallel_loop3A_690, %parallel_loop3A_694, %parallel_loop3A_697 : vector<16xi1>, vector<16xf32>
      %parallel_loop3A_699 = arith.index_cast %parallel_loop3A_490 : i32 to index
      %parallel_loop3A_700 = arith.constant 80 : index
      %parallel_loop3A_701 = tpu.vector_load %arg11[%parallel_loop3A_699, %parallel_loop3A_700] {strides = array<i32>} : memref<96x96xf32, #tpu.memory_space<vmem>>, vector<1x16xf32>,
      %parallel_loop3A_702 = vector.shape_cast %parallel_loop3A_701 : vector<1x16xf32> to vector<16xf32>
      %parallel_loop3A_703 = arith.constant 0.000000e+00 : f32
      %parallel_loop3A_704 = vector.broadcast %parallel_loop3A_703 : f32 to vector<16xf32>
      %parallel_loop3A_705 = arith.cmpf ogt, %parallel_loop3A_702, %parallel_loop3A_704 : vector<16xf32>
      %parallel_loop3A_706 = arith.constant 0.000000e+00 : f32
      %parallel_loop3A_707 = vector.broadcast %parallel_loop3A_706 : f32 to vector<16xf32>
      %parallel_loop3A_708 = arith.select %parallel_loop3A_705, %parallel_loop3A_698, %parallel_loop3A_707 : vector<16xi1>, vector<16xf32>
      %parallel_loop3A_709 = arith.addf %parallel_loop3A_672, %parallel_loop3A_708 : vector<16xf32>
      %parallel_loop3A_710 = arith.index_cast %parallel_loop3A_490 : i32 to index
      %parallel_loop3A_711 = arith.constant 80 : index
      %parallel_loop3A_712 = tpu.vector_load %arg12[%parallel_loop3A_710, %parallel_loop3A_711] {strides = array<i32>} : memref<96x96xf32, #tpu.memory_space<vmem>>, vector<1x16xf32>,
      %parallel_loop3A_713 = vector.shape_cast %parallel_loop3A_712 : vector<1x16xf32> to vector<16xf32>
      %parallel_loop3A_714 = arith.addf %parallel_loop3A_677, %parallel_loop3A_713 : vector<16xf32>
      scf.yield %parallel_loop3A_709, %parallel_loop3A_714 : vector<16xf32>, vector<16xf32>
    } {sc.loop_unroll_factor = 4 : i64, sc.parallel_access}
    %swap3A = arith.constant 0 : i32
    %swap3A_479 = arith.index_cast %swap3A : i32 to index
    %swap3A_480 = arith.constant 0 : index
    %swap3A_481 = tpu.vector_load %arg13[%swap3A_479, %swap3A_480] {strides = array<i32>} : memref<2x16xf32, #tpu.memory_space<vmem>>, vector<1x16xf32>,
    %swap3A_482 = vector.shape_cast %swap3A_481 : vector<1x16xf32> to vector<16xf32>
    %swap3A_483 = vector.shape_cast %parallel_loop3A_478#0 : vector<16xf32> to vector<1x16xf32>
    tpu.vector_store %arg13[%swap3A_479, %swap3A_480], %swap3A_483 {strides = array<i32>} : memref<2x16xf32, #tpu.memory_space<vmem>>, vector<1x16xf32>,
    %swap3A_484 = arith.constant 1 : i32
    %swap3A_485 = arith.index_cast %swap3A_484 : i32 to index
    %swap3A_486 = arith.constant 0 : index
    %swap3A_487 = tpu.vector_load %arg13[%swap3A_485, %swap3A_486] {strides = array<i32>} : memref<2x16xf32, #tpu.memory_space<vmem>>, vector<1x16xf32>,
    %swap3A_488 = vector.shape_cast %swap3A_487 : vector<1x16xf32> to vector<16xf32>
    %swap3A_489 = vector.shape_cast %parallel_loop3A_478#1 : vector<16xf32> to vector<1x16xf32>
    tpu.vector_store %arg13[%swap3A_485, %swap3A_486], %swap3A_489 {strides = array<i32>} : memref<2x16xf32, #tpu.memory_space<vmem>>, vector<1x16xf32>,
    "tpu.region"() ({
      %run_scoped3A = tpu.sem_alloc : memref<!tpu.dma_semaphore, #tpu.memory_space<semaphore_mem>>
      %dma_start3A_490 = arith.constant 0 : i32
      %dma_start3A_491 = arith.constant 0 : i32
      %dma_start3A_492 = tpu.memref_slice %arg4[%add3A, %dma_start3A_490, %dma_start3A_491] : memref<32x2x16xf32, #tpu.memory_space<hbm>> -> memref<1x2x16xf32, #tpu.memory_space<hbm>>
      %dma_start3A_493 = tpu.memref_squeeze %dma_start3A_492 : memref<1x2x16xf32, #tpu.memory_space<hbm>> -> memref<2x16xf32, #tpu.memory_space<hbm>>
      %dma_start3A_494 = arith.constant 0 : i32
      %dma_start3A_495 = arith.constant 0 : i32
      %dma_start3A_496 = tpu.memref_slice %arg4[%add3A, %dma_start3A_494, %dma_start3A_495] : memref<32x2x16xf32, #tpu.memory_space<hbm>> -> memref<1x2x16xf32, #tpu.memory_space<hbm>>
      %dma_start3A_497 = tpu.memref_squeeze %dma_start3A_496 : memref<1x2x16xf32, #tpu.memory_space<hbm>> -> memref<2x16xf32, #tpu.memory_space<hbm>>
      tpu.enqueue_dma source(%arg13 : memref<2x16xf32, #tpu.memory_space<vmem>>) target(%dma_start3A_497 : memref<2x16xf32, #tpu.memory_space<hbm>>) target_semaphore(%run_scoped3A : memref<!tpu.dma_semaphore, #tpu.memory_space<semaphore_mem>>)
      %dma_wait3A_498 = arith.constant 0 : i32
      %dma_wait3A_499 = arith.constant 0 : i32
      %dma_wait3A_500 = tpu.memref_slice %arg4[%add3A, %dma_wait3A_498, %dma_wait3A_499] : memref<32x2x16xf32, #tpu.memory_space<hbm>> -> memref<1x2x16xf32, #tpu.memory_space<hbm>>
      %dma_wait3A_501 = tpu.memref_squeeze %dma_wait3A_500 : memref<1x2x16xf32, #tpu.memory_space<hbm>> -> memref<2x16xf32, #tpu.memory_space<hbm>>
      %dma_wait3A_502 = arith.constant 0 : i32
      %dma_wait3A_503 = arith.constant 0 : i32
      %dma_wait3A_504 = tpu.memref_slice %arg4[%add3A, %dma_wait3A_502, %dma_wait3A_503] : memref<32x2x16xf32, #tpu.memory_space<hbm>> -> memref<1x2x16xf32, #tpu.memory_space<hbm>>
      %dma_wait3A_505 = tpu.memref_squeeze %dma_wait3A_504 : memref<1x2x16xf32, #tpu.memory_space<hbm>> -> memref<2x16xf32, #tpu.memory_space<hbm>>
      tpu.wait_dma2 semaphore(%run_scoped3A : memref<!tpu.dma_semaphore, #tpu.memory_space<semaphore_mem>>) src(%arg13 : memref<2x16xf32, #tpu.memory_space<vmem>>) dst(%dma_wait3A_505 : memref<2x16xf32, #tpu.memory_space<hbm>>)
      tpu.yield
    }) : () -> ()
    return
  }
}

module attributes {stable_mosaic.version = 14 : i64} {
  func.func @_combine_body(%arg0: memref<3xf32, #tpu.memory_space<smem>>, %arg1: memref<32x2x16xf32, #tpu.memory_space<vmem>>, %arg2: memref<1xf32, #tpu.memory_space<smem>>) attributes {dimension_semantics = [], scalar_prefetch = 0 : i64, scratch_operands = 0 : i64, tpu.core_type = #tpu.core_type<tc>} {
    %get3A = arith.constant 0 : index
    %get3A_0 = arith.constant 0 : index
    %get3A_1 = arith.constant 0 : index
    %get3A_2 = vector.load %arg1[%get3A, %get3A_0, %get3A_1] : memref<32x2x16xf32, #tpu.memory_space<vmem>>, vector<32x2x16xf32>
    %get3A_3 = arith.constant 1 : index
    %get3A_4 = memref.load %arg0[%get3A_3] : memref<3xf32, #tpu.memory_space<smem>>
    %slice3A = vector.extract_strided_slice %get3A_2 {offsets = [0, 0, 0], sizes = [32, 1, 16], strides = [1, 1, 1]} : vector<32x2x16xf32> to vector<32x1x16xf32>
    %squeeze3A = vector.shape_cast %slice3A : vector<32x1x16xf32> to vector<32x16xf32>
    %reduce_sum3A = vector.shape_cast %squeeze3A : vector<32x16xf32> to vector<1x32x16xf32>
    %reduce_sum3A_5 = arith.constant dense<0.000000e+00> : vector<1xf32>
    %reduce_sum3A_6 = vector.multi_reduction <add>, %reduce_sum3A, %reduce_sum3A_5 [1, 2] : vector<1x32x16xf32> to vector<1xf32>
    %reduce_sum3A_7 = vector.shape_cast %reduce_sum3A_6 : vector<1xf32> to vector<1x1x1xf32>
    %reduce_sum3A_8 = vector.extract %reduce_sum3A_7[0, 0, 0] : f32 from vector<1x1x1xf32>
    %add3A = arith.addf %get3A_4, %reduce_sum3A_8 : f32
    %get3A_9 = arith.constant 2 : index
    %get3A_10 = memref.load %arg0[%get3A_9] : memref<3xf32, #tpu.memory_space<smem>>
    %slice3A_11 = vector.extract_strided_slice %get3A_2 {offsets = [0, 1, 0], sizes = [32, 1, 16], strides = [1, 1, 1]} : vector<32x2x16xf32> to vector<32x1x16xf32>
    %squeeze3A_12 = vector.shape_cast %slice3A_11 : vector<32x1x16xf32> to vector<32x16xf32>
    %reduce_sum3A_13 = vector.shape_cast %squeeze3A_12 : vector<32x16xf32> to vector<1x32x16xf32>
    %reduce_sum3A_14 = arith.constant dense<0.000000e+00> : vector<1xf32>
    %reduce_sum3A_15 = vector.multi_reduction <add>, %reduce_sum3A_13, %reduce_sum3A_14 [1, 2] : vector<1x32x16xf32> to vector<1xf32>
    %reduce_sum3A_16 = vector.shape_cast %reduce_sum3A_15 : vector<1xf32> to vector<1x1x1xf32>
    %reduce_sum3A_17 = vector.extract %reduce_sum3A_16[0, 0, 0] : f32 from vector<1x1x1xf32>
    %add3A_18 = arith.addf %get3A_10, %reduce_sum3A_17 : f32
    %get3A_19 = arith.constant 0 : index
    %get3A_20 = memref.load %arg0[%get3A_19] : memref<3xf32, #tpu.memory_space<smem>>
    %mul3A = arith.constant 1.000000e-01 : f32
    %mul3A_21 = arith.mulf %mul3A, %add3A : f32
    %add3A_22 = arith.constant 9.99999974E-5 : f32
    %add3A_23 = arith.addf %add3A_18, %add3A_22 : f32
    %div3A = arith.divf %mul3A_21, %add3A_23 : f32
    %add3A_24 = arith.addf %get3A_20, %div3A : f32
    %div3A_25 = arith.constant 6.400000e+01 : f32
    %div3A_26 = arith.divf %add3A_24, %div3A_25 : f32
    %swap3A = arith.constant 0 : index
    %swap3A_27 = memref.load %arg2[%swap3A] : memref<1xf32, #tpu.memory_space<smem>>
    memref.store %div3A_26, %arg2[%swap3A] : memref<1xf32, #tpu.memory_space<smem>>
    return
  }
}

module attributes {stable_mosaic.version = 14 : i64} {
  func.func @_tc_focal_body(%arg0: i32, %arg1: memref<1x8x4x96x96xf32, #tpu.memory_space<vmem>>, %arg2: memref<1x8x4x96x96xf32, #tpu.memory_space<vmem>>, %arg3: memref<1x2x4x96x96xf32, #tpu.memory_space<vmem>>, %arg4: memref<1x2x4x96x96xf32, #tpu.memory_space<vmem>>, %arg5: memref<1x2x4x96x96xf32, #tpu.memory_space<vmem>>, %arg6: memref<1x2x4x96x96xf32, #tpu.memory_space<vmem>>, %arg7: memref<3xf32, #tpu.memory_space<smem>>, %arg8: memref<3xf32, #tpu.memory_space<smem>>) attributes {dimension_semantics = [#tpu.dimension_semantics<arbitrary>], iteration_bounds = array<i64: 8>, scalar_prefetch = 0 : i64, scratch_operands = 1 : i64, tpu.core_type = #tpu.core_type<tc>, window_params = [{transform_indices = @transform_0, window_bounds = array<i64: 1, 8, 4, 96, 96>}, {transform_indices = @transform_1, window_bounds = array<i64: 1, 8, 4, 96, 96>}, {transform_indices = @transform_2, window_bounds = array<i64: 1, 2, 4, 96, 96>}, {transform_indices = @transform_3, window_bounds = array<i64: 1, 2, 4, 96, 96>}, {transform_indices = @transform_4, window_bounds = array<i64: 1, 2, 4, 96, 96>}, {transform_indices = @transform_5, window_bounds = array<i64: 1, 2, 4, 96, 96>}, {transform_indices = @transform_6, window_bounds = array<i64: 3>}]} {
    %eq3A = arith.constant 0 : i32
    %eq3A_0 = arith.cmpi eq, %arg0, %eq3A : i32
    %convert_element_type3A = arith.extui %eq3A_0 : i1 to i32
    %cond3A = arith.constant 0 : i32
    %cond3A_1 = arith.cmpi ne, %convert_element_type3A, %cond3A : i32
    scf.if %cond3A_1 {
      %swap3A_102 = arith.constant 0.000000e+00 : f32
      %swap3A_103 = arith.constant 0 : index
      %swap3A_104 = memref.load %arg8[%swap3A_103] : memref<3xf32, #tpu.memory_space<smem>>
      memref.store %swap3A_102, %arg8[%swap3A_103] : memref<3xf32, #tpu.memory_space<smem>>
      %swap3A_105 = arith.constant 0.000000e+00 : f32
      %swap3A_106 = arith.constant 1 : index
      %swap3A_107 = memref.load %arg8[%swap3A_106] : memref<3xf32, #tpu.memory_space<smem>>
      memref.store %swap3A_105, %arg8[%swap3A_106] : memref<3xf32, #tpu.memory_space<smem>>
      %swap3A_108 = arith.constant 0.000000e+00 : f32
      %swap3A_109 = arith.constant 2 : index
      %swap3A_110 = memref.load %arg8[%swap3A_109] : memref<3xf32, #tpu.memory_space<smem>>
      memref.store %swap3A_108, %arg8[%swap3A_109] : memref<3xf32, #tpu.memory_space<smem>>
    } else {
    }
    %get3A = arith.constant 0 : index
    %get3A_2 = arith.constant 0 : index
    %get3A_3 = arith.constant 0 : index
    %get3A_4 = arith.constant 0 : index
    %get3A_5 = arith.constant 0 : index
    %get3A_6 = vector.load %arg1[%get3A, %get3A_2, %get3A_3, %get3A_4, %get3A_5] : memref<1x8x4x96x96xf32, #tpu.memory_space<vmem>>, vector<1x8x4x96x96xf32>
    %get3A_7 = vector.shape_cast %get3A_6 : vector<1x8x4x96x96xf32> to vector<8x4x96x96xf32>
    %jit3A = arith.constant 9.99999974E-5 : f32
    %jit3A_8 = arith.constant 0.999899983 : f32
    %max3A = vector.broadcast %jit3A : f32 to vector<8x4x96x96xf32>
    %max3A_9 = arith.maximumf %max3A, %get3A_7 : vector<8x4x96x96xf32>
    %min3A = vector.broadcast %jit3A_8 : f32 to vector<8x4x96x96xf32>
    %min3A_10 = arith.minimumf %min3A, %max3A_9 : vector<8x4x96x96xf32>
    %get3A_11 = arith.constant 0 : index
    %get3A_12 = arith.constant 0 : index
    %get3A_13 = arith.constant 0 : index
    %get3A_14 = arith.constant 0 : index
    %get3A_15 = arith.constant 0 : index
    %get3A_16 = vector.load %arg2[%get3A_11, %get3A_12, %get3A_13, %get3A_14, %get3A_15] : memref<1x8x4x96x96xf32, #tpu.memory_space<vmem>>, vector<1x8x4x96x96xf32>
    %get3A_17 = vector.shape_cast %get3A_16 : vector<1x8x4x96x96xf32> to vector<8x4x96x96xf32>
    %sub3A = arith.constant 1.000000e+00 : f32
    %sub3A_18 = vector.broadcast %sub3A : f32 to vector<8x4x96x96xf32>
    %sub3A_19 = arith.subf %sub3A_18, %min3A_10 : vector<8x4x96x96xf32>
    %log3A = math.log %sub3A_19 : vector<8x4x96x96xf32>
    %sub3A_20 = arith.constant 1.000000e+00 : f32
    %sub3A_21 = vector.broadcast %sub3A_20 : f32 to vector<8x4x96x96xf32>
    %sub3A_22 = arith.subf %sub3A_21, %get3A_17 : vector<8x4x96x96xf32>
    %mul3A = arith.mulf %sub3A_22, %sub3A_22 : vector<8x4x96x96xf32>
    %get3A_23 = arith.constant 0 : index
    %get3A_24 = memref.load %arg8[%get3A_23] : memref<3xf32, #tpu.memory_space<smem>>
    %mul3A_25 = arith.mulf %mul3A, %mul3A : vector<8x4x96x96xf32>
    %mul3A_26 = arith.mulf %mul3A_25, %min3A_10 : vector<8x4x96x96xf32>
    %mul3A_27 = arith.mulf %mul3A_26, %min3A_10 : vector<8x4x96x96xf32>
    %mul3A_28 = arith.mulf %mul3A_27, %log3A : vector<8x4x96x96xf32>
    %reduce_sum3A = vector.shape_cast %mul3A_28 : vector<8x4x96x96xf32> to vector<1x8x4x96x96xf32>
    %reduce_sum3A_29 = arith.constant dense<0.000000e+00> : vector<1xf32>
    %reduce_sum3A_30 = vector.multi_reduction <add>, %reduce_sum3A, %reduce_sum3A_29 [1, 2, 3, 4] : vector<1x8x4x96x96xf32> to vector<1xf32>
    %reduce_sum3A_31 = vector.shape_cast %reduce_sum3A_30 : vector<1xf32> to vector<1x1x1x1x1xf32>
    %reduce_sum3A_32 = vector.extract %reduce_sum3A_31[0, 0, 0, 0, 0] : f32 from vector<1x1x1x1x1xf32>
    %neg3A = arith.constant 0.000000e+00 : f32
    %neg3A_33 = arith.subf %neg3A, %reduce_sum3A_32 : f32
    %add3A = arith.addf %get3A_24, %neg3A_33 : f32
    %swap3A = arith.constant 0 : index
    %swap3A_34 = memref.load %arg8[%swap3A] : memref<3xf32, #tpu.memory_space<smem>>
    memref.store %add3A, %arg8[%swap3A] : memref<3xf32, #tpu.memory_space<smem>>
    %get3A_35 = arith.constant 0 : index
    %get3A_36 = arith.constant 0 : index
    %get3A_37 = arith.constant 0 : index
    %get3A_38 = arith.constant 0 : index
    %get3A_39 = arith.constant 0 : index
    %get3A_40 = vector.load %arg3[%get3A_35, %get3A_36, %get3A_37, %get3A_38, %get3A_39] : memref<1x2x4x96x96xf32, #tpu.memory_space<vmem>>, vector<1x2x4x96x96xf32>
    %get3A_41 = vector.shape_cast %get3A_40 : vector<1x2x4x96x96xf32> to vector<2x4x96x96xf32>
    %get3A_42 = arith.constant 0 : index
    %get3A_43 = arith.constant 0 : index
    %get3A_44 = arith.constant 0 : index
    %get3A_45 = arith.constant 0 : index
    %get3A_46 = arith.constant 0 : index
    %get3A_47 = vector.load %arg4[%get3A_42, %get3A_43, %get3A_44, %get3A_45, %get3A_46] : memref<1x2x4x96x96xf32, #tpu.memory_space<vmem>>, vector<1x2x4x96x96xf32>
    %get3A_48 = vector.shape_cast %get3A_47 : vector<1x2x4x96x96xf32> to vector<2x4x96x96xf32>
    %sub3A_49 = arith.subf %get3A_41, %get3A_48 : vector<2x4x96x96xf32>
    %abs3A = math.absf %sub3A_49 : vector<2x4x96x96xf32>
    %lt3A = arith.constant 1.000000e+00 : f32
    %lt3A_50 = vector.broadcast %lt3A : f32 to vector<2x4x96x96xf32>
    %lt3A_51 = arith.cmpf olt, %abs3A, %lt3A_50 : vector<2x4x96x96xf32>
    %mul3A_52 = arith.constant 5.000000e-01 : f32
    %mul3A_53 = vector.broadcast %mul3A_52 : f32 to vector<2x4x96x96xf32>
    %mul3A_54 = arith.mulf %mul3A_53, %sub3A_49 : vector<2x4x96x96xf32>
    %mul3A_55 = arith.mulf %mul3A_54, %sub3A_49 : vector<2x4x96x96xf32>
    %sub3A_56 = arith.constant 5.000000e-01 : f32
    %sub3A_57 = vector.broadcast %sub3A_56 : f32 to vector<2x4x96x96xf32>
    %sub3A_58 = arith.subf %abs3A, %sub3A_57 : vector<2x4x96x96xf32>
    %select_n3A = arith.select %lt3A_51, %mul3A_55, %sub3A_58 : vector<2x4x96x96xi1>, vector<2x4x96x96xf32>
    %get3A_59 = arith.constant 1 : index
    %get3A_60 = memref.load %arg8[%get3A_59] : memref<3xf32, #tpu.memory_space<smem>>
    %get3A_61 = arith.constant 0 : index
    %get3A_62 = arith.constant 0 : index
    %get3A_63 = arith.constant 0 : index
    %get3A_64 = arith.constant 0 : index
    %get3A_65 = arith.constant 0 : index
    %get3A_66 = vector.load %arg5[%get3A_61, %get3A_62, %get3A_63, %get3A_64, %get3A_65] : memref<1x2x4x96x96xf32, #tpu.memory_space<vmem>>, vector<1x2x4x96x96xf32>
    %get3A_67 = vector.shape_cast %get3A_66 : vector<1x2x4x96x96xf32> to vector<2x4x96x96xf32>
    %gt3A = arith.constant 0.000000e+00 : f32
    %gt3A_68 = vector.broadcast %gt3A : f32 to vector<2x4x96x96xf32>
    %gt3A_69 = arith.cmpf ogt, %get3A_67, %gt3A_68 : vector<2x4x96x96xf32>
    %jit3A_70 = arith.constant 0.000000e+00 : f32
    %broadcast_in_dim3A = vector.broadcast %jit3A_70 : f32 to vector<2x4x96x96xf32>
    %select_n3A_71 = arith.select %gt3A_69, %select_n3A, %broadcast_in_dim3A : vector<2x4x96x96xi1>, vector<2x4x96x96xf32>
    %reduce_sum3A_72 = vector.shape_cast %select_n3A_71 : vector<2x4x96x96xf32> to vector<1x2x4x96x96xf32>
    %reduce_sum3A_73 = arith.constant dense<0.000000e+00> : vector<1xf32>
    %reduce_sum3A_74 = vector.multi_reduction <add>, %reduce_sum3A_72, %reduce_sum3A_73 [1, 2, 3, 4] : vector<1x2x4x96x96xf32> to vector<1xf32>
    %reduce_sum3A_75 = vector.shape_cast %reduce_sum3A_74 : vector<1xf32> to vector<1x1x1x1x1xf32>
    %reduce_sum3A_76 = vector.extract %reduce_sum3A_75[0, 0, 0, 0, 0] : f32 from vector<1x1x1x1x1xf32>
    %add3A_77 = arith.addf %get3A_60, %reduce_sum3A_76 : f32
    %swap3A_78 = arith.constant 1 : index
    %swap3A_79 = memref.load %arg8[%swap3A_78] : memref<3xf32, #tpu.memory_space<smem>>
    memref.store %add3A_77, %arg8[%swap3A_78] : memref<3xf32, #tpu.memory_space<smem>>
    %get3A_80 = arith.constant 2 : index
    %get3A_81 = memref.load %arg8[%get3A_80] : memref<3xf32, #tpu.memory_space<smem>>
    %get3A_82 = arith.constant 0 : index
    %get3A_83 = arith.constant 0 : index
    %get3A_84 = arith.constant 0 : index
    %get3A_85 = arith.constant 0 : index
    %get3A_86 = arith.constant 0 : index
    %get3A_87 = vector.load %arg6[%get3A_82, %get3A_83, %get3A_84, %get3A_85, %get3A_86] : memref<1x2x4x96x96xf32, #tpu.memory_space<vmem>>, vector<1x2x4x96x96xf32>
    %get3A_88 = vector.shape_cast %get3A_87 : vector<1x2x4x96x96xf32> to vector<2x4x96x96xf32>
    %reduce_sum3A_89 = vector.shape_cast %get3A_88 : vector<2x4x96x96xf32> to vector<1x2x4x96x96xf32>
    %reduce_sum3A_90 = arith.constant dense<0.000000e+00> : vector<1xf32>
    %reduce_sum3A_91 = vector.multi_reduction <add>, %reduce_sum3A_89, %reduce_sum3A_90 [1, 2, 3, 4] : vector<1x2x4x96x96xf32> to vector<1xf32>
    %reduce_sum3A_92 = vector.shape_cast %reduce_sum3A_91 : vector<1xf32> to vector<1x1x1x1x1xf32>
    %reduce_sum3A_93 = vector.extract %reduce_sum3A_92[0, 0, 0, 0, 0] : f32 from vector<1x1x1x1x1xf32>
    %add3A_94 = arith.addf %get3A_81, %reduce_sum3A_93 : f32
    %swap3A_95 = arith.constant 2 : index
    %swap3A_96 = memref.load %arg8[%swap3A_95] : memref<3xf32, #tpu.memory_space<smem>>
    memref.store %add3A_94, %arg8[%swap3A_95] : memref<3xf32, #tpu.memory_space<smem>>
    %eq3A_97 = arith.constant 7 : i32
    %eq3A_98 = arith.cmpi eq, %arg0, %eq3A_97 : i32
    %convert_element_type3A_99 = arith.extui %eq3A_98 : i1 to i32
    %cond3A_100 = arith.constant 0 : i32
    %cond3A_101 = arith.cmpi ne, %convert_element_type3A_99, %cond3A_100 : i32
    scf.if %cond3A_101 {
      %get3A_102 = arith.constant 0 : index
      %get3A_103 = memref.load %arg8[%get3A_102] : memref<3xf32, #tpu.memory_space<smem>>
      %swap3A_104 = arith.constant 0 : index
      %swap3A_105 = memref.load %arg7[%swap3A_104] : memref<3xf32, #tpu.memory_space<smem>>
      memref.store %get3A_103, %arg7[%swap3A_104] : memref<3xf32, #tpu.memory_space<smem>>
      %get3A_106 = arith.constant 1 : index
      %get3A_107 = memref.load %arg8[%get3A_106] : memref<3xf32, #tpu.memory_space<smem>>
      %swap3A_108 = arith.constant 1 : index
      %swap3A_109 = memref.load %arg7[%swap3A_108] : memref<3xf32, #tpu.memory_space<smem>>
      memref.store %get3A_107, %arg7[%swap3A_108] : memref<3xf32, #tpu.memory_space<smem>>
      %get3A_110 = arith.constant 2 : index
      %get3A_111 = memref.load %arg8[%get3A_110] : memref<3xf32, #tpu.memory_space<smem>>
      %swap3A_112 = arith.constant 2 : index
      %swap3A_113 = memref.load %arg7[%swap3A_112] : memref<3xf32, #tpu.memory_space<smem>>
      memref.store %get3A_111, %arg7[%swap3A_112] : memref<3xf32, #tpu.memory_space<smem>>
    } else {
    }
    return
  }
  func.func @transform_0(%arg0: i32) -> (i32, i32, i32, i32, i32) {
    %c0_i32 = arith.constant 0 : i32
    %c0_i32_0 = arith.constant 0 : i32
    %c0_i32_1 = arith.constant 0 : i32
    %c0_i32_2 = arith.constant 0 : i32
    %c0_i32_3 = arith.constant 0 : i32
    return %c0_i32, %arg0, %c0_i32_0, %c0_i32_1, %c0_i32_2 : i32, i32, i32, i32, i32
  }
  func.func @transform_1(%arg0: i32) -> (i32, i32, i32, i32, i32) {
    %c0_i32 = arith.constant 0 : i32
    %c0_i32_0 = arith.constant 0 : i32
    %c0_i32_1 = arith.constant 0 : i32
    %c0_i32_2 = arith.constant 0 : i32
    %c0_i32_3 = arith.constant 0 : i32
    return %c0_i32, %arg0, %c0_i32_0, %c0_i32_1, %c0_i32_2 : i32, i32, i32, i32, i32
  }
  func.func @transform_2(%arg0: i32) -> (i32, i32, i32, i32, i32) {
    %add3A = arith.constant 24 : i32
    %add3A_0 = arith.addi %add3A, %arg0 : i32
    %c1_i32 = arith.constant 1 : i32
    %c0_i32 = arith.constant 0 : i32
    %c0_i32_1 = arith.constant 0 : i32
    %c0_i32_2 = arith.constant 0 : i32
    %c0_i32_3 = arith.constant 0 : i32
    return %c1_i32, %add3A_0, %c0_i32, %c0_i32_1, %c0_i32_2 : i32, i32, i32, i32, i32
  }
  func.func @transform_3(%arg0: i32) -> (i32, i32, i32, i32, i32) {
    %add3A = arith.constant 24 : i32
    %add3A_0 = arith.addi %add3A, %arg0 : i32
    %c1_i32 = arith.constant 1 : i32
    %c0_i32 = arith.constant 0 : i32
    %c0_i32_1 = arith.constant 0 : i32
    %c0_i32_2 = arith.constant 0 : i32
    %c0_i32_3 = arith.constant 0 : i32
    return %c1_i32, %add3A_0, %c0_i32, %c0_i32_1, %c0_i32_2 : i32, i32, i32, i32, i32
  }
  func.func @transform_4(%arg0: i32) -> (i32, i32, i32, i32, i32) {
    %add3A = arith.constant 24 : i32
    %add3A_0 = arith.addi %add3A, %arg0 : i32
    %c2_i32 = arith.constant 2 : i32
    %c0_i32 = arith.constant 0 : i32
    %c0_i32_1 = arith.constant 0 : i32
    %c0_i32_2 = arith.constant 0 : i32
    %c0_i32_3 = arith.constant 0 : i32
    return %c2_i32, %add3A_0, %c0_i32, %c0_i32_1, %c0_i32_2 : i32, i32, i32, i32, i32
  }
  func.func @transform_5(%arg0: i32) -> (i32, i32, i32, i32, i32) {
    %add3A = arith.constant 24 : i32
    %add3A_0 = arith.addi %add3A, %arg0 : i32
    %c3_i32 = arith.constant 3 : i32
    %c0_i32 = arith.constant 0 : i32
    %c0_i32_1 = arith.constant 0 : i32
    %c0_i32_2 = arith.constant 0 : i32
    %c0_i32_3 = arith.constant 0 : i32
    return %c3_i32, %add3A_0, %c0_i32, %c0_i32_1, %c0_i32_2 : i32, i32, i32, i32, i32
  }
  func.func @transform_6(%arg0: i32) -> i32 {
    %c0_i32 = arith.constant 0 : i32
    %c0_i32_0 = arith.constant 0 : i32
    return %c0_i32 : i32
  }
}

</mosaic_0001>

<sc_bundles>
// kernel: kernel.5.cloned.1.call-start
scs
__scs_entry_jumppad:
0x0: {  	(pc) =	sbr.rel $0x88, $3  }
0x1: {  	(tag) =	ssettag $0x0;
	lr =	simm.s32 $0x1  }
0x2: {  	[smem:$0x3F9F] =	sst lr;
	_ =	strace $0xD0000000  }
0x3: {  	_ = 	snop  }
0x4: {  	_ = 	snop  }
0x5: {  	_ = 	snop  }
0x6: {  	_ = 	snop  }
0x7: {  	_ = 	snop  }
__scs_overlays_trampoline_lowered:
0x8: {  	[smem:$0x3FAE] =	sst s0  }
0x9: {  	[smem:$0x3FAF] =	sst s1  }
0xa: {  	[smem:$0x3FB0] =	sst s2  }
0xb: {  	[smem:$0x3FB1] =	sst s3  }
0xc: {  	[smem:$0x3FB2] =	sst s4  }
0xd: {  	[smem:$0x3FB3] =	sst s5  }
0xe: {  	[smem:$0x3FB4] =	sst s6  }
0xf: {  	[smem:$0x3FB5] =	sst s7  }
0x10: {  	[smem:$0x3FB6] =	sst s8  }
0x11: {  	[smem:$0x3FB7] =	sst s9;
	s0 =	simm.s32 @!p0 $0x0  }
0x12: {  	s1 =	sld [smem:$0x3F9D];
	s0 =	simm.s32 @p0 $0x1  }
0x13: {  	[smem:$0x3FB8] =	sst s0;
	s0 =	simm.s32 @!p1 $0x0  }
0x14: {  	s2 =	sld [smem:$0x3F9C];
	s0 =	simm.s32 @p1 $0x1  }
0x15: {  	[smem:$0x3FB9] =	sst s0;
	s0 =	simm.s32 @!p2 $0x0  }
0x16: {  	s3 =	sld [smem:$0x3FDB];
	s0 =	simm.s32 @p2 $0x1  }
0x17: {  	s4 =	simm.s32 $0x1BF5;
	[smem:$0x3FBB] =	sst s0  }
0x18: {  	s0 =	sld [smem:$0x3F9E];
	_ =	swait.ge [sflag:s4], $0x0  }
0x19: {  	s7 =	sld [smem:$0x3F9F]  }
0x1a: {  	s8 =	sadd.s32 $0xFFFFE003, lr  }
0x1b: {  	s9 =	sadd.s32 $0xFFFFFEF7, lr;
	s5 =	simm.s32 $0xFFFFFFFF;
	p2 =	slt.u32 s8, $0xFFFFF086  }
0x1c: {  	p1 =	slt.u32 s9, $0xF7A;
	s5 =	simm.s32 @!p2 $0x0  }
0x1d: {  	s5 =	simm.s32 @p1 $0x1;
	p0 =	seq.s32 s7, s2  }
0x1e: {  	s7 =	smul.u32 @!p0 $0xF7A, s2;
	p2 =	seq.s32 @!p0 s5, $0x0  }
0x1f: {  	s9 =	smul.u32 $0xF7A, s1;
	s8 =	simm.s32 @!p0 $0x1BF5;
	p2 =	por !p2, p0  }
0x20: {  	[sflag:s8] =	ssyncset.s32 @!p0 $0xFFFFF086;
	s6 =	sadd.s32 @!p0 s3, s7;
	s7 =	simm.s32 @!p0 $0x108  }
0x21: {  	s3 =	sadd.s32 s3, s9;
	s6 =	sadd.s32 @!p0 $0x88, s6;
	s7 =	simm.s32 @p2 $0x1082  }
0x22: {  	[simem:s7], [sflag:s8] =	dma.local @!p0 [hbm:s6], $0xF7A  }
0x23: {  	s9 =	sor.u32 $0xD0000000, s2;
	s6 =	simm.s32 $0x108;
	_ =	swait.ge @!p0 [sflag:s8], $0x0  }
0x24: {  	s3 =	sadd.s32 $0x88, s3;
	s6 =	simm.s32 @!p1 $0x1082;
	[sflag:s4] =	ssyncset.s32 $0xFFFFF086  }
0x25: {  	[simem:s6], [sflag:s4] =	dma.local [hbm:s3], $0xF7A  }
0x26: {  	[smem:$0x3F9F] =	sst s1;
	(tag) =	ssettag s2;
	_ =	strace s9  }
0x27: {  	s1 =	sld [smem:$0x3FAF]  }
0x28: {  	s2 =	sld [smem:$0x3FB0]  }
0x29: {  	s4 =	sld [smem:$0x3FB2]  }
0x2a: {  	p0 =	seq.s32 s5, $0x0;
	s5 =	sld [smem:$0x3FB3]  }
0x2b: {  	s6 =	sld [smem:$0x3FB4]  }
0x2c: {  	s7 =	sld [smem:$0x3FB5]  }
0x2d: {  	s3 =	simm.s32 $0x108;
	s8 =	sld [smem:$0x3FB6]  }
0x2e: {  	s3 =	simm.s32 @!p0 $0x1082;
	s9 =	sld [smem:$0x3FB7]  }
0x2f: {  	lr =	sadd.s32 s0, s3;
	s0 =	sld [smem:$0x3FAE]  }
0x30: {  	s3 =	sld [smem:$0x3FB1]  }
0x31: {  	[smem:$0x3FBA] =	sst s10  }
0x32: {  	s10 =	sld [smem:$0x3FB8];
	_ =	sdelay $0x3  }
0x33: {  	p0 =	seq.s32 s10, $0x1;
	s10 =	sld [smem:$0x3FBA];
	_ =	sdelay $0x3  }
0x34: {  	[smem:$0x3FBA] =	sst s10  }
0x35: {  	s10 =	sld [smem:$0x3FB9];
	_ =	sdelay $0x3  }
0x36: {  	p1 =	seq.s32 s10, $0x1;
	s10 =	sld [smem:$0x3FBA];
	_ =	sdelay $0x3  }
0x37: {  	[smem:$0x3FBA] =	sst s10  }
0x38: {  	s10 =	sld [smem:$0x3FBB]  }
0x39: {  	_ = 	snop;
	(pc) =	sbr.ind lr, $3  }
0x3a: {  	_ = 	snop  }
0x3b: {  	_ = 	snop  }
0x3c: {  	p2 =	seq.s32 s10, $0x1;
	s10 =	sld [smem:$0x3FBA]  }
0x3d: {  	_ =	shalt  }
0x3e: {  	_ =	shalt  }
0x3f: {  	_ =	shalt  }
0x40: {  	_ =	shalt  }
0x41: {  	_ =	shalt  }
0x42: {  	_ =	shalt  }
0x43: {  	_ =	shalt  }
0x44: {  	_ =	shalt  }
0x45: {  	_ =	shalt  }
0x46: {  	_ =	shalt  }
0x47: {  	_ =	shalt  }
0x48: {  	_ =	shalt  }
0x49: {  	_ =	shalt  }
0x4a: {  	_ =	shalt  }
0x4b: {  	_ =	shalt  }
0x4c: {  	_ =	shalt  }
0x4d: {  	_ =	shalt  }
0x4e: {  	_ =	shalt  }
0x4f: {  	_ =	shalt  }
0x50: {  	_ =	shalt  }
0x51: {  	_ =	shalt  }
0x52: {  	_ =	shalt  }
0x53: {  	_ =	shalt  }
0x54: {  	_ =	shalt  }
0x55: {  	_ =	shalt  }
0x56: {  	_ =	shalt  }
0x57: {  	_ =	shalt  }
0x58: {  	_ =	shalt  }
0x59: {  	_ =	shalt  }
0x5a: {  	_ =	shalt  }
0x5b: {  	_ =	shalt  }
0x5c: {  	_ =	shalt  }
0x5d: {  	_ =	shalt  }
0x5e: {  	_ =	shalt  }
0x5f: {  	_ =	shalt  }
0x60: {  	_ =	shalt  }
0x61: {  	_ =	shalt  }
0x62: {  	_ =	shalt  }
0x63: {  	_ =	shalt  }
0x64: {  	_ =	shalt  }
0x65: {  	_ =	shalt  }
0x66: {  	_ =	shalt  }
0x67: {  	_ =	shalt  }
0x68: {  	_ =	shalt  }
0x69: {  	_ =	shalt  }
0x6a: {  	_ =	shalt  }
0x6b: {  	_ =	shalt  }
0x6c: {  	_ =	shalt  }
0x6d: {  	_ =	shalt  }
0x6e: {  	_ =	shalt  }
0x6f: {  	_ =	shalt  }
0x70: {  	_ =	shalt  }
0x71: {  	_ =	shalt  }
0x72: {  	_ =	shalt  }
0x73: {  	_ =	shalt  }
0x74: {  	_ =	shalt  }
0x75: {  	_ =	shalt  }
0x76: {  	_ =	shalt  }
0x77: {  	_ =	shalt  }
0x78: {  	_ =	shalt  }
0x79: {  	_ =	shalt  }
0x7a: {  	_ =	shalt  }
0x7b: {  	_ =	shalt  }
0x7c: {  	_ =	shalt  }
0x7d: {  	_ =	shalt  }
0x7e: {  	_ =	shalt  }
0x7f: {  	_ =	shalt  }
0x80: {  	_ =	shalt  }
0x81: {  	_ =	shalt  }
0x82: {  	_ =	shalt  }
0x83: {  	_ =	shalt  }
0x84: {  	_ =	shalt  }
0x85: {  	_ =	shalt  }
0x86: {  	_ =	shalt  }
0x87: {  	_ =	shalt  }
.Lfunc_end0:
.L_simem_size_0:
called_computation_lowered:
.L_overlay_start_0:
0x88: {  	s2 =	sld [smem:$0x3FD9]  }
0x89: {  	s3 =	sld [smem:$0x3FFE];
	_ =	sdelay $0x1  }
0x8a: {  	s1 =	srdreg.scid  }
0x8b: {  	s0 =	sand.u32 $0x1, s1  }
0x8c: {  	s17 =	sshll.u32 s0, $0xA;
	s2 =	sadd.s32 s3, s2  }
0x8d: {  	s2 =	sadd.s32 s2, s17  }
0x8e: {  	[smem:$0x3FC6] =	sst s2  }
0x8f: {  	_ = 	snop  }
0x90: {  	s2 =	sld [smem:$0x3FC9]  }
0x91: {  	s18 =	sld [smem:$0x3FC8];
	(tm) =	ssettm $0x1  }
0x92: {  	s4 =	sld [smem:$0x3FFB];
	_ =	sdelay $0x3  }
0x93: {  	_ =	strace s4  }
0x94: {  	s4 =	sld [smem:$0x3FFC];
	_ =	sdelay $0x3  }
0x95: {  	_ =	strace s4  }
0x96: {  	s4 =	sld [smem:$0x3FFD];
	_ =	sdelay $0x3  }
0x97: {  	_ =	strace s4  }
0x98: {  	_ =	strace $0x8FFFFFFF  }
0x99: {  	s19 =	sld [smem:$0x3FDB];
	_ =	sdelay $0x1  }
0x9a: {  	s5 =	simm.s32 $_scs_section_size  }
0x9b: {  	s6 =	simm.s32 $_size__tile_overlayer_lowered;
	s7 =	simm.s32 $_tile_overlayer_lowered  }
0x9c: {  	s22 =	simm.s32 $0x1BFF;
	s21 =	sshll.u32 s7, $0x1;
	s4 =	sadd.s32 s5, s19  }
0x9d: {  	s8 =	simm.s32 $0x0;
	s20 =	sshll.u32 s6, $0x1;
	s6 =	sadd.s32 s21, s4  }
0x9e: {  	[timem:s8], [sflag:s22] =	dma.local [hbm:s6], s20  }
0x9f: {  	_ =	swait.ge [sflag:s22], s20  }
0xa0: {  	s5 =	ssub.s32 $0x0, s20;
	[sflag:s22] =	ssyncset.done $0x0  }
0xa1: {  	[sflag:s22] =	ssyncadd.s32 s5;
	_ =	sdelay $0x1  }
0xa2: {  	s23 =	simm.s32 $0x1B8B  }
0xa3: {  	_ =	swait.ge [sflag:s23], $0x1  }
0xa4: {  	[sflag:s23] =	ssyncset.done $0x0  }
0xa5: {  	s25 =	simm.s32 $0x1B8E;
	s24 =	sld [smem:$0x3FFE];
	[sflag:s23] =	ssyncadd.s32 $0xFFFFFFFF  }
0xa6: {  	s26 =	simm.s32 $execute0_lowered;
	[smem:$0x3FD2] =	sst s25  }
0xa7: {  	s6 =	sshll.u32 s26, $0x1;
	_ =	strace $0x80000046;
	[dreg:$0x1] =	wrdreg $0xFFFFFFFF  }
0xa8: {  	s28 =	simm.s32 $_size_execute0_lowered;
	s4 =	sadd.s32 s4, s6;
	[dreg:$0x0] =	wrdreg $0x0  }
0xa9: {  	s6 =	sshll.u32 s28, $0x1;
	[dreg:$0x2] =	wrdreg s4  }
0xaa: {  	[dreg:$0x3] =	wrdreg s6  }
0xab: {  	[dreg:$0x4] =	wrdreg $0xC0  }
0xac: {  	_ =	task [dreg:s8], $0x5FFFF  }
0xad: {  	[dreg:$0x1] =	wrdreg $0xFFFFFFFF  }
0xae: {  	[dreg:$0x0] =	wrdreg $0x60  }
0xaf: {  	[dreg:$0x2] =	wrdreg s2  }
0xb0: {  	[dreg:$0x3] =	wrdreg s18  }
0xb1: {  	[dreg:$0x4] =	wrdreg s24  }
0xb2: {  	[dreg:$0x5] =	wrdreg $0x9  }
0xb3: {  	_ =	task.clear_ibuf [dreg:s8], $0x6FFFF;
	_ =	strace $0x90000046  }
0xb4: {  	s29 =	simm.s32 $0x9;
	_ =	strace $0x80000048  }
0xb5: {  	_ =	swait.ge [sflag:s29], $0x1  }
0xb6: {  	[sflag:s29] =	ssyncadd.s32 $0xFFFFFFFF  }
0xb7: {  	_ =	strace $0x90000048  }
0xb8: {  	_ =	sfence  }
0xb9: {  	s30 =	sld [smem:$0x0];
	_ =	sdelay $0x2  }
0xba: {  	s31 =	sshll.u32 s1, $0xD;
	s1 =	sshrl.u32 s1, $0x2  }
0xbb: {  	s3 =	sand.u32 $0x4000, s31;
	s1 =	sadd.s32 s1, s30  }
0xbc: {  	s0 =	sor.u32 s3, s0;
	s1 =	sshll.u32 s1, $0x11  }
0xbd: {  	s0 =	sor.u32 s1, s0  }
0xbe: {  	s0 =	sadd.s32 $0x8F2B, s0  }
0xbf: {  	[sflag:s0] =	ssyncadd.remote.s32 $0x1  }
0xc0: {  	_ =	sfence.sel $0xFFFF  }
0xc1: {  	[dreg:$0x0] =	wrdreg $0xFFFFFFFF;
	(pc) =	sbr.abs _section_cstart, $3  }
0xc2: {  	[dreg:$0x1] =	wrdreg $0xFFFFFFFF  }
0xc3: {  	_ =	task.clear_ibuf [dreg:s8], $0x2FFFF;
	_ =	strace $0x9FFFFFFF  }
0xc4: {  	(tm) =	ssettm $0x7FFFFFFF  }
0xc5: {  	_ =	shalt  }
tec
execute0_lowered:
.L_overlay_start_1:
0x0: {  	(tag) =	ssettag $0x1  }
0x1: {  	s0 =	rddreg [dreg:$0x0]  }
0x2: {  	s1 =	rddreg [dreg:$0x1];
	s2 =	srdreg.scid  }
0x3: {  	s5 =	stileid.u32;
	s3 =	rddreg [dreg:$0x2];
	s30 =	simm.s32 $0x3000  }
0x4: {  	s31 =	simm.s32 $0x6000;
	s4 =	sand.u32 $0x1, s2;
	s5 =	sshll.u32 s5, $0x1  }
0x5: {  	s9 =	simm.s32 $0x0;
	s2 =	simm.s32 $0x0;
	s5 =	sor.u32 s4, s5  }
0x6: {  	[smem:$0x7FF] =	sst s2;
	s4 =	ssub.s32 $0x2, s4;
	s6 =	smul.u32 $0x12000, s5  }
0x7: {  	_ =	strace $0x80000047;
	s5 =	sshll.u32 s5, $0x5;
	s10 =	sshrl.u32 s4, $0x1  }
0x8: {  	s3 =	sadd.s32 s5, s3;
	s4 =	ssub.s32 s4, s10;
	s5 =	simm.s32 $0x15000  }
0x9: {  	s6 =	sshrl.u32 s6, $0x3;
	s28 =	sadd.s32 $0x600, s3;
	s29 =	smax.u32 s4, $0x1  }
0xa: {  	s3 =	simm.s32 $0xF000;
	s4 =	simm.s32 $0x12000;
	s7 =	sadd.s32 $0x60000, s6  }
0xb: {  	s12 =	sadd.s32 s1, s6;
	s19 =	sadd.s32 $0x60600, s6;
	s23 =	sadd.s32 $0x60C00, s6  }
0xc: {  	s25 =	sadd.s32 $0x61200, s6;
	s26 =	sadd.s32 $0x61800, s6;
	s11 =	sadd.s32 s0, s7  }
0xd: {  	s6 =	sadd.s32 $0x61E00, s6;
	s7 =	sadd.s32 s1, s7;
	[dreg:$0x4] =	wrdreg s11  }
0xe: {  	s18 =	sadd.s32 $0xC0000, s12;
	s8 =	sadd.s32 $0x120000, s12;
	[dreg:$0x5] =	wrdreg s7  }
0xf: {  	s20 =	sadd.s32 s0, s19;
	s21 =	sadd.s32 $0xC0600, s12;
	[dreg:$0x6] =	wrdreg s18  }
0x10: {  	s22 =	sadd.s32 $0x120600, s12;
	s24 =	sadd.s32 s0, s23;
	[dreg:$0x7] =	wrdreg s8  }
0x11: {  	s13 =	sadd.s32 $0xC0C00, s12;
	s14 =	sadd.s32 $0x120C00, s12;
	[dreg:$0x8] =	wrdreg s20  }
0x12: {  	s15 =	sadd.s32 s0, s25;
	s16 =	sadd.s32 s1, s25;
	[dreg:$0xa] =	wrdreg s21  }
0x13: {  	s17 =	sadd.s32 $0xC1200, s12;
	s25 =	sadd.s32 $0xC1E00, s12;
	[dreg:$0xb] =	wrdreg s22  }
0x14: {  	s7 =	sadd.s32 s1, s19;
	[dreg:$0xc] =	wrdreg s24;
	s18 =	sadd.s32 s0, s26  }
0x15: {  	s19 =	sadd.s32 s1, s26;
	s20 =	sadd.s32 s0, s6;
	s22 =	sadd.s32 $0x121200, s12  }
0x16: {  	s21 =	sadd.s32 s1, s6;
	s24 =	sadd.s32 $0x121800, s12;
	s26 =	sadd.s32 $0x121E00, s12  }
0x17: {  	s0 =	simm.s32 $0xC000;
	s6 =	simm.s32 $0x1;
	s8 =	simm.s32 $0x3  }
0x18: {  	[dreg:$0x9] =	wrdreg s7;
	s7 =	sadd.s32 s1, s23;
	s23 =	sadd.s32 $0xC1800, s12  }
0x19: {  	s1 =	simm.s32 $0x9000;
	[dreg:$0xd] =	wrdreg s7;
	s7 =	simm.s32 $0x2  }
.LBB2_1:
0x1a: {  	s10 =	rddreg [dreg:$0x4]  }
0x1b: {  	[tilespmem:s2], [sflag:$0x1] =	stream.linear.gather [hbm4b:s10+s2], $0x3000, $0x38;
	[tilespmem:$0x18100] =	vst v63  }
0x1c: {  	s12 =	rddreg [dreg:$0x5]  }
0x1d: {  	[tilespmem:s30], [sflag:$0x1] =	stream.linear.gather [hbm4b:s12+s2], $0x3000, $0x38;
	[tilespmem:$0x18100] =	vst v63  }
0x1e: {  	s11 =	rddreg [dreg:$0x6]  }
0x1f: {  	[tilespmem:s31], [sflag:$0x1] =	stream.linear.gather [hbm4b:s11+s2], $0x3000, $0x38;
	[tilespmem:$0x18100] =	vst v63  }
0x20: {  	s12 =	rddreg [dreg:$0x7]  }
0x21: {  	[tilespmem:s1], [sflag:$0x1] =	stream.linear.gather [hbm4b:s12+s2], $0x3000, $0x38;
	[tilespmem:$0x18100] =	vst v63  }
0x22: {  	s11 =	rddreg [dreg:$0x8]  }
0x23: {  	[tilespmem:s0], [sflag:$0x2] =	stream.linear.gather [hbm4b:s11+s2], $0x3000, $0x38;
	[tilespmem:$0x18100] =	vst v63  }
0x24: {  	s12 =	rddreg [dreg:$0x9]  }
0x25: {  	[tilespmem:s3], [sflag:$0x2] =	stream.linear.gather [hbm4b:s12+s2], $0x3000, $0x38;
	[tilespmem:$0x18100] =	vst v63  }
0x26: {  	s11 =	rddreg [dreg:$0xa]  }
0x27: {  	[tilespmem:s4], [sflag:$0x2] =	stream.linear.gather [hbm4b:s11+s2], $0x3000, $0x38;
	[tilespmem:$0x18100] =	vst v63  }
0x28: {  	s12 =	rddreg [dreg:$0xb]  }
0x29: {  	[tilespmem:s5], [sflag:$0x2] =	stream.linear.gather [hbm4b:s12+s2], $0x3000, $0x38;
	[tilespmem:$0x18100] =	vst v63  }
0x2a: {  	_ =	swait.ge [sflag:s6], $0x3000  }
0x2b: {  	[sflag:s6] =	ssyncset.done $0x0  }
0x2c: {  	[sflag:s6] =	ssyncadd.s32 $0xFFFFD000  }
0x2d: {  	_ =	swait.ge [sflag:s6], $0x3000  }
0x2e: {  	[sflag:s6] =	ssyncset.done $0x0  }
0x2f: {  	[sflag:s6] =	ssyncadd.s32 $0xFFFFD000  }
0x30: {  	_ =	swait.ge [sflag:s6], $0x3000  }
0x31: {  	[sflag:s6] =	ssyncset.done $0x0  }
0x32: {  	[sflag:s6] =	ssyncadd.s32 $0xFFFFD000  }
0x33: {  	_ =	swait.ge [sflag:s6], $0x3000  }
0x34: {  	[sflag:s6] =	ssyncset.done $0x0  }
0x35: {  	s10 =	simm.s32 $0x0;
	[sflag:s6] =	ssyncadd.s32 $0xFFFFD000  }
0x36: {  	v0 =	vld [tilespmem:s10+$0x6040]  }
0x37: {  	v1 =	vld [tilespmem:s10+$0x6030]  }
0x38: {  	v4 =	vld [tilespmem:s10+$0x6020]  }
0x39: {  	v2 =	vld [tilespmem:s10+$0x50]  }
0x3a: {  	v3 =	vld [tilespmem:s10+$0x3050]  }
0x3b: {  	v7 =	vld [tilespmem:s10+$0x6010]  }
0x3c: {  	v8 =	vld [tilespmem:s10+$0x40]  }
0x3d: {  	v10 =	vld [tilespmem:s10+$0x3040]  }
0x3e: {  	v9 =	vld [tilespmem:s10+$0x6000]  }
0x3f: {  	v11 =	vld [tilespmem:s10+$0x30]  }
0x40: {  	v12 =	vld [tilespmem:s10+$0x3030]  }
0x41: {  	v13 =	vld [tilespmem:s10+$0x20]  }
0x42: {  	v15 =	vld [tilespmem:s10+$0x3020]  }
0x43: {  	v14 =	vld [tilespmem:s10+$0x10]  }
0x44: {  	v16 =	vld [tilespmem:s10+$0x3010]  }
0x45: {  	v17 =	vld [tilespmem:s10+$0x0]  }
0x46: {  	v5 =	vimm.f32 $0.0e+00;
	v6 =	vimm.f32 $0.0e+00;
	s11 =	simm.s32 $0x200;
	v18 =	vld [tilespmem:s10+$0x3000]  }
.LBB2_2:
0x47: {  	p0 =	sne.s32 s11, $0xBE00;
	v19 =	vld [tilespmem:s10+$0x9050]  }
0x48: {  	vm2 =	vgt.f32 v4, $0.0e+00;
	vm1 =	vgt.f32 v1, $0.0e+00;
	vm0 =	vgt.f32 v0, $0.0e+00;
	v20 =	vld [tilespmem:s10+$0x9040]  }
0x49: {  	vm3 =	vgt.f32 v7, $0.0e+00;
	v21 =	vsub.f32 v8, v10;
	v22 =	vsub.f32 v2, v3;
	v23 =	vld [tilespmem:s10+$0x6050]  }
0x4a: {  	s12 =	sshra.s32 s11, $0x2;
	vm4 =	vgt.f32 v9, $0.0e+00;
	v8 =	vsub.f32 v13, v15;
	v9 =	vsub.f32 v11, v12;
	v24 =	vld [tilespmem:s10+$0x9030]  }
0x4b: {  	v7 =	vsub.f32 v14, v16;
	v16 =	vand.u32 $0x7FFFFFFF, v22;
	v0 =	vld [tilespmem:s12+$0x6040];
	v2 =	vsub.f32 v17, v18  }
0x4c: {  	v14 =	vand.u32 $0x7FFFFFFF, v21;
	v12 =	vmul.f32 $5.000000000e-01, v21;
	v15 =	vmul.f32 $5.000000000e-01, v22;
	v13 =	vld [tilespmem:s10+$0x9020]  }
0x4d: {  	v11 =	vand.u32 $0x7FFFFFFF, v8;
	v17 =	vand.u32 $0x7FFFFFFF, v9;
	v18 =	vmul.f32 $5.000000000e-01, v9;
	v1 =	vld [tilespmem:s12+$0x6030]  }
0x4e: {  	v26 =	vmul.f32 $5.000000000e-01, v8;
	v10 =	vand.u32 $0x7FFFFFFF, v7;
	v3 =	vmul.f32 $5.000000000e-01, v2;
	v25 =	vld [tilespmem:s10+$0x9010]  }
0x4f: {  	v30 =	vadd.f32 $-5.000000000e-01, v16;
	v29 =	vmul.f32 $5.000000000e-01, v7;
	v27 =	vand.u32 $0x7FFFFFFF, v2;
	v28 =	vld [tilespmem:s10+$0x9000];
	s10 =	smov.u32 s12  }
0x50: {  	v33 =	vadd.f32 $-5.000000000e-01, v14;
	v32 =	vadd.f32 $-5.000000000e-01, v27;
	v31 =	vmul.f32 v3, v2;
	v4 =	vld [tilespmem:s10+$0x6020]  }
0x51: {  	v34 =	vadd.f32 $-5.000000000e-01, v17;
	vm5 =	vlt.f32 v27, $1.000000000e+00;
	v27 =	vadd.f32 $-5.000000000e-01, v11;
	v2 =	vld [tilespmem:s10+$0x50]  }
0x52: {  	v29 =	vmul.f32 v29, v7;
	v31 =	vsel vm5, v31, v32;
	v32 =	vadd.f32 $-5.000000000e-01, v10;
	v3 =	vld [tilespmem:s10+$0x3050]  }
0x53: {  	v26 =	vmul.f32 v26, v8;
	v31 =	vnsel vm4, $0x0, v31;
	vm4 =	vlt.f32 v10, $1.000000000e+00;
	v7 =	vld [tilespmem:s10+$0x6010]  }
0x54: {  	v5 =	vadd.f32 v31, v5;
	v8 =	vld [tilespmem:s10+$0x40];
	v6 =	vadd.f32 v28, v6;
	v28 =	vsel vm4, v29, v32  }
0x55: {  	v18 =	vmul.f32 v18, v9;
	v10 =	vld [tilespmem:s10+$0x3040];
	v28 =	vnsel vm3, $0x0, v28;
	vm3 =	vlt.f32 v11, $1.000000000e+00  }
0x56: {  	v9 =	vld [tilespmem:s10+$0x6000];
	v5 =	vadd.f32 v28, v5;
	v6 =	vadd.f32 v25, v6;
	v25 =	vsel vm3, v26, v27  }
0x57: {  	v11 =	vld [tilespmem:s10+$0x30];
	v25 =	vnsel vm2, $0x0, v25;
	vm2 =	vlt.f32 v17, $1.000000000e+00;
	v17 =	vmul.f32 v12, v21  }
0x58: {  	v12 =	vld [tilespmem:s10+$0x3030];
	v5 =	vadd.f32 v25, v5;
	v6 =	vadd.f32 v13, v6;
	v18 =	vsel vm2, v18, v34  }
0x59: {  	v21 =	vmul.f32 v15, v22;
	v13 =	vld [tilespmem:s10+$0x20];
	v18 =	vnsel vm1, $0x0, v18;
	vm1 =	vlt.f32 v14, $1.000000000e+00  }
.Ltmp0:
0x5a: {  	v15 =	vld [tilespmem:s10+$0x3020];
	v5 =	vadd.f32 v18, v5;
	v6 =	vadd.f32 v24, v6;
	v17 =	vsel vm1, v17, v33;
	(pc) =	sbr.rel @p0 .LBB2_2-.Ltmp0, $4  }
0x5b: {  	vm1 =	vgt.f32 v23, $0.0e+00;
	v14 =	vld [tilespmem:s10+$0x10];
	v17 =	vnsel vm0, $0x0, v17;
	vm0 =	vlt.f32 v16, $1.000000000e+00  }
0x5c: {  	v16 =	vld [tilespmem:s10+$0x3010];
	v5 =	vadd.f32 v17, v5;
	v6 =	vadd.f32 v20, v6;
	v18 =	vsel vm0, v21, v30  }
0x5d: {  	v17 =	vld [tilespmem:s10+$0x0];
	v20 =	vnsel vm1, $0x0, v18  }
0x5e: {  	s11 =	sadd.s32 $0x200, s11;
	v18 =	vld [tilespmem:s10+$0x3000];
	v5 =	vadd.f32 v20, v5;
	v6 =	vadd.f32 v19, v6  }
0x5f: {  	v19 =	vld [tilespmem:s10+$0x9050]  }
0x60: {  	v20 =	vld [tilespmem:s10+$0x9040]  }
0x61: {  	v21 =	vld [tilespmem:s10+$0x6050]  }
0x62: {  	v22 =	vld [tilespmem:s10+$0x9030]  }
0x63: {  	v23 =	vld [tilespmem:s10+$0x9020]  }
0x64: {  	v24 =	vld [tilespmem:s10+$0x9010]  }
0x65: {  	v25 =	vld [tilespmem:s10+$0x9000];
	s10 =	simm.s32 $0x0;
	s11 =	rddreg [dreg:$0xc]  }
0x66: {  	[tilespmem:s10], [sflag:$0x1] =	stream.linear.gather [hbm4b:s11+s10], $0x3000, $0x38;
	[tilespmem:$0x18100] =	vst v63  }
0x67: {  	s12 =	rddreg [dreg:$0xd]  }
0x68: {  	[tilespmem:s30], [sflag:$0x1] =	stream.linear.gather [hbm4b:s12+s10], $0x3000, $0x38;
	[tilespmem:$0x18100] =	vst v63  }
0x69: {  	_ = 	snop  }
0x6a: {  	[tilespmem:s31], [sflag:$0x1] =	stream.linear.gather [hbm4b:s13+s10], $0x3000, $0x38;
	[tilespmem:$0x18100] =	vst v63  }
0x6b: {  	_ = 	snop  }
0x6c: {  	[tilespmem:s1], [sflag:$0x1] =	stream.linear.gather [hbm4b:s14+s10], $0x3000, $0x38;
	[tilespmem:$0x18100] =	vst v63  }
0x6d: {  	_ =	swait.ge [sflag:s7], $0x3000  }
0x6e: {  	[sflag:s7] =	ssyncset.done $0x0  }
0x6f: {  	[sflag:s7] =	ssyncadd.s32 $0xFFFFD000  }
0x70: {  	_ =	swait.ge [sflag:s7], $0x3000  }
0x71: {  	[sflag:s7] =	ssyncset.done $0x0  }
0x72: {  	[sflag:s7] =	ssyncadd.s32 $0xFFFFD000  }
0x73: {  	vm2 =	vgt.f32 v4, $0.0e+00;
	vm1 =	vgt.f32 v1, $0.0e+00;
	vm0 =	vgt.f32 v0, $0.0e+00;
	_ =	swait.ge [sflag:s7], $0x3000  }
0x74: {  	vm3 =	vgt.f32 v7, $0.0e+00;
	v26 =	vsub.f32 v8, v10;
	v27 =	vsub.f32 v2, v3;
	[sflag:s7] =	ssyncset.done $0x0  }
0x75: {  	vm4 =	vgt.f32 v9, $0.0e+00;
	v4 =	vsub.f32 v13, v15;
	v9 =	vsub.f32 v11, v12;
	[sflag:s7] =	ssyncadd.s32 $0xFFFFD000  }
0x76: {  	v2 =	vsub.f32 v14, v16;
	v14 =	vand.u32 $0x7FFFFFFF, v27;
	v1 =	vsub.f32 v17, v18;
	_ =	swait.ge [sflag:s7], $0x3000  }
0x77: {  	v13 =	vand.u32 $0x7FFFFFFF, v26;
	v11 =	vmul.f32 $5.000000000e-01, v26;
	v15 =	vmul.f32 $5.000000000e-01, v27;
	[sflag:s7] =	ssyncset.done $0x0  }
0x78: {  	v8 =	vand.u32 $0x7FFFFFFF, v4;
	v12 =	vand.u32 $0x7FFFFFFF, v9;
	v3 =	vmul.f32 $5.000000000e-01, v1;
	s10 =	simm.s32 $0x0;
	[sflag:s7] =	ssyncadd.s32 $0xFFFFD000  }
0x79: {  	v10 =	vmul.f32 $5.000000000e-01, v4;
	v62 =	vmul.f32 $5.000000000e-01, v9;
	v29 =	vadd.f32 $-5.000000000e-01, v14;
	v0 =	vld [tilespmem:s10+$0x12040]  }
0x7a: {  	v17 =	vmul.f32 $5.000000000e-01, v2;
	v16 =	vand.u32 $0x7FFFFFFF, v1;
	v18 =	vmul.f32 v3, v1;
	v1 =	vld [tilespmem:s10+$0x12030]  }
0x7b: {  	vm11 =	vlt.f32 v8, $1.000000000e+00;
	vm12 =	vlt.f32 v12, $1.000000000e+00;
	v28 =	vadd.f32 $-5.000000000e-01, v16;
	v3 =	vld [tilespmem:s10+$0x12020]  }
0x7c: {  	v7 =	vand.u32 $0x7FFFFFFF, v2;
	v17 =	vmul.f32 v17, v2;
	vm5 =	vlt.f32 v16, $1.000000000e+00;
	v2 =	vld [tilespmem:s10+$0xC050]  }
0x7d: {  	v10 =	vmul.f32 v10, v4;
	v16 =	vsel vm5, v18, v28;
	v18 =	vadd.f32 $-5.000000000e-01, v7;
	v4 =	vld [tilespmem:s10+$0xF050]  }
0x7e: {  	vm10 =	vlt.f32 v7, $1.000000000e+00;
	v6 =	vadd.f32 v25, v6;
	v16 =	vnsel vm4, $0x0, v16;
	v7 =	vld [tilespmem:s10+$0x12010]  }
0x7f: {  	v5 =	vadd.f32 v16, v5;
	v16 =	vadd.f32 $-5.000000000e-01, v8;
	v17 =	vsel vm10, v17, v18;
	v8 =	vld [tilespmem:s10+$0xC040]  }
0x80: {  	v63 =	vmul.f32 v62, v9;
	v6 =	vadd.f32 v24, v6;
	v17 =	vnsel vm3, $0x0, v17;
	v9 =	vld [tilespmem:s10+$0xF040]  }
0x81: {  	v18 =	vadd.f32 $-5.000000000e-01, v12;
	v5 =	vadd.f32 v17, v5;
	v16 =	vsel vm11, v10, v16;
	v10 =	vld [tilespmem:s10+$0x12000]  }
0x82: {  	v6 =	vadd.f32 v23, v6;
	v17 =	vmul.f32 v11, v26;
	v16 =	vnsel vm2, $0x0, v16;
	v11 =	vld [tilespmem:s10+$0xC030]  }
0x83: {  	v30 =	vadd.f32 $-5.000000000e-01, v13;
	v5 =	vadd.f32 v16, v5;
	v16 =	vsel vm12, v63, v18;
	v12 =	vld [tilespmem:s10+$0xF030]  }
0x84: {  	vm13 =	vlt.f32 v13, $1.000000000e+00;
	v6 =	vadd.f32 v22, v6;
	v16 =	vnsel vm1, $0x0, v16;
	v13 =	vld [tilespmem:s10+$0xC020]  }
0x85: {  	v18 =	vmul.f32 v15, v27;
	v5 =	vadd.f32 v16, v5;
	v16 =	vsel vm13, v17, v30;
	v15 =	vld [tilespmem:s10+$0xF020]  }
0x86: {  	vm14 =	vlt.f32 v14, $1.000000000e+00;
	vm15 =	vgt.f32 v21, $0.0e+00;
	v16 =	vnsel vm0, $0x0, v16;
	v14 =	vld [tilespmem:s10+$0xC010]  }
0x87: {  	v6 =	vadd.f32 v20, v6;
	v17 =	vsel vm14, v18, v29;
	v5 =	vadd.f32 v16, v5;
	v16 =	vld [tilespmem:s10+$0xF010]  }
0x88: {  	v18 =	vnsel vm15, $0x0, v17;
	v17 =	vld [tilespmem:s10+$0xC000]  }
0x89: {  	s11 =	simm.s32 $0x200;
	v6 =	vadd.f32 v19, v6;
	v5 =	vadd.f32 v18, v5;
	v18 =	vld [tilespmem:s10+$0xF000]  }
.LBB2_4:
0x8a: {  	p0 =	sne.s32 s11, $0xBE00;
	v19 =	vld [tilespmem:s10+$0x15050]  }
0x8b: {  	vm2 =	vgt.f32 v3, $0.0e+00;
	vm1 =	vgt.f32 v1, $0.0e+00;
	vm0 =	vgt.f32 v0, $0.0e+00;
	v20 =	vld [tilespmem:s10+$0x15040]  }
0x8c: {  	vm3 =	vgt.f32 v7, $0.0e+00;
	v21 =	vsub.f32 v8, v9;
	v22 =	vsub.f32 v2, v4;
	v23 =	vld [tilespmem:s10+$0x12050]  }
0x8d: {  	s12 =	sshra.s32 s11, $0x2;
	vm4 =	vgt.f32 v10, $0.0e+00;
	v8 =	vsub.f32 v13, v15;
	v10 =	vsub.f32 v11, v12;
	v24 =	vld [tilespmem:s10+$0x15030]  }
0x8e: {  	v7 =	vsub.f32 v14, v16;
	v16 =	vand.u32 $0x7FFFFFFF, v22;
	v0 =	vld [tilespmem:s12+$0x12040];
	v2 =	vsub.f32 v17, v18  }
0x8f: {  	v14 =	vand.u32 $0x7FFFFFFF, v21;
	v12 =	vmul.f32 $5.000000000e-01, v21;
	v15 =	vmul.f32 $5.000000000e-01, v22;
	v13 =	vld [tilespmem:s10+$0x15020]  }
0x90: {  	v11 =	vand.u32 $0x7FFFFFFF, v8;
	v17 =	vand.u32 $0x7FFFFFFF, v10;
	v18 =	vmul.f32 $5.000000000e-01, v10;
	v1 =	vld [tilespmem:s12+$0x12030]  }
0x91: {  	v26 =	vmul.f32 $5.000000000e-01, v8;
	v9 =	vand.u32 $0x7FFFFFFF, v7;
	v4 =	vmul.f32 $5.000000000e-01, v2;
	v25 =	vld [tilespmem:s10+$0x15010]  }
0x92: {  	v30 =	vadd.f32 $-5.000000000e-01, v16;
	v29 =	vmul.f32 $5.000000000e-01, v7;
	v27 =	vand.u32 $0x7FFFFFFF, v2;
	v28 =	vld [tilespmem:s10+$0x15000];
	s10 =	smov.u32 s12  }
0x93: {  	v33 =	vadd.f32 $-5.000000000e-01, v14;
	v32 =	vadd.f32 $-5.000000000e-01, v27;
	v31 =	vmul.f32 v4, v2;
	v3 =	vld [tilespmem:s10+$0x12020]  }
0x94: {  	v34 =	vadd.f32 $-5.000000000e-01, v17;
	vm5 =	vlt.f32 v27, $1.000000000e+00;
	v27 =	vadd.f32 $-5.000000000e-01, v11;
	v2 =	vld [tilespmem:s10+$0xC050]  }
0x95: {  	v29 =	vmul.f32 v29, v7;
	v31 =	vsel vm5, v31, v32;
	v32 =	vadd.f32 $-5.000000000e-01, v9;
	v4 =	vld [tilespmem:s10+$0xF050]  }
0x96: {  	v26 =	vmul.f32 v26, v8;
	v31 =	vnsel vm4, $0x0, v31;
	vm4 =	vlt.f32 v9, $1.000000000e+00;
	v7 =	vld [tilespmem:s10+$0x12010]  }
0x97: {  	v5 =	vadd.f32 v31, v5;
	v8 =	vld [tilespmem:s10+$0xC040];
	v6 =	vadd.f32 v28, v6;
	v28 =	vsel vm4, v29, v32  }
0x98: {  	v18 =	vmul.f32 v18, v10;
	v9 =	vld [tilespmem:s10+$0xF040];
	v28 =	vnsel vm3, $0x0, v28;
	vm3 =	vlt.f32 v11, $1.000000000e+00  }
0x99: {  	v10 =	vld [tilespmem:s10+$0x12000];
	v5 =	vadd.f32 v28, v5;
	v6 =	vadd.f32 v25, v6;
	v25 =	vsel vm3, v26, v27  }
0x9a: {  	v11 =	vld [tilespmem:s10+$0xC030];
	v25 =	vnsel vm2, $0x0, v25;
	vm2 =	vlt.f32 v17, $1.000000000e+00;
	v17 =	vmul.f32 v12, v21  }
0x9b: {  	v12 =	vld [tilespmem:s10+$0xF030];
	v5 =	vadd.f32 v25, v5;
	v6 =	vadd.f32 v13, v6;
	v18 =	vsel vm2, v18, v34  }
0x9c: {  	v21 =	vmul.f32 v15, v22;
	v13 =	vld [tilespmem:s10+$0xC020];
	v18 =	vnsel vm1, $0x0, v18;
	vm1 =	vlt.f32 v14, $1.000000000e+00  }
.Ltmp1:
0x9d: {  	v15 =	vld [tilespmem:s10+$0xF020];
	v5 =	vadd.f32 v18, v5;
	v6 =	vadd.f32 v24, v6;
	v17 =	vsel vm1, v17, v33;
	(pc) =	sbr.rel @p0 .LBB2_4-.Ltmp1, $4  }
0x9e: {  	vm1 =	vgt.f32 v23, $0.0e+00;
	v14 =	vld [tilespmem:s10+$0xC010];
	v17 =	vnsel vm0, $0x0, v17;
	vm0 =	vlt.f32 v16, $1.000000000e+00  }
0x9f: {  	v16 =	vld [tilespmem:s10+$0xF010];
	v5 =	vadd.f32 v17, v5;
	v6 =	vadd.f32 v20, v6;
	v18 =	vsel vm0, v21, v30  }
0xa0: {  	v17 =	vld [tilespmem:s10+$0xC000];
	v20 =	vnsel vm1, $0x0, v18  }
0xa1: {  	s11 =	sadd.s32 $0x200, s11;
	v18 =	vld [tilespmem:s10+$0xF000];
	v5 =	vadd.f32 v20, v5;
	v6 =	vadd.f32 v19, v6  }
0xa2: {  	v19 =	vld [tilespmem:s10+$0x15050]  }
0xa3: {  	v20 =	vld [tilespmem:s10+$0x15040]  }
0xa4: {  	v21 =	vld [tilespmem:s10+$0x12050]  }
0xa5: {  	v22 =	vld [tilespmem:s10+$0x15030]  }
0xa6: {  	v23 =	vld [tilespmem:s10+$0x15020]  }
0xa7: {  	v24 =	vld [tilespmem:s10+$0x15010];
	s12 =	simm.s32 $0x0  }
0xa8: {  	v25 =	vld [tilespmem:s10+$0x15000];
	[tilespmem:s0], [sflag:$0x2] =	stream.linear.gather [hbm4b:s15+s12], $0x3000, $0x38  }
0xa9: {  	_ = 	snop  }
0xaa: {  	[tilespmem:s3], [sflag:$0x2] =	stream.linear.gather [hbm4b:s16+s12], $0x3000, $0x38;
	[tilespmem:$0x18100] =	vst v63  }
0xab: {  	_ = 	snop  }
0xac: {  	[tilespmem:s4], [sflag:$0x2] =	stream.linear.gather [hbm4b:s17+s12], $0x3000, $0x38;
	[tilespmem:$0x18100] =	vst v63  }
0xad: {  	_ = 	snop  }
0xae: {  	[tilespmem:s5], [sflag:$0x2] =	stream.linear.gather [hbm4b:s22+s12], $0x3000, $0x38;
	[tilespmem:$0x18100] =	vst v63  }
0xaf: {  	_ =	swait.ge [sflag:s6], $0x3000  }
0xb0: {  	[sflag:s6] =	ssyncset.done $0x0  }
0xb1: {  	[sflag:s6] =	ssyncadd.s32 $0xFFFFD000  }
0xb2: {  	_ =	swait.ge [sflag:s6], $0x3000  }
0xb3: {  	[sflag:s6] =	ssyncset.done $0x0  }
0xb4: {  	[sflag:s6] =	ssyncadd.s32 $0xFFFFD000  }
0xb5: {  	vm2 =	vgt.f32 v3, $0.0e+00;
	vm1 =	vgt.f32 v1, $0.0e+00;
	vm0 =	vgt.f32 v0, $0.0e+00;
	_ =	swait.ge [sflag:s6], $0x3000  }
0xb6: {  	vm3 =	vgt.f32 v7, $0.0e+00;
	v26 =	vsub.f32 v8, v9;
	v27 =	vsub.f32 v2, v4;
	[sflag:s6] =	ssyncset.done $0x0  }
0xb7: {  	vm4 =	vgt.f32 v10, $0.0e+00;
	v4 =	vsub.f32 v13, v15;
	v9 =	vsub.f32 v11, v12;
	[sflag:s6] =	ssyncadd.s32 $0xFFFFD000  }
0xb8: {  	v2 =	vsub.f32 v14, v16;
	v14 =	vand.u32 $0x7FFFFFFF, v27;
	v1 =	vsub.f32 v17, v18;
	_ =	swait.ge [sflag:s6], $0x3000  }
0xb9: {  	v13 =	vand.u32 $0x7FFFFFFF, v26;
	v11 =	vmul.f32 $5.000000000e-01, v26;
	v15 =	vmul.f32 $5.000000000e-01, v27;
	[sflag:s6] =	ssyncset.done $0x0  }
0xba: {  	s10 =	simm.s32 $0x0;
	v8 =	vand.u32 $0x7FFFFFFF, v4;
	v12 =	vand.u32 $0x7FFFFFFF, v9;
	v3 =	vmul.f32 $5.000000000e-01, v1;
	[sflag:s6] =	ssyncadd.s32 $0xFFFFD000  }
0xbb: {  	v10 =	vmul.f32 $5.000000000e-01, v4;
	v62 =	vmul.f32 $5.000000000e-01, v9;
	v29 =	vadd.f32 $-5.000000000e-01, v14;
	v0 =	vld [tilespmem:s10+$0x6040]  }
0xbc: {  	v17 =	vmul.f32 $5.000000000e-01, v2;
	v16 =	vand.u32 $0x7FFFFFFF, v1;
	v18 =	vmul.f32 v3, v1;
	v1 =	vld [tilespmem:s10+$0x6030]  }
0xbd: {  	vm11 =	vlt.f32 v8, $1.000000000e+00;
	vm12 =	vlt.f32 v12, $1.000000000e+00;
	v28 =	vadd.f32 $-5.000000000e-01, v16;
	v3 =	vld [tilespmem:s10+$0x6020]  }
0xbe: {  	v7 =	vand.u32 $0x7FFFFFFF, v2;
	v17 =	vmul.f32 v17, v2;
	vm5 =	vlt.f32 v16, $1.000000000e+00;
	v2 =	vld [tilespmem:s10+$0x50]  }
0xbf: {  	v10 =	vmul.f32 v10, v4;
	v16 =	vsel vm5, v18, v28;
	v18 =	vadd.f32 $-5.000000000e-01, v7;
	v4 =	vld [tilespmem:s10+$0x3050]  }
0xc0: {  	vm10 =	vlt.f32 v7, $1.000000000e+00;
	v6 =	vadd.f32 v25, v6;
	v16 =	vnsel vm4, $0x0, v16;
	v7 =	vld [tilespmem:s10+$0x6010]  }
0xc1: {  	v5 =	vadd.f32 v16, v5;
	v16 =	vadd.f32 $-5.000000000e-01, v8;
	v17 =	vsel vm10, v17, v18;
	v8 =	vld [tilespmem:s10+$0x40]  }
0xc2: {  	v63 =	vmul.f32 v62, v9;
	v6 =	vadd.f32 v24, v6;
	v17 =	vnsel vm3, $0x0, v17;
	v9 =	vld [tilespmem:s10+$0x3040]  }
0xc3: {  	v18 =	vadd.f32 $-5.000000000e-01, v12;
	v5 =	vadd.f32 v17, v5;
	v16 =	vsel vm11, v10, v16;
	v10 =	vld [tilespmem:s10+$0x6000]  }
0xc4: {  	v6 =	vadd.f32 v23, v6;
	v17 =	vmul.f32 v11, v26;
	v16 =	vnsel vm2, $0x0, v16;
	v11 =	vld [tilespmem:s10+$0x30]  }
0xc5: {  	v30 =	vadd.f32 $-5.000000000e-01, v13;
	v5 =	vadd.f32 v16, v5;
	v16 =	vsel vm12, v63, v18;
	v12 =	vld [tilespmem:s10+$0x3030]  }
0xc6: {  	vm13 =	vlt.f32 v13, $1.000000000e+00;
	v6 =	vadd.f32 v22, v6;
	v16 =	vnsel vm1, $0x0, v16;
	v13 =	vld [tilespmem:s10+$0x20]  }
0xc7: {  	v18 =	vmul.f32 v15, v27;
	v5 =	vadd.f32 v16, v5;
	v16 =	vsel vm13, v17, v30;
	v15 =	vld [tilespmem:s10+$0x3020]  }
0xc8: {  	vm14 =	vlt.f32 v14, $1.000000000e+00;
	vm15 =	vgt.f32 v21, $0.0e+00;
	v16 =	vnsel vm0, $0x0, v16;
	v14 =	vld [tilespmem:s10+$0x10]  }
0xc9: {  	v6 =	vadd.f32 v20, v6;
	v17 =	vsel vm14, v18, v29;
	v5 =	vadd.f32 v16, v5;
	v16 =	vld [tilespmem:s10+$0x3010]  }
0xca: {  	v18 =	vnsel vm15, $0x0, v17;
	v17 =	vld [tilespmem:s10+$0x0]  }
0xcb: {  	s11 =	simm.s32 $0x200;
	v6 =	vadd.f32 v19, v6;
	v5 =	vadd.f32 v18, v5;
	v18 =	vld [tilespmem:s10+$0x3000]  }
.LBB2_6:
0xcc: {  	p0 =	sne.s32 s11, $0xBE00;
	v19 =	vld [tilespmem:s10+$0x9050]  }
0xcd: {  	vm2 =	vgt.f32 v3, $0.0e+00;
	vm1 =	vgt.f32 v1, $0.0e+00;
	vm0 =	vgt.f32 v0, $0.0e+00;
	v20 =	vld [tilespmem:s10+$0x9040]  }
0xce: {  	vm3 =	vgt.f32 v7, $0.0e+00;
	v21 =	vsub.f32 v8, v9;
	v22 =	vsub.f32 v2, v4;
	v23 =	vld [tilespmem:s10+$0x6050]  }
0xcf: {  	s12 =	sshra.s32 s11, $0x2;
	vm4 =	vgt.f32 v10, $0.0e+00;
	v8 =	vsub.f32 v13, v15;
	v10 =	vsub.f32 v11, v12;
	v24 =	vld [tilespmem:s10+$0x9030]  }
0xd0: {  	v7 =	vsub.f32 v14, v16;
	v16 =	vand.u32 $0x7FFFFFFF, v22;
	v0 =	vld [tilespmem:s12+$0x6040];
	v2 =	vsub.f32 v17, v18  }
0xd1: {  	v14 =	vand.u32 $0x7FFFFFFF, v21;
	v12 =	vmul.f32 $5.000000000e-01, v21;
	v15 =	vmul.f32 $5.000000000e-01, v22;
	v13 =	vld [tilespmem:s10+$0x9020]  }
0xd2: {  	v11 =	vand.u32 $0x7FFFFFFF, v8;
	v17 =	vand.u32 $0x7FFFFFFF, v10;
	v18 =	vmul.f32 $5.000000000e-01, v10;
	v1 =	vld [tilespmem:s12+$0x6030]  }
0xd3: {  	v26 =	vmul.f32 $5.000000000e-01, v8;
	v9 =	vand.u32 $0x7FFFFFFF, v7;
	v4 =	vmul.f32 $5.000000000e-01, v2;
	v25 =	vld [tilespmem:s10+$0x9010]  }
0xd4: {  	v30 =	vadd.f32 $-5.000000000e-01, v16;
	v29 =	vmul.f32 $5.000000000e-01, v7;
	v27 =	vand.u32 $0x7FFFFFFF, v2;
	v28 =	vld [tilespmem:s10+$0x9000];
	s10 =	smov.u32 s12  }
0xd5: {  	v33 =	vadd.f32 $-5.000000000e-01, v14;
	v32 =	vadd.f32 $-5.000000000e-01, v27;
	v31 =	vmul.f32 v4, v2;
	v3 =	vld [tilespmem:s10+$0x6020]  }
0xd6: {  	v34 =	vadd.f32 $-5.000000000e-01, v17;
	vm5 =	vlt.f32 v27, $1.000000000e+00;
	v27 =	vadd.f32 $-5.000000000e-01, v11;
	v2 =	vld [tilespmem:s10+$0x50]  }
0xd7: {  	v29 =	vmul.f32 v29, v7;
	v31 =	vsel vm5, v31, v32;
	v32 =	vadd.f32 $-5.000000000e-01, v9;
	v4 =	vld [tilespmem:s10+$0x3050]  }
0xd8: {  	v26 =	vmul.f32 v26, v8;
	v31 =	vnsel vm4, $0x0, v31;
	vm4 =	vlt.f32 v9, $1.000000000e+00;
	v7 =	vld [tilespmem:s10+$0x6010]  }
0xd9: {  	v5 =	vadd.f32 v31, v5;
	v8 =	vld [tilespmem:s10+$0x40];
	v6 =	vadd.f32 v28, v6;
	v28 =	vsel vm4, v29, v32  }
0xda: {  	v18 =	vmul.f32 v18, v10;
	v9 =	vld [tilespmem:s10+$0x3040];
	v28 =	vnsel vm3, $0x0, v28;
	vm3 =	vlt.f32 v11, $1.000000000e+00  }
0xdb: {  	v10 =	vld [tilespmem:s10+$0x6000];
	v5 =	vadd.f32 v28, v5;
	v6 =	vadd.f32 v25, v6;
	v25 =	vsel vm3, v26, v27  }
0xdc: {  	v11 =	vld [tilespmem:s10+$0x30];
	v25 =	vnsel vm2, $0x0, v25;
	vm2 =	vlt.f32 v17, $1.000000000e+00;
	v17 =	vmul.f32 v12, v21  }
0xdd: {  	v12 =	vld [tilespmem:s10+$0x3030];
	v5 =	vadd.f32 v25, v5;
	v6 =	vadd.f32 v13, v6;
	v18 =	vsel vm2, v18, v34  }
0xde: {  	v21 =	vmul.f32 v15, v22;
	v13 =	vld [tilespmem:s10+$0x20];
	v18 =	vnsel vm1, $0x0, v18;
	vm1 =	vlt.f32 v14, $1.000000000e+00  }
.Ltmp2:
0xdf: {  	v15 =	vld [tilespmem:s10+$0x3020];
	v5 =	vadd.f32 v18, v5;
	v6 =	vadd.f32 v24, v6;
	v17 =	vsel vm1, v17, v33;
	(pc) =	sbr.rel @p0 .LBB2_6-.Ltmp2, $4  }
0xe0: {  	vm1 =	vgt.f32 v23, $0.0e+00;
	v14 =	vld [tilespmem:s10+$0x10];
	v17 =	vnsel vm0, $0x0, v17;
	vm0 =	vlt.f32 v16, $1.000000000e+00  }
0xe1: {  	v16 =	vld [tilespmem:s10+$0x3010];
	v5 =	vadd.f32 v17, v5;
	v6 =	vadd.f32 v20, v6;
	v18 =	vsel vm0, v21, v30  }
0xe2: {  	v17 =	vld [tilespmem:s10+$0x0];
	v20 =	vnsel vm1, $0x0, v18  }
0xe3: {  	s11 =	sadd.s32 $0x200, s11;
	v18 =	vld [tilespmem:s10+$0x3000];
	v5 =	vadd.f32 v20, v5;
	v6 =	vadd.f32 v19, v6  }
0xe4: {  	v19 =	vld [tilespmem:s10+$0x9050]  }
0xe5: {  	v20 =	vld [tilespmem:s10+$0x9040]  }
0xe6: {  	v21 =	vld [tilespmem:s10+$0x6050]  }
0xe7: {  	v22 =	vld [tilespmem:s10+$0x9030]  }
0xe8: {  	v23 =	vld [tilespmem:s10+$0x9020]  }
0xe9: {  	v24 =	vld [tilespmem:s10+$0x9010];
	s12 =	simm.s32 $0x0  }
0xea: {  	v25 =	vld [tilespmem:s10+$0x9000];
	[tilespmem:s12], [sflag:$0x1] =	stream.linear.gather [hbm4b:s18+s12], $0x3000, $0x38  }
0xeb: {  	_ = 	snop  }
0xec: {  	[tilespmem:s30], [sflag:$0x1] =	stream.linear.gather [hbm4b:s19+s12], $0x3000, $0x38;
	[tilespmem:$0x18100] =	vst v63  }
0xed: {  	_ = 	snop  }
0xee: {  	[tilespmem:s31], [sflag:$0x1] =	stream.linear.gather [hbm4b:s23+s12], $0x3000, $0x38;
	[tilespmem:$0x18100] =	vst v63  }
0xef: {  	_ = 	snop  }
0xf0: {  	[tilespmem:s1], [sflag:$0x1] =	stream.linear.gather [hbm4b:s24+s12], $0x3000, $0x38;
	[tilespmem:$0x18100] =	vst v63  }
0xf1: {  	_ =	swait.ge [sflag:s7], $0x3000  }
0xf2: {  	[sflag:s7] =	ssyncset.done $0x0  }
0xf3: {  	[sflag:s7] =	ssyncadd.s32 $0xFFFFD000  }
0xf4: {  	_ =	swait.ge [sflag:s7], $0x3000  }
0xf5: {  	[sflag:s7] =	ssyncset.done $0x0  }
0xf6: {  	[sflag:s7] =	ssyncadd.s32 $0xFFFFD000  }
0xf7: {  	vm2 =	vgt.f32 v3, $0.0e+00;
	vm1 =	vgt.f32 v1, $0.0e+00;
	vm0 =	vgt.f32 v0, $0.0e+00;
	_ =	swait.ge [sflag:s7], $0x3000  }
0xf8: {  	vm3 =	vgt.f32 v7, $0.0e+00;
	v26 =	vsub.f32 v8, v9;
	v27 =	vsub.f32 v2, v4;
	[sflag:s7] =	ssyncset.done $0x0  }
0xf9: {  	vm4 =	vgt.f32 v10, $0.0e+00;
	v4 =	vsub.f32 v13, v15;
	v9 =	vsub.f32 v11, v12;
	[sflag:s7] =	ssyncadd.s32 $0xFFFFD000  }
0xfa: {  	v2 =	vsub.f32 v14, v16;
	v14 =	vand.u32 $0x7FFFFFFF, v27;
	v1 =	vsub.f32 v17, v18;
	_ =	swait.ge [sflag:s7], $0x3000  }
0xfb: {  	v13 =	vand.u32 $0x7FFFFFFF, v26;
	v11 =	vmul.f32 $5.000000000e-01, v26;
	v15 =	vmul.f32 $5.000000000e-01, v27;
	[sflag:s7] =	ssyncset.done $0x0  }
0xfc: {  	s10 =	simm.s32 $0x0;
	v8 =	vand.u32 $0x7FFFFFFF, v4;
	v12 =	vand.u32 $0x7FFFFFFF, v9;
	v3 =	vmul.f32 $5.000000000e-01, v1;
	[sflag:s7] =	ssyncadd.s32 $0xFFFFD000  }
0xfd: {  	v10 =	vmul.f32 $5.000000000e-01, v4;
	v62 =	vmul.f32 $5.000000000e-01, v9;
	v29 =	vadd.f32 $-5.000000000e-01, v14;
	v0 =	vld [tilespmem:s10+$0x12040]  }
0xfe: {  	v17 =	vmul.f32 $5.000000000e-01, v2;
	v16 =	vand.u32 $0x7FFFFFFF, v1;
	v18 =	vmul.f32 v3, v1;
	v1 =	vld [tilespmem:s10+$0x12030]  }
0xff: {  	vm11 =	vlt.f32 v8, $1.000000000e+00;
	vm12 =	vlt.f32 v12, $1.000000000e+00;
	v28 =	vadd.f32 $-5.000000000e-01, v16;
	v3 =	vld [tilespmem:s10+$0x12020]  }
0x100: {  	v7 =	vand.u32 $0x7FFFFFFF, v2;
	v17 =	vmul.f32 v17, v2;
	vm5 =	vlt.f32 v16, $1.000000000e+00;
	v2 =	vld [tilespmem:s10+$0xC050]  }
0x101: {  	v10 =	vmul.f32 v10, v4;
	v16 =	vsel vm5, v18, v28;
	v18 =	vadd.f32 $-5.000000000e-01, v7;
	v4 =	vld [tilespmem:s10+$0xF050]  }
0x102: {  	vm10 =	vlt.f32 v7, $1.000000000e+00;
	v6 =	vadd.f32 v25, v6;
	v16 =	vnsel vm4, $0x0, v16;
	v7 =	vld [tilespmem:s10+$0x12010]  }
0x103: {  	v5 =	vadd.f32 v16, v5;
	v16 =	vadd.f32 $-5.000000000e-01, v8;
	v17 =	vsel vm10, v17, v18;
	v8 =	vld [tilespmem:s10+$0xC040]  }
0x104: {  	v63 =	vmul.f32 v62, v9;
	v6 =	vadd.f32 v24, v6;
	v17 =	vnsel vm3, $0x0, v17;
	v9 =	vld [tilespmem:s10+$0xF040]  }
0x105: {  	v18 =	vadd.f32 $-5.000000000e-01, v12;
	v5 =	vadd.f32 v17, v5;
	v16 =	vsel vm11, v10, v16;
	v10 =	vld [tilespmem:s10+$0x12000]  }
0x106: {  	v6 =	vadd.f32 v23, v6;
	v17 =	vmul.f32 v11, v26;
	v16 =	vnsel vm2, $0x0, v16;
	v11 =	vld [tilespmem:s10+$0xC030]  }
0x107: {  	v30 =	vadd.f32 $-5.000000000e-01, v13;
	v5 =	vadd.f32 v16, v5;
	v16 =	vsel vm12, v63, v18;
	v12 =	vld [tilespmem:s10+$0xF030]  }
0x108: {  	vm13 =	vlt.f32 v13, $1.000000000e+00;
	v6 =	vadd.f32 v22, v6;
	v16 =	vnsel vm1, $0x0, v16;
	v13 =	vld [tilespmem:s10+$0xC020]  }
0x109: {  	v18 =	vmul.f32 v15, v27;
	v5 =	vadd.f32 v16, v5;
	v16 =	vsel vm13, v17, v30;
	v15 =	vld [tilespmem:s10+$0xF020]  }
0x10a: {  	vm14 =	vlt.f32 v14, $1.000000000e+00;
	vm15 =	vgt.f32 v21, $0.0e+00;
	v16 =	vnsel vm0, $0x0, v16;
	v14 =	vld [tilespmem:s10+$0xC010]  }
0x10b: {  	v6 =	vadd.f32 v20, v6;
	v17 =	vsel vm14, v18, v29;
	v5 =	vadd.f32 v16, v5;
	v16 =	vld [tilespmem:s10+$0xF010]  }
0x10c: {  	v18 =	vnsel vm15, $0x0, v17;
	v17 =	vld [tilespmem:s10+$0xC000]  }
0x10d: {  	s11 =	simm.s32 $0x200;
	v6 =	vadd.f32 v19, v6;
	v5 =	vadd.f32 v18, v5;
	v18 =	vld [tilespmem:s10+$0xF000]  }
.LBB2_8:
0x10e: {  	p0 =	sne.s32 s11, $0xBE00;
	v19 =	vld [tilespmem:s10+$0x15050]  }
0x10f: {  	vm2 =	vgt.f32 v3, $0.0e+00;
	vm1 =	vgt.f32 v1, $0.0e+00;
	vm0 =	vgt.f32 v0, $0.0e+00;
	v20 =	vld [tilespmem:s10+$0x15040]  }
0x110: {  	vm3 =	vgt.f32 v7, $0.0e+00;
	v21 =	vsub.f32 v8, v9;
	v22 =	vsub.f32 v2, v4;
	v23 =	vld [tilespmem:s10+$0x12050]  }
0x111: {  	s12 =	sshra.s32 s11, $0x2;
	vm4 =	vgt.f32 v10, $0.0e+00;
	v8 =	vsub.f32 v13, v15;
	v10 =	vsub.f32 v11, v12;
	v24 =	vld [tilespmem:s10+$0x15030]  }
0x112: {  	v7 =	vsub.f32 v14, v16;
	v16 =	vand.u32 $0x7FFFFFFF, v22;
	v0 =	vld [tilespmem:s12+$0x12040];
	v2 =	vsub.f32 v17, v18  }
0x113: {  	v14 =	vand.u32 $0x7FFFFFFF, v21;
	v12 =	vmul.f32 $5.000000000e-01, v21;
	v15 =	vmul.f32 $5.000000000e-01, v22;
	v13 =	vld [tilespmem:s10+$0x15020]  }
0x114: {  	v11 =	vand.u32 $0x7FFFFFFF, v8;
	v17 =	vand.u32 $0x7FFFFFFF, v10;
	v18 =	vmul.f32 $5.000000000e-01, v10;
	v1 =	vld [tilespmem:s12+$0x12030]  }
0x115: {  	v26 =	vmul.f32 $5.000000000e-01, v8;
	v9 =	vand.u32 $0x7FFFFFFF, v7;
	v4 =	vmul.f32 $5.000000000e-01, v2;
	v25 =	vld [tilespmem:s10+$0x15010]  }
0x116: {  	v30 =	vadd.f32 $-5.000000000e-01, v16;
	v29 =	vmul.f32 $5.000000000e-01, v7;
	v27 =	vand.u32 $0x7FFFFFFF, v2;
	v28 =	vld [tilespmem:s10+$0x15000];
	s10 =	smov.u32 s12  }
0x117: {  	v33 =	vadd.f32 $-5.000000000e-01, v14;
	v32 =	vadd.f32 $-5.000000000e-01, v27;
	v31 =	vmul.f32 v4, v2;
	v3 =	vld [tilespmem:s10+$0x12020]  }
0x118: {  	v34 =	vadd.f32 $-5.000000000e-01, v17;
	vm5 =	vlt.f32 v27, $1.000000000e+00;
	v27 =	vadd.f32 $-5.000000000e-01, v11;
	v2 =	vld [tilespmem:s10+$0xC050]  }
0x119: {  	v29 =	vmul.f32 v29, v7;
	v31 =	vsel vm5, v31, v32;
	v32 =	vadd.f32 $-5.000000000e-01, v9;
	v4 =	vld [tilespmem:s10+$0xF050]  }
0x11a: {  	v26 =	vmul.f32 v26, v8;
	v31 =	vnsel vm4, $0x0, v31;
	vm4 =	vlt.f32 v9, $1.000000000e+00;
	v7 =	vld [tilespmem:s10+$0x12010]  }
0x11b: {  	v5 =	vadd.f32 v31, v5;
	v8 =	vld [tilespmem:s10+$0xC040];
	v6 =	vadd.f32 v28, v6;
	v28 =	vsel vm4, v29, v32  }
0x11c: {  	v18 =	vmul.f32 v18, v10;
	v9 =	vld [tilespmem:s10+$0xF040];
	v28 =	vnsel vm3, $0x0, v28;
	vm3 =	vlt.f32 v11, $1.000000000e+00  }
0x11d: {  	v10 =	vld [tilespmem:s10+$0x12000];
	v5 =	vadd.f32 v28, v5;
	v6 =	vadd.f32 v25, v6;
	v25 =	vsel vm3, v26, v27  }
0x11e: {  	v11 =	vld [tilespmem:s10+$0xC030];
	v25 =	vnsel vm2, $0x0, v25;
	vm2 =	vlt.f32 v17, $1.000000000e+00;
	v17 =	vmul.f32 v12, v21  }
0x11f: {  	v12 =	vld [tilespmem:s10+$0xF030];
	v5 =	vadd.f32 v25, v5;
	v6 =	vadd.f32 v13, v6;
	v18 =	vsel vm2, v18, v34  }
0x120: {  	v21 =	vmul.f32 v15, v22;
	v13 =	vld [tilespmem:s10+$0xC020];
	v18 =	vnsel vm1, $0x0, v18;
	vm1 =	vlt.f32 v14, $1.000000000e+00  }
.Ltmp3:
0x121: {  	v15 =	vld [tilespmem:s10+$0xF020];
	v5 =	vadd.f32 v18, v5;
	v6 =	vadd.f32 v24, v6;
	v17 =	vsel vm1, v17, v33;
	(pc) =	sbr.rel @p0 .LBB2_8-.Ltmp3, $4  }
0x122: {  	vm1 =	vgt.f32 v23, $0.0e+00;
	v14 =	vld [tilespmem:s10+$0xC010];
	v17 =	vnsel vm0, $0x0, v17;
	vm0 =	vlt.f32 v16, $1.000000000e+00  }
0x123: {  	v16 =	vld [tilespmem:s10+$0xF010];
	v5 =	vadd.f32 v17, v5;
	v6 =	vadd.f32 v20, v6;
	v18 =	vsel vm0, v21, v30  }
0x124: {  	v17 =	vld [tilespmem:s10+$0xC000];
	v20 =	vnsel vm1, $0x0, v18  }
0x125: {  	s11 =	sadd.s32 $0x200, s11;
	v18 =	vld [tilespmem:s10+$0xF000];
	v5 =	vadd.f32 v20, v5;
	v6 =	vadd.f32 v19, v6  }
0x126: {  	v19 =	vld [tilespmem:s10+$0x15050]  }
0x127: {  	v20 =	vld [tilespmem:s10+$0x15040]  }
0x128: {  	v21 =	vld [tilespmem:s10+$0x12050]  }
0x129: {  	v22 =	vld [tilespmem:s10+$0x15030]  }
0x12a: {  	v23 =	vld [tilespmem:s10+$0x15020]  }
0x12b: {  	v24 =	vld [tilespmem:s10+$0x15010];
	s12 =	simm.s32 $0x0  }
0x12c: {  	v25 =	vld [tilespmem:s10+$0x15000];
	[tilespmem:s0], [sflag:$0x2] =	stream.linear.gather [hbm4b:s20+s12], $0x3000, $0x38  }
0x12d: {  	_ = 	snop  }
0x12e: {  	[tilespmem:s3], [sflag:$0x2] =	stream.linear.gather [hbm4b:s21+s12], $0x3000, $0x38;
	[tilespmem:$0x18100] =	vst v63  }
0x12f: {  	_ = 	snop  }
0x130: {  	[tilespmem:s4], [sflag:$0x2] =	stream.linear.gather [hbm4b:s25+s12], $0x3000, $0x38;
	[tilespmem:$0x18100] =	vst v63  }
0x131: {  	_ = 	snop  }
0x132: {  	[tilespmem:s5], [sflag:$0x2] =	stream.linear.gather [hbm4b:s26+s12], $0x3000, $0x38;
	[tilespmem:$0x18100] =	vst v63  }
0x133: {  	_ =	swait.ge [sflag:s6], $0x3000  }
0x134: {  	[sflag:s6] =	ssyncset.done $0x0  }
0x135: {  	[sflag:s6] =	ssyncadd.s32 $0xFFFFD000  }
0x136: {  	_ =	swait.ge [sflag:s6], $0x3000  }
0x137: {  	[sflag:s6] =	ssyncset.done $0x0  }
0x138: {  	[sflag:s6] =	ssyncadd.s32 $0xFFFFD000  }
0x139: {  	vm2 =	vgt.f32 v3, $0.0e+00;
	vm1 =	vgt.f32 v1, $0.0e+00;
	vm0 =	vgt.f32 v0, $0.0e+00;
	_ =	swait.ge [sflag:s6], $0x3000  }
0x13a: {  	vm3 =	vgt.f32 v7, $0.0e+00;
	v26 =	vsub.f32 v8, v9;
	v27 =	vsub.f32 v2, v4;
	[sflag:s6] =	ssyncset.done $0x0  }
0x13b: {  	vm4 =	vgt.f32 v10, $0.0e+00;
	v4 =	vsub.f32 v13, v15;
	v9 =	vsub.f32 v11, v12;
	[sflag:s6] =	ssyncadd.s32 $0xFFFFD000  }
0x13c: {  	v2 =	vsub.f32 v14, v16;
	v14 =	vand.u32 $0x7FFFFFFF, v27;
	v1 =	vsub.f32 v17, v18;
	_ =	swait.ge [sflag:s6], $0x3000  }
0x13d: {  	v13 =	vand.u32 $0x7FFFFFFF, v26;
	v11 =	vmul.f32 $5.000000000e-01, v26;
	v15 =	vmul.f32 $5.000000000e-01, v27;
	[sflag:s6] =	ssyncset.done $0x0  }
0x13e: {  	s10 =	simm.s32 $0x0;
	v8 =	vand.u32 $0x7FFFFFFF, v4;
	v12 =	vand.u32 $0x7FFFFFFF, v9;
	v3 =	vmul.f32 $5.000000000e-01, v1;
	[sflag:s6] =	ssyncadd.s32 $0xFFFFD000  }
0x13f: {  	v10 =	vmul.f32 $5.000000000e-01, v4;
	v62 =	vmul.f32 $5.000000000e-01, v9;
	v29 =	vadd.f32 $-5.000000000e-01, v14;
	v0 =	vld [tilespmem:s10+$0x6040]  }
0x140: {  	v17 =	vmul.f32 $5.000000000e-01, v2;
	v16 =	vand.u32 $0x7FFFFFFF, v1;
	v18 =	vmul.f32 v3, v1;
	v1 =	vld [tilespmem:s10+$0x6030]  }
0x141: {  	vm11 =	vlt.f32 v8, $1.000000000e+00;
	vm12 =	vlt.f32 v12, $1.000000000e+00;
	v28 =	vadd.f32 $-5.000000000e-01, v16;
	v3 =	vld [tilespmem:s10+$0x6020]  }
0x142: {  	v7 =	vand.u32 $0x7FFFFFFF, v2;
	v17 =	vmul.f32 v17, v2;
	vm5 =	vlt.f32 v16, $1.000000000e+00;
	v2 =	vld [tilespmem:s10+$0x50]  }
0x143: {  	v10 =	vmul.f32 v10, v4;
	v16 =	vsel vm5, v18, v28;
	v18 =	vadd.f32 $-5.000000000e-01, v7;
	v4 =	vld [tilespmem:s10+$0x3050]  }
0x144: {  	vm10 =	vlt.f32 v7, $1.000000000e+00;
	v6 =	vadd.f32 v25, v6;
	v16 =	vnsel vm4, $0x0, v16;
	v7 =	vld [tilespmem:s10+$0x6010]  }
0x145: {  	v5 =	vadd.f32 v16, v5;
	v16 =	vadd.f32 $-5.000000000e-01, v8;
	v17 =	vsel vm10, v17, v18;
	v8 =	vld [tilespmem:s10+$0x40]  }
0x146: {  	v63 =	vmul.f32 v62, v9;
	v6 =	vadd.f32 v24, v6;
	v17 =	vnsel vm3, $0x0, v17;
	v9 =	vld [tilespmem:s10+$0x3040]  }
0x147: {  	v18 =	vadd.f32 $-5.000000000e-01, v12;
	v5 =	vadd.f32 v17, v5;
	v16 =	vsel vm11, v10, v16;
	v10 =	vld [tilespmem:s10+$0x6000]  }
0x148: {  	v6 =	vadd.f32 v23, v6;
	v17 =	vmul.f32 v11, v26;
	v16 =	vnsel vm2, $0x0, v16;
	v11 =	vld [tilespmem:s10+$0x30]  }
0x149: {  	v30 =	vadd.f32 $-5.000000000e-01, v13;
	v5 =	vadd.f32 v16, v5;
	v16 =	vsel vm12, v63, v18;
	v12 =	vld [tilespmem:s10+$0x3030]  }
0x14a: {  	vm13 =	vlt.f32 v13, $1.000000000e+00;
	v6 =	vadd.f32 v22, v6;
	v16 =	vnsel vm1, $0x0, v16;
	v13 =	vld [tilespmem:s10+$0x20]  }
0x14b: {  	v18 =	vmul.f32 v15, v27;
	v5 =	vadd.f32 v16, v5;
	v16 =	vsel vm13, v17, v30;
	v15 =	vld [tilespmem:s10+$0x3020]  }
0x14c: {  	vm14 =	vlt.f32 v14, $1.000000000e+00;
	vm15 =	vgt.f32 v21, $0.0e+00;
	v16 =	vnsel vm0, $0x0, v16;
	v14 =	vld [tilespmem:s10+$0x10]  }
0x14d: {  	v6 =	vadd.f32 v20, v6;
	v17 =	vsel vm14, v18, v29;
	v5 =	vadd.f32 v16, v5;
	v16 =	vld [tilespmem:s10+$0x3010]  }
0x14e: {  	v18 =	vnsel vm15, $0x0, v17;
	v17 =	vld [tilespmem:s10+$0x0]  }
0x14f: {  	s11 =	simm.s32 $0x200;
	v6 =	vadd.f32 v19, v6;
	v5 =	vadd.f32 v18, v5;
	v18 =	vld [tilespmem:s10+$0x3000]  }
.LBB2_10:
0x150: {  	p0 =	sne.s32 s11, $0xBE00;
	v19 =	vld [tilespmem:s10+$0x9050]  }
0x151: {  	vm2 =	vgt.f32 v3, $0.0e+00;
	vm1 =	vgt.f32 v1, $0.0e+00;
	vm0 =	vgt.f32 v0, $0.0e+00;
	v20 =	vld [tilespmem:s10+$0x9040]  }
0x152: {  	vm3 =	vgt.f32 v7, $0.0e+00;
	v21 =	vsub.f32 v8, v9;
	v22 =	vsub.f32 v2, v4;
	v23 =	vld [tilespmem:s10+$0x6050]  }
0x153: {  	s12 =	sshra.s32 s11, $0x2;
	vm4 =	vgt.f32 v10, $0.0e+00;
	v8 =	vsub.f32 v13, v15;
	v10 =	vsub.f32 v11, v12;
	v24 =	vld [tilespmem:s10+$0x9030]  }
0x154: {  	v7 =	vsub.f32 v14, v16;
	v16 =	vand.u32 $0x7FFFFFFF, v22;
	v0 =	vld [tilespmem:s12+$0x6040];
	v2 =	vsub.f32 v17, v18  }
0x155: {  	v14 =	vand.u32 $0x7FFFFFFF, v21;
	v12 =	vmul.f32 $5.000000000e-01, v21;
	v15 =	vmul.f32 $5.000000000e-01, v22;
	v13 =	vld [tilespmem:s10+$0x9020]  }
0x156: {  	v11 =	vand.u32 $0x7FFFFFFF, v8;
	v17 =	vand.u32 $0x7FFFFFFF, v10;
	v18 =	vmul.f32 $5.000000000e-01, v10;
	v1 =	vld [tilespmem:s12+$0x6030]  }
0x157: {  	v26 =	vmul.f32 $5.000000000e-01, v8;
	v9 =	vand.u32 $0x7FFFFFFF, v7;
	v4 =	vmul.f32 $5.000000000e-01, v2;
	v25 =	vld [tilespmem:s10+$0x9010]  }
0x158: {  	v30 =	vadd.f32 $-5.000000000e-01, v16;
	v29 =	vmul.f32 $5.000000000e-01, v7;
	v27 =	vand.u32 $0x7FFFFFFF, v2;
	v28 =	vld [tilespmem:s10+$0x9000];
	s10 =	smov.u32 s12  }
0x159: {  	v33 =	vadd.f32 $-5.000000000e-01, v14;
	v32 =	vadd.f32 $-5.000000000e-01, v27;
	v31 =	vmul.f32 v4, v2;
	v3 =	vld [tilespmem:s10+$0x6020]  }
0x15a: {  	v34 =	vadd.f32 $-5.000000000e-01, v17;
	vm5 =	vlt.f32 v27, $1.000000000e+00;
	v27 =	vadd.f32 $-5.000000000e-01, v11;
	v2 =	vld [tilespmem:s10+$0x50]  }
0x15b: {  	v29 =	vmul.f32 v29, v7;
	v31 =	vsel vm5, v31, v32;
	v32 =	vadd.f32 $-5.000000000e-01, v9;
	v4 =	vld [tilespmem:s10+$0x3050]  }
0x15c: {  	v26 =	vmul.f32 v26, v8;
	v31 =	vnsel vm4, $0x0, v31;
	vm4 =	vlt.f32 v9, $1.000000000e+00;
	v7 =	vld [tilespmem:s10+$0x6010]  }
0x15d: {  	v5 =	vadd.f32 v31, v5;
	v8 =	vld [tilespmem:s10+$0x40];
	v6 =	vadd.f32 v28, v6;
	v28 =	vsel vm4, v29, v32  }
0x15e: {  	v18 =	vmul.f32 v18, v10;
	v9 =	vld [tilespmem:s10+$0x3040];
	v28 =	vnsel vm3, $0x0, v28;
	vm3 =	vlt.f32 v11, $1.000000000e+00  }
0x15f: {  	v10 =	vld [tilespmem:s10+$0x6000];
	v5 =	vadd.f32 v28, v5;
	v6 =	vadd.f32 v25, v6;
	v25 =	vsel vm3, v26, v27  }
0x160: {  	v11 =	vld [tilespmem:s10+$0x30];
	v25 =	vnsel vm2, $0x0, v25;
	vm2 =	vlt.f32 v17, $1.000000000e+00;
	v17 =	vmul.f32 v12, v21  }
0x161: {  	v12 =	vld [tilespmem:s10+$0x3030];
	v5 =	vadd.f32 v25, v5;
	v6 =	vadd.f32 v13, v6;
	v18 =	vsel vm2, v18, v34  }
0x162: {  	v21 =	vmul.f32 v15, v22;
	v13 =	vld [tilespmem:s10+$0x20];
	v18 =	vnsel vm1, $0x0, v18;
	vm1 =	vlt.f32 v14, $1.000000000e+00  }
.Ltmp4:
0x163: {  	v15 =	vld [tilespmem:s10+$0x3020];
	v5 =	vadd.f32 v18, v5;
	v6 =	vadd.f32 v24, v6;
	v17 =	vsel vm1, v17, v33;
	(pc) =	sbr.rel @p0 .LBB2_10-.Ltmp4, $4  }
0x164: {  	vm1 =	vgt.f32 v23, $0.0e+00;
	v14 =	vld [tilespmem:s10+$0x10];
	v17 =	vnsel vm0, $0x0, v17;
	vm0 =	vlt.f32 v16, $1.000000000e+00  }
0x165: {  	v16 =	vld [tilespmem:s10+$0x3010];
	v5 =	vadd.f32 v17, v5;
	v6 =	vadd.f32 v20, v6;
	v18 =	vsel vm0, v21, v30  }
0x166: {  	v17 =	vld [tilespmem:s10+$0x0];
	v20 =	vnsel vm1, $0x0, v18  }
0x167: {  	s11 =	sadd.s32 $0x200, s11;
	v18 =	vld [tilespmem:s10+$0x3000];
	v5 =	vadd.f32 v20, v5;
	v6 =	vadd.f32 v19, v6  }
0x168: {  	v19 =	vld [tilespmem:s10+$0x9050]  }
0x169: {  	v20 =	vld [tilespmem:s10+$0x9040]  }
0x16a: {  	v21 =	vld [tilespmem:s10+$0x6050]  }
0x16b: {  	v22 =	vld [tilespmem:s10+$0x9030]  }
0x16c: {  	v23 =	vld [tilespmem:s10+$0x9020]  }
0x16d: {  	v24 =	vld [tilespmem:s10+$0x9010]  }
0x16e: {  	v25 =	vld [tilespmem:s10+$0x9000];
	_ =	swait.ge [sflag:s7], $0x3000  }
0x16f: {  	[sflag:s7] =	ssyncset.done $0x0  }
0x170: {  	[sflag:s7] =	ssyncadd.s32 $0xFFFFD000  }
0x171: {  	_ =	swait.ge [sflag:s7], $0x3000  }
0x172: {  	[sflag:s7] =	ssyncset.done $0x0  }
0x173: {  	vm2 =	vgt.f32 v3, $0.0e+00;
	[sflag:s7] =	ssyncadd.s32 $0xFFFFD000  }
0x174: {  	vm1 =	vgt.f32 v1, $0.0e+00;
	vm3 =	vgt.f32 v7, $0.0e+00;
	v7 =	vsub.f32 v8, v9;
	_ =	swait.ge [sflag:s7], $0x3000  }
0x175: {  	vm0 =	vgt.f32 v0, $0.0e+00;
	v26 =	vsub.f32 v2, v4;
	v4 =	vsub.f32 v13, v15;
	[sflag:s7] =	ssyncset.done $0x0  }
0x176: {  	vm4 =	vgt.f32 v10, $0.0e+00;
	v9 =	vsub.f32 v11, v12;
	v2 =	vsub.f32 v14, v16;
	[sflag:s7] =	ssyncadd.s32 $0xFFFFD000  }
0x177: {  	v14 =	vand.u32 $0x7FFFFFFF, v26;
	v13 =	vand.u32 $0x7FFFFFFF, v7;
	v1 =	vsub.f32 v17, v18;
	_ =	swait.ge [sflag:s7], $0x3000  }
0x178: {  	v11 =	vmul.f32 $5.000000000e-01, v7;
	v15 =	vmul.f32 $5.000000000e-01, v26;
	v8 =	vand.u32 $0x7FFFFFFF, v4;
	[sflag:s7] =	ssyncset.done $0x0  }
0x179: {  	s10 =	simm.s32 $0x0;
	v12 =	vand.u32 $0x7FFFFFFF, v9;
	v16 =	vmul.f32 $5.000000000e-01, v4;
	v3 =	vmul.f32 $5.000000000e-01, v1;
	[sflag:s7] =	ssyncadd.s32 $0xFFFFD000  }
0x17a: {  	v29 =	vadd.f32 $-5.000000000e-01, v14;
	v30 =	vadd.f32 $-5.000000000e-01, v13;
	v17 =	vand.u32 $0x7FFFFFFF, v1;
	v0 =	vld [tilespmem:s10+$0x12040]  }
0x17b: {  	v18 =	vmul.f32 $5.000000000e-01, v2;
	v28 =	vadd.f32 $-5.000000000e-01, v17;
	v27 =	vmul.f32 v3, v1;
	v1 =	vld [tilespmem:s10+$0x12030]  }
0x17c: {  	v61 =	vadd.f32 $-5.000000000e-01, v8;
	vm11 =	vlt.f32 v8, $1.000000000e+00;
	vm5 =	vlt.f32 v17, $1.000000000e+00;
	v3 =	vld [tilespmem:s10+$0x12020]  }
0x17d: {  	v10 =	vand.u32 $0x7FFFFFFF, v2;
	v18 =	vmul.f32 v18, v2;
	v17 =	vsel vm5, v27, v28;
	v2 =	vld [tilespmem:s10+$0xC050]  }
0x17e: {  	v16 =	vmul.f32 v16, v4;
	v60 =	vadd.f32 $-5.000000000e-01, v10;
	v17 =	vnsel vm4, $0x0, v17;
	v4 =	vld [tilespmem:s10+$0xF050]  }
0x17f: {  	vm10 =	vlt.f32 v10, $1.000000000e+00;
	v10 =	vmul.f32 $5.000000000e-01, v9;
	v17 =	vadd.f32 v17, v5;
	v5 =	vld [tilespmem:s10+$0x12010]  }
0x180: {  	v62 =	vadd.f32 $-5.000000000e-01, v12;
	v6 =	vadd.f32 v25, v6;
	v18 =	vsel vm10, v18, v60;
	v8 =	vld [tilespmem:s10+$0xC040]  }
0x181: {  	vm12 =	vlt.f32 v12, $1.000000000e+00;
	v63 =	vmul.f32 v10, v9;
	v18 =	vnsel vm3, $0x0, v18;
	v10 =	vld [tilespmem:s10+$0xF040]  }
0x182: {  	v16 =	vsel vm11, v16, v61;
	v6 =	vadd.f32 v24, v6;
	v9 =	vld [tilespmem:s10+$0x12000];
	v17 =	vadd.f32 v18, v17  }
0x183: {  	vm13 =	vlt.f32 v13, $1.000000000e+00;
	v7 =	vmul.f32 v11, v7;
	v16 =	vnsel vm2, $0x0, v16;
	v11 =	vld [tilespmem:s10+$0xC030]  }
0x184: {  	v6 =	vadd.f32 v23, v6;
	v12 =	vld [tilespmem:s10+$0xF030];
	v16 =	vadd.f32 v16, v17;
	v17 =	vsel vm12, v63, v62  }
0x185: {  	vm14 =	vlt.f32 v14, $1.000000000e+00;
	v13 =	vld [tilespmem:s10+$0xC020];
	v18 =	vmul.f32 v15, v26;
	v17 =	vnsel vm1, $0x0, v17  }
0x186: {  	v7 =	vsel vm13, v7, v30;
	v6 =	vadd.f32 v22, v6;
	v14 =	vld [tilespmem:s10+$0xC010];
	v16 =	vadd.f32 v17, v16  }
0x187: {  	vm15 =	vgt.f32 v21, $0.0e+00;
	v7 =	vnsel vm0, $0x0, v7;
	v15 =	vld [tilespmem:s10+$0xF020];
	v17 =	vsel vm14, v18, v29  }
0x188: {  	v6 =	vadd.f32 v20, v6;
	v18 =	vnsel vm15, $0x0, v17;
	v17 =	vld [tilespmem:s10+$0xC000];
	v7 =	vadd.f32 v7, v16  }
0x189: {  	v16 =	vld [tilespmem:s10+$0xF010]  }
0x18a: {  	s11 =	simm.s32 $0x200;
	v6 =	vadd.f32 v19, v6;
	v7 =	vadd.f32 v18, v7;
	v18 =	vld [tilespmem:s10+$0xF000]  }
.LBB2_12:
0x18b: {  	p0 =	sne.s32 s11, $0xBE00;
	v19 =	vld [tilespmem:s10+$0x15050]  }
0x18c: {  	vm2 =	vgt.f32 v3, $0.0e+00;
	vm1 =	vgt.f32 v1, $0.0e+00;
	vm0 =	vgt.f32 v0, $0.0e+00;
	v20 =	vld [tilespmem:s10+$0x15040]  }
0x18d: {  	vm3 =	vgt.f32 v5, $0.0e+00;
	v21 =	vsub.f32 v8, v10;
	v22 =	vsub.f32 v2, v4;
	v23 =	vld [tilespmem:s10+$0x12050]  }
0x18e: {  	s12 =	sshra.s32 s11, $0x2;
	vm4 =	vgt.f32 v9, $0.0e+00;
	v8 =	vsub.f32 v13, v15;
	v9 =	vsub.f32 v11, v12;
	v24 =	vld [tilespmem:s10+$0x15030]  }
0x18f: {  	v5 =	vsub.f32 v14, v16;
	v16 =	vand.u32 $0x7FFFFFFF, v22;
	v0 =	vld [tilespmem:s12+$0x12040];
	v2 =	vsub.f32 v17, v18  }
0x190: {  	v14 =	vand.u32 $0x7FFFFFFF, v21;
	v12 =	vmul.f32 $5.000000000e-01, v21;
	v15 =	vmul.f32 $5.000000000e-01, v22;
	v13 =	vld [tilespmem:s10+$0x15020]  }
0x191: {  	v11 =	vand.u32 $0x7FFFFFFF, v8;
	v17 =	vand.u32 $0x7FFFFFFF, v9;
	v18 =	vmul.f32 $5.000000000e-01, v9;
	v1 =	vld [tilespmem:s12+$0x12030]  }
0x192: {  	v26 =	vmul.f32 $5.000000000e-01, v8;
	v10 =	vand.u32 $0x7FFFFFFF, v5;
	v4 =	vmul.f32 $5.000000000e-01, v2;
	v25 =	vld [tilespmem:s10+$0x15010]  }
0x193: {  	v30 =	vadd.f32 $-5.000000000e-01, v16;
	v29 =	vmul.f32 $5.000000000e-01, v5;
	v27 =	vand.u32 $0x7FFFFFFF, v2;
	v28 =	vld [tilespmem:s10+$0x15000];
	s10 =	smov.u32 s12  }
0x194: {  	v33 =	vadd.f32 $-5.000000000e-01, v14;
	v32 =	vadd.f32 $-5.000000000e-01, v27;
	v31 =	vmul.f32 v4, v2;
	v3 =	vld [tilespmem:s10+$0x12020]  }
0x195: {  	v34 =	vadd.f32 $-5.000000000e-01, v17;
	vm5 =	vlt.f32 v27, $1.000000000e+00;
	v27 =	vadd.f32 $-5.000000000e-01, v11;
	v2 =	vld [tilespmem:s10+$0xC050]  }
0x196: {  	v29 =	vmul.f32 v29, v5;
	v31 =	vsel vm5, v31, v32;
	v32 =	vadd.f32 $-5.000000000e-01, v10;
	v4 =	vld [tilespmem:s10+$0xF050]  }
0x197: {  	v26 =	vmul.f32 v26, v8;
	v31 =	vnsel vm4, $0x0, v31;
	vm4 =	vlt.f32 v10, $1.000000000e+00;
	v5 =	vld [tilespmem:s10+$0x12010]  }
0x198: {  	v7 =	vadd.f32 v31, v7;
	v8 =	vld [tilespmem:s10+$0xC040];
	v6 =	vadd.f32 v28, v6;
	v28 =	vsel vm4, v29, v32  }
0x199: {  	v18 =	vmul.f32 v18, v9;
	v10 =	vld [tilespmem:s10+$0xF040];
	v28 =	vnsel vm3, $0x0, v28;
	vm3 =	vlt.f32 v11, $1.000000000e+00  }
0x19a: {  	v9 =	vld [tilespmem:s10+$0x12000];
	v7 =	vadd.f32 v28, v7;
	v6 =	vadd.f32 v25, v6;
	v25 =	vsel vm3, v26, v27  }
0x19b: {  	v11 =	vld [tilespmem:s10+$0xC030];
	v25 =	vnsel vm2, $0x0, v25;
	vm2 =	vlt.f32 v17, $1.000000000e+00;
	v17 =	vmul.f32 v12, v21  }
0x19c: {  	v12 =	vld [tilespmem:s10+$0xF030];
	v7 =	vadd.f32 v25, v7;
	v6 =	vadd.f32 v13, v6;
	v18 =	vsel vm2, v18, v34  }
0x19d: {  	v21 =	vmul.f32 v15, v22;
	v13 =	vld [tilespmem:s10+$0xC020];
	v18 =	vnsel vm1, $0x0, v18;
	vm1 =	vlt.f32 v14, $1.000000000e+00  }
.Ltmp5:
0x19e: {  	v15 =	vld [tilespmem:s10+$0xF020];
	v7 =	vadd.f32 v18, v7;
	v6 =	vadd.f32 v24, v6;
	v17 =	vsel vm1, v17, v33;
	(pc) =	sbr.rel @p0 .LBB2_12-.Ltmp5, $4  }
0x19f: {  	vm1 =	vgt.f32 v23, $0.0e+00;
	v14 =	vld [tilespmem:s10+$0xC010];
	v17 =	vnsel vm0, $0x0, v17;
	vm0 =	vlt.f32 v16, $1.000000000e+00  }
0x1a0: {  	v16 =	vld [tilespmem:s10+$0xF010];
	v7 =	vadd.f32 v17, v7;
	v6 =	vadd.f32 v20, v6;
	v18 =	vsel vm0, v21, v30  }
0x1a1: {  	v17 =	vld [tilespmem:s10+$0xC000];
	v20 =	vnsel vm1, $0x0, v18  }
0x1a2: {  	s11 =	sadd.s32 $0x200, s11;
	v18 =	vld [tilespmem:s10+$0xF000];
	v7 =	vadd.f32 v20, v7;
	v6 =	vadd.f32 v19, v6  }
0x1a3: {  	vm2 =	vgt.f32 v3, $0.0e+00;
	vm1 =	vgt.f32 v1, $0.0e+00;
	vm0 =	vgt.f32 v0, $0.0e+00  }
0x1a4: {  	v37 =	vsub.f32 v8, v10;
	v38 =	vsub.f32 v2, v4;
	vm3 =	vgt.f32 v5, $0.0e+00  }
0x1a5: {  	v39 =	vsub.f32 v13, v15;
	v40 =	vsub.f32 v11, v12;
	vm4 =	vgt.f32 v9, $0.0e+00  }
0x1a6: {  	v42 =	vsub.f32 v14, v16;
	v43 =	vand.u32 $0x7FFFFFFF, v38;
	v44 =	vand.u32 $0x7FFFFFFF, v37  }
0x1a7: {  	v10 =	vmul.f32 $5.000000000e-01, v37;
	v45 =	vmul.f32 $5.000000000e-01, v38;
	v41 =	vsub.f32 v17, v18  }
0x1a8: {  	v46 =	vand.u32 $0x7FFFFFFF, v39;
	v47 =	vand.u32 $0x7FFFFFFF, v40;
	v48 =	vmul.f32 $5.000000000e-01, v40  }
0x1a9: {  	v20 =	vld [tilespmem:s10+$0x15000];
	v50 =	vmul.f32 $5.000000000e-01, v39;
	v21 =	vadd.f32 $-5.000000000e-01, v43;
	v49 =	vmul.f32 $5.000000000e-01, v41  }
0x1aa: {  	v22 =	vadd.f32 $-5.000000000e-01, v44;
	v52 =	vadd.f32 $-5.000000000e-01, v46;
	v18 =	vand.u32 $0x7FFFFFFF, v41  }
0x1ab: {  	v23 =	vld [tilespmem:s10+$0x15010];
	v19 =	vmul.f32 $5.000000000e-01, v42;
	v51 =	vadd.f32 $-5.000000000e-01, v18;
	v4 =	vmul.f32 v49, v41  }
0x1ac: {  	v54 =	vadd.f32 $-5.000000000e-01, v47;
	v16 =	vand.u32 $0x7FFFFFFF, v42;
	vm5 =	vlt.f32 v18, $1.000000000e+00  }
0x1ad: {  	v55 =	vld [tilespmem:s10+$0x15020];
	v53 =	vadd.f32 $-5.000000000e-01, v16;
	v5 =	vmul.f32 v19, v42;
	v4 =	vsel vm5, v4, v51  }
0x1ae: {  	vm10 =	vlt.f32 v16, $1.000000000e+00;
	v6 =	vadd.f32 v20, v6;
	v4 =	vnsel vm4, $0x0, v4  }
0x1af: {  	v56 =	vld [tilespmem:s10+$0x15030];
	v2 =	vmul.f32 v50, v39;
	v5 =	vsel vm10, v5, v53;
	v4 =	vadd.f32 v4, v7  }
0x1b0: {  	vm11 =	vlt.f32 v46, $1.000000000e+00;
	v6 =	vadd.f32 v23, v6;
	v5 =	vnsel vm3, $0x0, v5  }
0x1b1: {  	v58 =	vld [tilespmem:s10+$0x15040];
	v3 =	vmul.f32 v48, v40;
	v2 =	vsel vm11, v2, v52;
	v4 =	vadd.f32 v5, v4  }
0x1b2: {  	v57 =	vld [tilespmem:s10+$0x12050];
	vm12 =	vlt.f32 v47, $1.000000000e+00;
	v2 =	vnsel vm2, $0x0, v2;
	v59 =	vadd.f32 v55, v6  }
0x1b3: {  	v60 =	vld [tilespmem:s10+$0x15050];
	v0 =	vmul.f32 v10, v37;
	v3 =	vsel vm12, v3, v54;
	v2 =	vadd.f32 v2, v4  }
0x1b4: {  	vm13 =	vlt.f32 v44, $1.000000000e+00;
	v3 =	vnsel vm1, $0x0, v3;
	v61 =	vadd.f32 v56, v59  }
0x1b5: {  	v1 =	vmul.f32 v45, v38;
	v0 =	vsel vm13, v0, v22;
	v2 =	vadd.f32 v3, v2  }
0x1b6: {  	vm14 =	vlt.f32 v43, $1.000000000e+00;
	v0 =	vnsel vm0, $0x0, v0;
	v62 =	vadd.f32 v58, v61  }
0x1b7: {  	vm15 =	vgt.f32 v57, $0.0e+00;
	v1 =	vsel vm14, v1, v21;
	v0 =	vadd.f32 v0, v2  }
0x1b8: {  	v1 =	vnsel vm15, $0x0, v1;
	v63 =	vadd.f32 v60, v62  }
0x1b9: {  	s9 =	sadd.s32 $0x1, s9;
	v0 =	vadd.f32 v1, v0  }
0x1ba: {  	p0 =	sne.s32 s9, s29;
	[tilespmem:$0x18080] =	vst v63  }
.Ltmp6:
0x1bb: {  	s12 =	simm.s32 $0x18000;
	[tilespmem:$0x18000] =	vst v0;
	(pc) =	sbr.rel @p0 .LBB2_1-.Ltmp6, $4  }
0x1bc: {  	[hbm4b:s28+s2] =	stream.linear.scatter [tilespmem:s12], [sflag:$0x3], $0x100, $0x38;
	[tilespmem:$0x18100] =	vst v63  }
0x1bd: {  	_ =	swait.ge [sflag:s8], $0x100  }
0x1be: {  	[sflag:s8] =	ssyncset.done $0x0  }
0x1bf: {  	[sflag:s8] =	ssyncadd.s32 $0xFFFFFF00  }
0x1c0: {  	_ =	sfence.sel $0x180000  }
0x1c1: {  	[bflag:$0x0] =	sbarrier.arrive $0xFFFF  }
0x1c2: {  	_ =	strace $0x90000047  }
0x1c3: {  	s0 =	stileid.u32;
	[bflag:$0x2] =	sbarrier.arrive $0xFFFF  }
0x1c4: {  	p0 =	sne.s32 s0, $0x0;
	s0 =	rddreg [dreg:$0x3]  }
0x1c5: {  	s0 =	sadd.s32 @!p0 $0x100000, s0  }
0x1c6: {  	[sflag:s0] =	ssyncadd.tile.s32 @!p0 $0x1;
	_ =	shalt  }
.Lfunc_end2:
_tile_overlayer_lowered:
.L_overlay_start_2:
0x1c7: {  	(tag) =	ssettag $0x2  }
0x1c8: {  	s0 =	rddreg [dreg:$0x0];
	s2 =	stileid.u32  }
0x1c9: {  	s1 =	rddreg [dreg:$0x1];
	p0 =	sne.s32 s2, $0x0  }
0x1ca: {  	s3 =	rddreg [dreg:$0x2];
	[bflag:$0x3] =	sbarrier.arrive $0xFFFF;
	s2 =	simm.s32 @!p0 $0x1C03  }
0x1cb: {  	[timem:s3], [sflag:s2] =	dma.local @!p0 [hbm:s0], s1  }
0x1cc: {  	s0 =	simm.s32 @!p0 $0x3  }
0x1cd: {  	_ =	swait.ge @!p0 [sflag:s0], s1  }
0x1ce: {  	s1 =	ssub.s32 @!p0 $0x0, s1;
	[sflag:s0] =	ssyncset.done @!p0 $0x0  }
0x1cf: {  	[sflag:s0] =	ssyncadd.s32 @!p0 s1  }
0x1d0: {  	[bflag:$0x3] =	sbarrier.arrive $0xFFFF  }
0x1d1: {  	_ =	shalt  }

</sc_bundles>
